<compile_context>
chip_gen: v7x
topology: tpu7x:2x2x1
jax: 0.10.2.dev20260603
libtpu: 0.0.44.dev20260713+nightly
codegen_flags: <defaults>
</compile_context>

<pallas_src>
import jax
import jax.numpy as jnp
from jax import lax
from jax.experimental import pallas as pl
from jax.experimental.pallas import tpu as pltpu
from jax.experimental.pallas import tpu_sc as plsc

_N = 10000
_NPAD = 10240
_E = 320000
_B = 80
_TILES = 16
_W = 32
_EPT = _E // _TILES
_BLK = 2000
_NBLK = _EPT // _BLK
_SEL = 20160
_HALF = _NPAD // 2
_ACC_R = _HALF + 8
_TRASH = _HALF
_RPT = _HALF // _TILES


def _make_prop():
    mesh = plsc.VectorSubcoreMesh(core_axis_name="c", subcore_axis_name="s")

    def body(t, src_r, dst_r, out, srcb, dstb, src_sel, dst_self,
             rows0, rows1, acc, gsem0, gsem1):
        c = lax.axis_index("c")
        s = lax.axis_index("s")

        nbase = c * _HALF

        def vec(i, cur):
            vsrc = srcb[pl.ds(16 * i, 16)]
            vdst = dstb[pl.ds(16 * i, 16)] - nbase
            ok = (vdst >= 0) & (vdst < _HALF)
            plsc.store_compressed(src_sel.at[pl.ds(cur, 16)], vsrc, mask=ok)
            plsc.store_compressed(dst_self.at[pl.ds(cur, 16)], vdst, mask=ok)
            return cur + jnp.sum(jnp.where(ok, 1, 0))

        def block(b, cur):
            pltpu.sync_copy(src_r.at[s * _NBLK + b], srcb)
            pltpu.sync_copy(dst_r.at[s * _NBLK + b], dstb)
            return lax.fori_loop(0, _BLK // 16, vec, cur)

        cursor = lax.fori_loop(0, _NBLK, block, 0)

        zero_i = jnp.zeros((16,), jnp.int32)
        trash = jnp.full((16,), _TRASH, jnp.int32)
        for j in range(_B // 16):
            src_sel[pl.ds(cursor + 16 * j, 16)] = zero_i
            dst_self[pl.ds(cursor + 16 * j, 16)] = trash
        nch = (cursor + _B - 1) // _B

        zero = jnp.zeros((16,), jnp.float32)

        def zrow(i, carry):
            for j in range(128 // 16):
                rows0[i, pl.ds(j * 16, 16)] = zero
            return carry

        lax.fori_loop(0, _B, zrow, 0)
        base = s * _RPT
        for j in range(_RPT // _B):
            pltpu.sync_copy(rows0, acc.at[pl.ds(base + j * _B, _B)])

        @pl.when(s == 0)
        def _():
            pltpu.sync_copy(rows0.at[pl.ds(0, 8)], acc.at[pl.ds(_HALF, 8)])

        plsc.subcore_barrier()

        def gat(g, buf, sem):
            pltpu.async_copy(t.at[src_sel.at[pl.ds(g * _B, _B)]], buf, sem)

        def sca(g, buf):
            pltpu.sync_copy(buf, acc.at[dst_self.at[pl.ds(g * _B, _B)]],
                            add=True)

        @pl.when(nch > 0)
        def _():
            gat(0, rows0, gsem0)

        def pair(k, carry):
            g = 2 * k
            gat(g + 1, rows1, gsem1)
            pltpu.make_async_copy(t.at[src_sel.at[pl.ds(0, _B)]], rows0,
                                  gsem0).wait()
            sca(g, rows0)

            @pl.when(g + 2 < nch)
            def _():
                gat(g + 2, rows0, gsem0)

            pltpu.make_async_copy(t.at[src_sel.at[pl.ds(0, _B)]], rows1,
                                  gsem1).wait()
            sca(g + 1, rows1)
            return carry

        lax.fori_loop(0, nch // 2, pair, 0)

        @pl.when(nch % 2 == 1)
        def _():
            pltpu.make_async_copy(t.at[src_sel.at[pl.ds(0, _B)]], rows0,
                                  gsem0).wait()
            sca(nch - 1, rows0)

        plsc.subcore_barrier()
        pltpu.sync_copy(acc.at[pl.ds(base, _RPT)],
                        out.at[pl.ds(nbase + base, _RPT)])

    return pl.kernel(
        body,
        out_type=jax.ShapeDtypeStruct((_NPAD, 128), jnp.float32),
        mesh=mesh,
        compiler_params=pltpu.CompilerParams(needs_layout_passes=False),
        scratch_types=[
            pltpu.VMEM((_BLK,), jnp.int32),
            pltpu.VMEM((_BLK,), jnp.int32),
            pltpu.VMEM((_SEL,), jnp.int32),
            pltpu.VMEM((_SEL,), jnp.int32),
            pltpu.VMEM((_B, 128), jnp.float32),
            pltpu.VMEM((_B, 128), jnp.float32),
            pltpu.VMEM_SHARED((_ACC_R, 128), jnp.float32),
            pltpu.SemaphoreType.DMA,
            pltpu.SemaphoreType.DMA,
        ],
    )


def _make_deg():
    mesh = plsc.VectorSubcoreMesh(core_axis_name="c", subcore_axis_name="s")
    epw = _E // _W

    def body(dst_r, out, dst_v, hist):
        c = lax.axis_index("c")
        s = lax.axis_index("s")
        wid = c * _TILES + s
        pltpu.sync_copy(dst_r.at[wid], dst_v)

        zero = jnp.zeros((16,), jnp.float32)

        def zrow(i, carry):
            hist[pl.ds(i * 16, 16)] = zero
            return carry

        lax.fori_loop(0, _NPAD // 16, zrow, 0)

        one = jnp.ones((16,), jnp.float32)

        def step(i, carry):
            idx = dst_v[pl.ds(i * 16, 16)]
            plsc.addupdate_scatter(hist, [idx], one)
            return carry

        lax.fori_loop(0, epw // 16, step, 0)
        pltpu.sync_copy(hist, out.at[wid])

    return pl.kernel(
        body,
        out_type=jax.ShapeDtypeStruct((_W, _NPAD), jnp.float32),
        mesh=mesh,
        compiler_params=pltpu.CompilerParams(needs_layout_passes=False),
        scratch_types=[
            pltpu.VMEM((epw,), jnp.int32),
            pltpu.VMEM((_NPAD,), jnp.float32),
        ],
    )


_PROP = _make_prop()
_DEG = _make_deg()

_RB = 1000
_GRID = _N // _RB


def _tc_a(x, hists):

    def body(x_r, h_r, t0_r, dv_r):
        d = jnp.sum(h_r[...], axis=1)
        dinv_row = jnp.where(d > 0.0, lax.rsqrt(jnp.maximum(d, 1.0)), 0.0)
        dinv = jnp.transpose(dinv_row)
        t0_r[...] = x_r[...] * dinv
        dv_r[...] = dinv

    return pl.pallas_call(
        body,
        grid=(_GRID,),
        in_specs=[
            pl.BlockSpec((_RB, 128), lambda i: (i, 0)),
            pl.BlockSpec((1, _W, _RB), lambda i: (i, 0, 0)),
        ],
        out_specs=[
            pl.BlockSpec((_RB, 128), lambda i: (i, 0)),
            pl.BlockSpec((_RB, 1), lambda i: (i, 0)),
        ],
        out_shape=[
            jax.ShapeDtypeStruct((_N, 128), jnp.float32),
            jax.ShapeDtypeStruct((_N, 1), jnp.float32),
        ],
    )(x, hists)


def _tc_b(p, dinv, w1a, b1a, w1b, b1b):

    def body(p_r, dv_r, wa_r, ba_r, wb_r, bb_r, t2a_r, t2b_r):
        dv = dv_r[...]
        px = p_r[...] * dv
        ha = jnp.maximum(
            jnp.dot(px, wa_r[...], preferred_element_type=jnp.float32)
            + ba_r[...], 0.0)
        hb = jnp.maximum(
            jnp.dot(px, wb_r[...], preferred_element_type=jnp.float32)
            + bb_r[...], 0.0)
        t2a_r[...] = ha * dv
        t2b_r[...] = hb * dv

    return pl.pallas_call(
        body,
        grid=(_GRID,),
        in_specs=[
            pl.BlockSpec((_RB, 128), lambda i: (i, 0)),
            pl.BlockSpec((_RB, 1), lambda i: (i, 0)),
            pl.BlockSpec((128, 128), lambda i: (0, 0)),
            pl.BlockSpec((1, 128), lambda i: (0, 0)),
            pl.BlockSpec((128, 128), lambda i: (0, 0)),
            pl.BlockSpec((1, 128), lambda i: (0, 0)),
        ],
        out_specs=[
            pl.BlockSpec((_RB, 128), lambda i: (i, 0)),
            pl.BlockSpec((_RB, 128), lambda i: (i, 0)),
        ],
        out_shape=[
            jax.ShapeDtypeStruct((_N, 128), jnp.float32),
            jax.ShapeDtypeStruct((_N, 128), jnp.float32),
        ],
    )(p, dinv, w1a, b1a, w1b, b1b)


def _tc_c(qa, qb, dinv, w2a, b2a, w2b, b2b):

    def body(qa_r, qb_r, dv_r, wa_r, ba_r, wb_r, bb_r, o1_r, o2_r):
        dv = dv_r[...]
        for q_r, w_r, b_r, o_r in ((qa_r, wa_r, ba_r, o1_r),
                                   (qb_r, wb_r, bb_r, o2_r)):
            s2 = q_r[...] * dv
            z = jnp.dot(s2, w_r[...], preferred_element_type=jnp.float32) \
                + b_r[...]
            m = jnp.max(z, axis=-1, keepdims=True)
            lse = jnp.log(jnp.sum(jnp.exp(z - m), axis=-1, keepdims=True)) + m
            o_r[...] = z - lse

    return pl.pallas_call(
        body,
        grid=(_GRID,),
        in_specs=[
            pl.BlockSpec((_RB, 128), lambda i: (i, 0)),
            pl.BlockSpec((_RB, 128), lambda i: (i, 0)),
            pl.BlockSpec((_RB, 1), lambda i: (i, 0)),
            pl.BlockSpec((128, 64), lambda i: (0, 0)),
            pl.BlockSpec((1, 64), lambda i: (0, 0)),
            pl.BlockSpec((128, 64), lambda i: (0, 0)),
            pl.BlockSpec((1, 64), lambda i: (0, 0)),
        ],
        out_specs=[
            pl.BlockSpec((_RB, 64), lambda i: (i, 0)),
            pl.BlockSpec((_RB, 64), lambda i: (i, 0)),
        ],
        out_shape=[
            jax.ShapeDtypeStruct((_N, 64), jnp.float32),
            jax.ShapeDtypeStruct((_N, 64), jnp.float32),
        ],
    )(qa, qb, dinv, w2a, b2a, w2b, b2b)


def kernel(x, edge_index, W1a, b1a, W2a, b2a, W1b, b1b, W2b, b2b):
    src = edge_index[0].reshape(_TILES * _NBLK, _BLK)
    dst = edge_index[1].reshape(_TILES * _NBLK, _BLK)
    dst_flat = edge_index[1].reshape(_W, _E // _W)

    hists = _DEG(dst_flat)
    hists_t = jnp.transpose(hists[:, :_N].reshape(_W, _GRID, _RB), (1, 0, 2))
    t0, dinv = _tc_a(x, hists_t)
    p = _PROP(t0, src, dst)
    t2a, t2b = _tc_b(p[:_N], dinv, W1a, b1a.reshape(1, 128),
                     W1b, b1b.reshape(1, 128))
    qa = _PROP(t2a, src, dst)
    qb = _PROP(t2b, src, dst)
    return _tc_c(qa[:_N], qb[:_N], dinv, W2a, b2a.reshape(1, 64),
                 W2b, b2b.reshape(1, 64))

# --- scband reference (transcript-rebuilt; emitter-appended) ---
"""Pipeline reference for scband-dual-gnn-25400436589245 (READ-ONLY COPY).

The authoritative reference and input builder live on the scoring server;
editing this copy changes nothing except your own understanding.
"""

import jax, jax.numpy as jnp
import numpy as np

N = 10000
E = 320000
NFEAT = 128
NHID = 128
NCLASS = 64


def setup_inputs(seed: int = 0) -> dict:
    key = jax.random.key(seed)
    ks = jax.random.split(key, 12)
    x = jax.random.normal(ks[0], (N, NFEAT), dtype=jnp.float32)
    edge_index = jax.random.randint(ks[1], (2, E), 0, N, dtype=jnp.int32)
    # branch 1 params
    W1a = jax.random.normal(ks[2], (NFEAT, NHID), dtype=jnp.float32) * 0.05
    b1a = jnp.zeros((NHID,), dtype=jnp.float32)
    W2a = jax.random.normal(ks[3], (NHID, NCLASS), dtype=jnp.float32) * 0.05
    b2a = jnp.zeros((NCLASS,), dtype=jnp.float32)
    # branch 2 params (independent weights, same architecture)
    W1b = jax.random.normal(ks[4], (NFEAT, NHID), dtype=jnp.float32) * 0.05
    b1b = jnp.zeros((NHID,), dtype=jnp.float32)
    W2b = jax.random.normal(ks[5], (NHID, NCLASS), dtype=jnp.float32) * 0.05
    b2b = jnp.zeros((NCLASS,), dtype=jnp.float32)
    return {"x": x, "edge_index": edge_index,
            "W1a": W1a, "b1a": b1a, "W2a": W2a, "b2a": b2a,
            "W1b": W1b, "b1b": b1b, "W2b": W2b, "b2b": b2b}


def _gcn_propagate(h, src, dst, n):
    # symmetric normalization D^{-1/2} A D^{-1/2} (no self loops; self_loop=False)
    deg = jnp.zeros((n,), dtype=h.dtype).at[dst].add(1.0)
    deg_inv_sqrt = jnp.where(deg > 0, jax.lax.rsqrt(jnp.maximum(deg, 1.0)), 0.0)
    norm = deg_inv_sqrt[src] * deg_inv_sqrt[dst]
    msg = h[src] * norm[:, None]
    out = jnp.zeros_like(h).at[dst].add(msg)
    return out


def _gcn_branch(x, src, dst, W1, b1, W2, b2):
    n = x.shape[0]
    h = _gcn_propagate(x @ W1, src, dst, n) + b1
    h = jax.nn.relu(h)
    # dropout is identity at inference
    h = _gcn_propagate(h @ W2, src, dst, n) + b2
    return jax.nn.log_softmax(h, axis=-1)


def reference(x, edge_index, W1a, b1a, W2a, b2a, W1b, b1b, W2b, b2b):
    src = edge_index[0]
    dst = edge_index[1]
    out1 = _gcn_branch(x, src, dst, W1a, b1a, W2a, b2a)
    out2 = _gcn_branch(x, src, dst, W1b, b1b, W2b, b2b)
    return (out1, out2)

if __name__ == "__main__":
    import jax
    _d = setup_inputs()
    print(jax.jit(kernel)(*tuple(_d.values())))

</pallas_src>

<mosaic_0001>
#map = affine_map<(d0, d1) -> (0, 0)>
module attributes {stable_mosaic.version = 14 : i64} {
  func.func @body(%arg0: i32, %arg1: i32, %arg2: memref<10000x128xf32, #tpu.memory_space<hbm>>, %arg3: memref<160x2000xi32, #tpu.memory_space<hbm>>, %arg4: memref<160x2000xi32, #tpu.memory_space<hbm>>, %arg5: memref<10240x128xf32, #tpu.memory_space<hbm>>, %arg6: memref<2000xi32, #tpu.memory_space<vmem>>, %arg7: memref<2000xi32, #tpu.memory_space<vmem>>, %arg8: memref<20160xi32, #tpu.memory_space<vmem>>, %arg9: memref<20160xi32, #tpu.memory_space<vmem>>, %arg10: memref<80x128xf32, #tpu.memory_space<vmem>>, %arg11: memref<80x128xf32, #tpu.memory_space<vmem>>, %arg12: memref<5128x128xf32, #tpu.memory_space<vmem_shared>>, %arg13: memref<!tpu.dma_semaphore, #tpu.memory_space<semaphore_mem>>, %arg14: memref<!tpu.dma_semaphore, #tpu.memory_space<semaphore_mem>>) attributes {dimension_semantics = [#tpu.dimension_semantics<core_parallel>, #tpu.dimension_semantics<subcore_parallel>], iteration_bounds = array<i64: 2, 16>, scalar_prefetch = 0 : i64, scratch_operands = 9 : i64, tpu.core_type = #tpu.core_type<sc_vector_subcore>, window_params = [{transform_indices = #map}, {transform_indices = #map}, {transform_indices = #map}, {transform_indices = #map}]} {
    %mul3A = arith.constant 5120 : i32
    %mul3A_0 = arith.muli %arg0, %mul3A : i32
    %scan3A = arith.constant 0 : i32
    %scan3A_1 = arith.constant 0 : i32
    %scan3A_2 = arith.constant 10 : i32
    %scan3A_3 = arith.addi %scan3A_1, %scan3A_2 : i32
    %scan3A_4 = arith.constant 1 : i32
    %scan3A_5 = scf.for %scan3A_147 = %scan3A_1 to %scan3A_3 step %scan3A_4 iter_args(%scan3A_148 = %scan3A) -> (i32)  : i32 {
      %mul3A_149 = arith.constant 10 : i32
      %mul3A_150 = arith.muli %arg1, %mul3A_149 : i32
      %add3A_151 = arith.addi %mul3A_150, %scan3A_147 : i32
      "tpu.region"() ({
        %run_scoped3A = tpu.sem_alloc : memref<!tpu.dma_semaphore, #tpu.memory_space<semaphore_mem>>
        %dma_start3A = arith.constant 0 : i32
        %dma_start3A_161 = tpu.memref_slice %arg3[%add3A_151, %dma_start3A] : memref<160x2000xi32, #tpu.memory_space<hbm>> -> memref<1x2000xi32, #tpu.memory_space<hbm>>
        %dma_start3A_162 = tpu.memref_squeeze %dma_start3A_161 : memref<1x2000xi32, #tpu.memory_space<hbm>> -> memref<2000xi32, #tpu.memory_space<hbm>>
        %dma_start3A_163 = arith.constant 0 : i32
        %dma_start3A_164 = tpu.memref_slice %arg3[%add3A_151, %dma_start3A_163] : memref<160x2000xi32, #tpu.memory_space<hbm>> -> memref<1x2000xi32, #tpu.memory_space<hbm>>
        %dma_start3A_165 = tpu.memref_squeeze %dma_start3A_164 : memref<1x2000xi32, #tpu.memory_space<hbm>> -> memref<2000xi32, #tpu.memory_space<hbm>>
        tpu.enqueue_dma source(%dma_start3A_165 : memref<2000xi32, #tpu.memory_space<hbm>>) target(%arg6 : memref<2000xi32, #tpu.memory_space<vmem>>) target_semaphore(%run_scoped3A : memref<!tpu.dma_semaphore, #tpu.memory_space<semaphore_mem>>)
        %dma_wait3A = arith.constant 0 : i32
        %dma_wait3A_166 = tpu.memref_slice %arg3[%add3A_151, %dma_wait3A] : memref<160x2000xi32, #tpu.memory_space<hbm>> -> memref<1x2000xi32, #tpu.memory_space<hbm>>
        %dma_wait3A_167 = tpu.memref_squeeze %dma_wait3A_166 : memref<1x2000xi32, #tpu.memory_space<hbm>> -> memref<2000xi32, #tpu.memory_space<hbm>>
        %dma_wait3A_168 = arith.constant 0 : i32
        %dma_wait3A_169 = tpu.memref_slice %arg3[%add3A_151, %dma_wait3A_168] : memref<160x2000xi32, #tpu.memory_space<hbm>> -> memref<1x2000xi32, #tpu.memory_space<hbm>>
        %dma_wait3A_170 = tpu.memref_squeeze %dma_wait3A_169 : memref<1x2000xi32, #tpu.memory_space<hbm>> -> memref<2000xi32, #tpu.memory_space<hbm>>
        tpu.wait_dma2 semaphore(%run_scoped3A : memref<!tpu.dma_semaphore, #tpu.memory_space<semaphore_mem>>) src(%dma_wait3A_170 : memref<2000xi32, #tpu.memory_space<hbm>>) dst(%arg6 : memref<2000xi32, #tpu.memory_space<vmem>>)
        tpu.yield
      }) : () -> ()
      %mul3A_152 = arith.constant 10 : i32
      %mul3A_153 = arith.muli %arg1, %mul3A_152 : i32
      %add3A_154 = arith.addi %mul3A_153, %scan3A_147 : i32
      "tpu.region"() ({
        %run_scoped3A = tpu.sem_alloc : memref<!tpu.dma_semaphore, #tpu.memory_space<semaphore_mem>>
        %dma_start3A = arith.constant 0 : i32
        %dma_start3A_161 = tpu.memref_slice %arg4[%add3A_154, %dma_start3A] : memref<160x2000xi32, #tpu.memory_space<hbm>> -> memref<1x2000xi32, #tpu.memory_space<hbm>>
        %dma_start3A_162 = tpu.memref_squeeze %dma_start3A_161 : memref<1x2000xi32, #tpu.memory_space<hbm>> -> memref<2000xi32, #tpu.memory_space<hbm>>
        %dma_start3A_163 = arith.constant 0 : i32
        %dma_start3A_164 = tpu.memref_slice %arg4[%add3A_154, %dma_start3A_163] : memref<160x2000xi32, #tpu.memory_space<hbm>> -> memref<1x2000xi32, #tpu.memory_space<hbm>>
        %dma_start3A_165 = tpu.memref_squeeze %dma_start3A_164 : memref<1x2000xi32, #tpu.memory_space<hbm>> -> memref<2000xi32, #tpu.memory_space<hbm>>
        tpu.enqueue_dma source(%dma_start3A_165 : memref<2000xi32, #tpu.memory_space<hbm>>) target(%arg7 : memref<2000xi32, #tpu.memory_space<vmem>>) target_semaphore(%run_scoped3A : memref<!tpu.dma_semaphore, #tpu.memory_space<semaphore_mem>>)
        %dma_wait3A = arith.constant 0 : i32
        %dma_wait3A_166 = tpu.memref_slice %arg4[%add3A_154, %dma_wait3A] : memref<160x2000xi32, #tpu.memory_space<hbm>> -> memref<1x2000xi32, #tpu.memory_space<hbm>>
        %dma_wait3A_167 = tpu.memref_squeeze %dma_wait3A_166 : memref<1x2000xi32, #tpu.memory_space<hbm>> -> memref<2000xi32, #tpu.memory_space<hbm>>
        %dma_wait3A_168 = arith.constant 0 : i32
        %dma_wait3A_169 = tpu.memref_slice %arg4[%add3A_154, %dma_wait3A_168] : memref<160x2000xi32, #tpu.memory_space<hbm>> -> memref<1x2000xi32, #tpu.memory_space<hbm>>
        %dma_wait3A_170 = tpu.memref_squeeze %dma_wait3A_169 : memref<1x2000xi32, #tpu.memory_space<hbm>> -> memref<2000xi32, #tpu.memory_space<hbm>>
        tpu.wait_dma2 semaphore(%run_scoped3A : memref<!tpu.dma_semaphore, #tpu.memory_space<semaphore_mem>>) src(%dma_wait3A_170 : memref<2000xi32, #tpu.memory_space<hbm>>) dst(%arg7 : memref<2000xi32, #tpu.memory_space<vmem>>)
        tpu.yield
      }) : () -> ()
      %scan3A_155 = arith.constant 0 : i32
      %scan3A_156 = arith.constant 125 : i32
      %scan3A_157 = arith.addi %scan3A_155, %scan3A_156 : i32
      %scan3A_158 = arith.constant 1 : i32
      %scan3A_159 = scf.for %scan3A_161 = %scan3A_155 to %scan3A_157 step %scan3A_158 iter_args(%scan3A_162 = %scan3A_148) -> (i32)  : i32 {
        %mul3A_163 = arith.constant 16 : i32
        %mul3A_164 = arith.muli %mul3A_163, %scan3A_161 : i32
        %get3A = arith.index_cast %mul3A_164 : i32 to index
        %get3A_165 = tpu.vector_load %arg6[%get3A] {strides = array<i32>} : memref<2000xi32, #tpu.memory_space<vmem>>, vector<16xi32>,
        %mul3A_166 = arith.constant 16 : i32
        %mul3A_167 = arith.muli %mul3A_166, %scan3A_161 : i32
        %get3A_168 = arith.index_cast %mul3A_167 : i32 to index
        %get3A_169 = tpu.vector_load %arg7[%get3A_168] {strides = array<i32>} : memref<2000xi32, #tpu.memory_space<vmem>>, vector<16xi32>,
        %sub3A_170 = vector.broadcast %mul3A_0 : i32 to vector<16xi32>
        %sub3A_171 = arith.subi %get3A_169, %sub3A_170 : vector<16xi32>
        %ge3A = arith.constant 0 : i32
        %ge3A_172 = vector.broadcast %ge3A : i32 to vector<16xi32>
        %ge3A_173 = arith.cmpi sge, %sub3A_171, %ge3A_172 : vector<16xi32>
        %lt3A_174 = arith.constant 5120 : i32
        %lt3A_175 = vector.broadcast %lt3A_174 : i32 to vector<16xi32>
        %lt3A_176 = arith.cmpi slt, %sub3A_171, %lt3A_175 : vector<16xi32>
        %and3A_177 = arith.andi %ge3A_173, %lt3A_176 : vector<16xi1>
        %swap3A_178 = arith.index_cast %scan3A_162 : i32 to index
        %swap3A_179 = tpu.vector_load %arg8[%swap3A_178] masked %and3A_177 {strides = array<i32>} : memref<20160xi32, #tpu.memory_space<vmem>>, vector<16xi32>, vector<16xi1>
        tpu.vector_store %arg8[%swap3A_178], %get3A_165 masked %and3A_177 {strides = array<i32>} : memref<20160xi32, #tpu.memory_space<vmem>>, vector<16xi32>, vector<16xi1>
        %swap3A_180 = arith.index_cast %scan3A_162 : i32 to index
        %swap3A_181 = tpu.vector_load %arg9[%swap3A_180] masked %and3A_177 {strides = array<i32>} : memref<20160xi32, #tpu.memory_space<vmem>>, vector<16xi32>, vector<16xi1>
        tpu.vector_store %arg9[%swap3A_180], %sub3A_171 masked %and3A_177 {strides = array<i32>} : memref<20160xi32, #tpu.memory_space<vmem>>, vector<16xi32>, vector<16xi1>
        %jit3A_182 = arith.constant 1 : i32
        %jit3A_183 = arith.constant 0 : i32
        %broadcast_in_dim3A_184 = vector.broadcast %jit3A_182 : i32 to vector<16xi32>
        %broadcast_in_dim3A_185 = vector.broadcast %jit3A_183 : i32 to vector<16xi32>
        %select_n3A_186 = arith.select %and3A_177, %broadcast_in_dim3A_184, %broadcast_in_dim3A_185 : vector<16xi1>, vector<16xi32>
        %reduce_sum3A = arith.constant true
        %reduce_sum3A_187 = vector.broadcast %reduce_sum3A : i1 to vector<16xi1>
        %reduce_sum3A_188 = tpu.scan <sum>, %select_n3A_186 masked %reduce_sum3A_187 : vector<16xi32>, vector<16xi1> -> vector<16xi32>
        %reduce_sum3A_189 = vector.extract %reduce_sum3A_188[15] : i32 from vector<16xi32>
        %add3A_190 = arith.addi %scan3A_162, %reduce_sum3A_189 : i32
        scf.yield %add3A_190 : i32
      }
      %scan3A_160 = arith.constant 125 : i32
      scf.yield %scan3A_159 : i32
    }
    %scan3A_6 = arith.constant 10 : i32
    %broadcast_in_dim3A = arith.constant 0 : i32
    %broadcast_in_dim3A_7 = vector.broadcast %broadcast_in_dim3A : i32 to vector<16xi32>
    %broadcast_in_dim3A_8 = arith.constant 5120 : i32
    %broadcast_in_dim3A_9 = vector.broadcast %broadcast_in_dim3A_8 : i32 to vector<16xi32>
    %add3A = arith.constant 0 : i32
    %add3A_10 = arith.addi %scan3A_5, %add3A : i32
    %swap3A = arith.index_cast %add3A_10 : i32 to index
    %swap3A_11 = tpu.vector_load %arg8[%swap3A] {strides = array<i32>} : memref<20160xi32, #tpu.memory_space<vmem>>, vector<16xi32>,
    tpu.vector_store %arg8[%swap3A], %broadcast_in_dim3A_7 {strides = array<i32>} : memref<20160xi32, #tpu.memory_space<vmem>>, vector<16xi32>,
    %add3A_12 = arith.constant 0 : i32
    %add3A_13 = arith.addi %scan3A_5, %add3A_12 : i32
    %swap3A_14 = arith.index_cast %add3A_13 : i32 to index
    %swap3A_15 = tpu.vector_load %arg9[%swap3A_14] {strides = array<i32>} : memref<20160xi32, #tpu.memory_space<vmem>>, vector<16xi32>,
    tpu.vector_store %arg9[%swap3A_14], %broadcast_in_dim3A_9 {strides = array<i32>} : memref<20160xi32, #tpu.memory_space<vmem>>, vector<16xi32>,
    %add3A_16 = arith.constant 16 : i32
    %add3A_17 = arith.addi %scan3A_5, %add3A_16 : i32
    %swap3A_18 = arith.index_cast %add3A_17 : i32 to index
    %swap3A_19 = tpu.vector_load %arg8[%swap3A_18] {strides = array<i32>} : memref<20160xi32, #tpu.memory_space<vmem>>, vector<16xi32>,
    tpu.vector_store %arg8[%swap3A_18], %broadcast_in_dim3A_7 {strides = array<i32>} : memref<20160xi32, #tpu.memory_space<vmem>>, vector<16xi32>,
    %add3A_20 = arith.constant 16 : i32
    %add3A_21 = arith.addi %scan3A_5, %add3A_20 : i32
    %swap3A_22 = arith.index_cast %add3A_21 : i32 to index
    %swap3A_23 = tpu.vector_load %arg9[%swap3A_22] {strides = array<i32>} : memref<20160xi32, #tpu.memory_space<vmem>>, vector<16xi32>,
    tpu.vector_store %arg9[%swap3A_22], %broadcast_in_dim3A_9 {strides = array<i32>} : memref<20160xi32, #tpu.memory_space<vmem>>, vector<16xi32>,
    %add3A_24 = arith.constant 32 : i32
    %add3A_25 = arith.addi %scan3A_5, %add3A_24 : i32
    %swap3A_26 = arith.index_cast %add3A_25 : i32 to index
    %swap3A_27 = tpu.vector_load %arg8[%swap3A_26] {strides = array<i32>} : memref<20160xi32, #tpu.memory_space<vmem>>, vector<16xi32>,
    tpu.vector_store %arg8[%swap3A_26], %broadcast_in_dim3A_7 {strides = array<i32>} : memref<20160xi32, #tpu.memory_space<vmem>>, vector<16xi32>,
    %add3A_28 = arith.constant 32 : i32
    %add3A_29 = arith.addi %scan3A_5, %add3A_28 : i32
    %swap3A_30 = arith.index_cast %add3A_29 : i32 to index
    %swap3A_31 = tpu.vector_load %arg9[%swap3A_30] {strides = array<i32>} : memref<20160xi32, #tpu.memory_space<vmem>>, vector<16xi32>,
    tpu.vector_store %arg9[%swap3A_30], %broadcast_in_dim3A_9 {strides = array<i32>} : memref<20160xi32, #tpu.memory_space<vmem>>, vector<16xi32>,
    %add3A_32 = arith.constant 48 : i32
    %add3A_33 = arith.addi %scan3A_5, %add3A_32 : i32
    %swap3A_34 = arith.index_cast %add3A_33 : i32 to index
    %swap3A_35 = tpu.vector_load %arg8[%swap3A_34] {strides = array<i32>} : memref<20160xi32, #tpu.memory_space<vmem>>, vector<16xi32>,
    tpu.vector_store %arg8[%swap3A_34], %broadcast_in_dim3A_7 {strides = array<i32>} : memref<20160xi32, #tpu.memory_space<vmem>>, vector<16xi32>,
    %add3A_36 = arith.constant 48 : i32
    %add3A_37 = arith.addi %scan3A_5, %add3A_36 : i32
    %swap3A_38 = arith.index_cast %add3A_37 : i32 to index
    %swap3A_39 = tpu.vector_load %arg9[%swap3A_38] {strides = array<i32>} : memref<20160xi32, #tpu.memory_space<vmem>>, vector<16xi32>,
    tpu.vector_store %arg9[%swap3A_38], %broadcast_in_dim3A_9 {strides = array<i32>} : memref<20160xi32, #tpu.memory_space<vmem>>, vector<16xi32>,
    %add3A_40 = arith.constant 64 : i32
    %add3A_41 = arith.addi %scan3A_5, %add3A_40 : i32
    %swap3A_42 = arith.index_cast %add3A_41 : i32 to index
    %swap3A_43 = tpu.vector_load %arg8[%swap3A_42] {strides = array<i32>} : memref<20160xi32, #tpu.memory_space<vmem>>, vector<16xi32>,
    tpu.vector_store %arg8[%swap3A_42], %broadcast_in_dim3A_7 {strides = array<i32>} : memref<20160xi32, #tpu.memory_space<vmem>>, vector<16xi32>,
    %add3A_44 = arith.constant 64 : i32
    %add3A_45 = arith.addi %scan3A_5, %add3A_44 : i32
    %swap3A_46 = arith.index_cast %add3A_45 : i32 to index
    %swap3A_47 = tpu.vector_load %arg9[%swap3A_46] {strides = array<i32>} : memref<20160xi32, #tpu.memory_space<vmem>>, vector<16xi32>,
    tpu.vector_store %arg9[%swap3A_46], %broadcast_in_dim3A_9 {strides = array<i32>} : memref<20160xi32, #tpu.memory_space<vmem>>, vector<16xi32>,
    %add3A_48 = arith.constant 80 : i32
    %add3A_49 = arith.addi %scan3A_5, %add3A_48 : i32
    %sub3A = arith.constant 1 : i32
    %sub3A_50 = arith.subi %add3A_49, %sub3A : i32
    %jit3A = arith.constant 80 : i32
    %div3A = arith.divsi %sub3A_50, %jit3A : i32
    %sign3A = arith.constant 0 : i32
    %sign3A_51 = arith.cmpi sgt, %sub3A_50, %sign3A : i32
    %sign3A_52 = arith.extui %sign3A_51 : i1 to i32
    %sign3A_53 = arith.constant 0 : i32
    %sign3A_54 = arith.cmpi slt, %sub3A_50, %sign3A_53 : i32
    %sign3A_55 = arith.extui %sign3A_54 : i1 to i32
    %sign3A_56 = arith.subi %sign3A_52, %sign3A_55 : i32
    %sign3A_57 = arith.constant 0 : i32
    %sign3A_58 = arith.cmpi sgt, %jit3A, %sign3A_57 : i32
    %sign3A_59 = arith.extui %sign3A_58 : i1 to i32
    %sign3A_60 = arith.constant 0 : i32
    %sign3A_61 = arith.cmpi slt, %jit3A, %sign3A_60 : i32
    %sign3A_62 = arith.extui %sign3A_61 : i1 to i32
    %sign3A_63 = arith.subi %sign3A_59, %sign3A_62 : i32
    %ne3A = arith.cmpi ne, %sign3A_56, %sign3A_63 : i32
    %rem3A = arith.remsi %sub3A_50, %jit3A : i32
    %ne3A_64 = arith.constant 0 : i32
    %ne3A_65 = arith.cmpi ne, %rem3A, %ne3A_64 : i32
    %and3A = arith.andi %ne3A, %ne3A_65 : i1
    %sub3A_66 = arith.constant 1 : i32
    %sub3A_67 = arith.subi %div3A, %sub3A_66 : i32
    %select_n3A = arith.select %and3A, %sub3A_67, %div3A : i32
    %broadcast_in_dim3A_68 = arith.constant 0.000000e+00 : f32
    %broadcast_in_dim3A_69 = vector.broadcast %broadcast_in_dim3A_68 : f32 to vector<16xf32>
    %scan3A_70 = arith.constant 0 : i32
    %scan3A_71 = arith.constant 0 : i32
    %scan3A_72 = arith.constant 80 : i32
    %scan3A_73 = arith.addi %scan3A_71, %scan3A_72 : i32
    %scan3A_74 = arith.constant 1 : i32
    scf.for %scan3A_147 = %scan3A_71 to %scan3A_73 step %scan3A_74  : i32 {
      %swap3A_148 = arith.index_cast %scan3A_147 : i32 to index
      %swap3A_149 = arith.constant 0 : index
      %swap3A_150 = tpu.vector_load %arg10[%swap3A_148, %swap3A_149] {strides = array<i32>} : memref<80x128xf32, #tpu.memory_space<vmem>>, vector<16xf32>,
      tpu.vector_store %arg10[%swap3A_148, %swap3A_149], %broadcast_in_dim3A_69 {strides = array<i32>} : memref<80x128xf32, #tpu.memory_space<vmem>>, vector<16xf32>,
      %swap3A_151 = arith.index_cast %scan3A_147 : i32 to index
      %swap3A_152 = arith.constant 16 : index
      %swap3A_153 = tpu.vector_load %arg10[%swap3A_151, %swap3A_152] {strides = array<i32>} : memref<80x128xf32, #tpu.memory_space<vmem>>, vector<16xf32>,
      tpu.vector_store %arg10[%swap3A_151, %swap3A_152], %broadcast_in_dim3A_69 {strides = array<i32>} : memref<80x128xf32, #tpu.memory_space<vmem>>, vector<16xf32>,
      %swap3A_154 = arith.index_cast %scan3A_147 : i32 to index
      %swap3A_155 = arith.constant 32 : index
      %swap3A_156 = tpu.vector_load %arg10[%swap3A_154, %swap3A_155] {strides = array<i32>} : memref<80x128xf32, #tpu.memory_space<vmem>>, vector<16xf32>,
      tpu.vector_store %arg10[%swap3A_154, %swap3A_155], %broadcast_in_dim3A_69 {strides = array<i32>} : memref<80x128xf32, #tpu.memory_space<vmem>>, vector<16xf32>,
      %swap3A_157 = arith.index_cast %scan3A_147 : i32 to index
      %swap3A_158 = arith.constant 48 : index
      %swap3A_159 = tpu.vector_load %arg10[%swap3A_157, %swap3A_158] {strides = array<i32>} : memref<80x128xf32, #tpu.memory_space<vmem>>, vector<16xf32>,
      tpu.vector_store %arg10[%swap3A_157, %swap3A_158], %broadcast_in_dim3A_69 {strides = array<i32>} : memref<80x128xf32, #tpu.memory_space<vmem>>, vector<16xf32>,
      %swap3A_160 = arith.index_cast %scan3A_147 : i32 to index
      %swap3A_161 = arith.constant 64 : index
      %swap3A_162 = tpu.vector_load %arg10[%swap3A_160, %swap3A_161] {strides = array<i32>} : memref<80x128xf32, #tpu.memory_space<vmem>>, vector<16xf32>,
      tpu.vector_store %arg10[%swap3A_160, %swap3A_161], %broadcast_in_dim3A_69 {strides = array<i32>} : memref<80x128xf32, #tpu.memory_space<vmem>>, vector<16xf32>,
      %swap3A_163 = arith.index_cast %scan3A_147 : i32 to index
      %swap3A_164 = arith.constant 80 : index
      %swap3A_165 = tpu.vector_load %arg10[%swap3A_163, %swap3A_164] {strides = array<i32>} : memref<80x128xf32, #tpu.memory_space<vmem>>, vector<16xf32>,
      tpu.vector_store %arg10[%swap3A_163, %swap3A_164], %broadcast_in_dim3A_69 {strides = array<i32>} : memref<80x128xf32, #tpu.memory_space<vmem>>, vector<16xf32>,
      %swap3A_166 = arith.index_cast %scan3A_147 : i32 to index
      %swap3A_167 = arith.constant 96 : index
      %swap3A_168 = tpu.vector_load %arg10[%swap3A_166, %swap3A_167] {strides = array<i32>} : memref<80x128xf32, #tpu.memory_space<vmem>>, vector<16xf32>,
      tpu.vector_store %arg10[%swap3A_166, %swap3A_167], %broadcast_in_dim3A_69 {strides = array<i32>} : memref<80x128xf32, #tpu.memory_space<vmem>>, vector<16xf32>,
      %swap3A_169 = arith.index_cast %scan3A_147 : i32 to index
      %swap3A_170 = arith.constant 112 : index
      %swap3A_171 = tpu.vector_load %arg10[%swap3A_169, %swap3A_170] {strides = array<i32>} : memref<80x128xf32, #tpu.memory_space<vmem>>, vector<16xf32>,
      tpu.vector_store %arg10[%swap3A_169, %swap3A_170], %broadcast_in_dim3A_69 {strides = array<i32>} : memref<80x128xf32, #tpu.memory_space<vmem>>, vector<16xf32>,
    }
    %scan3A_75 = arith.constant 80 : i32
    %mul3A_76 = arith.constant 320 : i32
    %mul3A_77 = arith.muli %arg1, %mul3A_76 : i32
    %add3A_78 = arith.constant 0 : i32
    %add3A_79 = arith.addi %mul3A_77, %add3A_78 : i32
    "tpu.region"() ({
      %run_scoped3A = tpu.sem_alloc : memref<!tpu.dma_semaphore, #tpu.memory_space<semaphore_mem>>
      %dma_start3A = arith.constant 0 : i32
      %dma_start3A_147 = tpu.memref_slice %arg12[%add3A_79, %dma_start3A] : memref<5128x128xf32, #tpu.memory_space<vmem_shared>> -> memref<80x128xf32, #tpu.memory_space<vmem_shared>>
      %dma_start3A_148 = arith.constant 0 : i32
      %dma_start3A_149 = tpu.memref_slice %arg12[%add3A_79, %dma_start3A_148] : memref<5128x128xf32, #tpu.memory_space<vmem_shared>> -> memref<80x128xf32, #tpu.memory_space<vmem_shared>>
      tpu.enqueue_dma source(%arg10 : memref<80x128xf32, #tpu.memory_space<vmem>>) target(%dma_start3A_149 : memref<80x128xf32, #tpu.memory_space<vmem_shared>>) target_semaphore(%run_scoped3A : memref<!tpu.dma_semaphore, #tpu.memory_space<semaphore_mem>>)
      %dma_wait3A = arith.constant 0 : i32
      %dma_wait3A_150 = tpu.memref_slice %arg12[%add3A_79, %dma_wait3A] : memref<5128x128xf32, #tpu.memory_space<vmem_shared>> -> memref<80x128xf32, #tpu.memory_space<vmem_shared>>
      %dma_wait3A_151 = arith.constant 0 : i32
      %dma_wait3A_152 = tpu.memref_slice %arg12[%add3A_79, %dma_wait3A_151] : memref<5128x128xf32, #tpu.memory_space<vmem_shared>> -> memref<80x128xf32, #tpu.memory_space<vmem_shared>>
      tpu.wait_dma2 semaphore(%run_scoped3A : memref<!tpu.dma_semaphore, #tpu.memory_space<semaphore_mem>>) src(%arg10 : memref<80x128xf32, #tpu.memory_space<vmem>>) dst(%dma_wait3A_152 : memref<80x128xf32, #tpu.memory_space<vmem_shared>>)
      tpu.yield
    }) : () -> ()
    %add3A_80 = arith.constant 80 : i32
    %add3A_81 = arith.addi %mul3A_77, %add3A_80 : i32
    "tpu.region"() ({
      %run_scoped3A = tpu.sem_alloc : memref<!tpu.dma_semaphore, #tpu.memory_space<semaphore_mem>>
      %dma_start3A = arith.constant 0 : i32
      %dma_start3A_147 = tpu.memref_slice %arg12[%add3A_81, %dma_start3A] : memref<5128x128xf32, #tpu.memory_space<vmem_shared>> -> memref<80x128xf32, #tpu.memory_space<vmem_shared>>
      %dma_start3A_148 = arith.constant 0 : i32
      %dma_start3A_149 = tpu.memref_slice %arg12[%add3A_81, %dma_start3A_148] : memref<5128x128xf32, #tpu.memory_space<vmem_shared>> -> memref<80x128xf32, #tpu.memory_space<vmem_shared>>
      tpu.enqueue_dma source(%arg10 : memref<80x128xf32, #tpu.memory_space<vmem>>) target(%dma_start3A_149 : memref<80x128xf32, #tpu.memory_space<vmem_shared>>) target_semaphore(%run_scoped3A : memref<!tpu.dma_semaphore, #tpu.memory_space<semaphore_mem>>)
      %dma_wait3A = arith.constant 0 : i32
      %dma_wait3A_150 = tpu.memref_slice %arg12[%add3A_81, %dma_wait3A] : memref<5128x128xf32, #tpu.memory_space<vmem_shared>> -> memref<80x128xf32, #tpu.memory_space<vmem_shared>>
      %dma_wait3A_151 = arith.constant 0 : i32
      %dma_wait3A_152 = tpu.memref_slice %arg12[%add3A_81, %dma_wait3A_151] : memref<5128x128xf32, #tpu.memory_space<vmem_shared>> -> memref<80x128xf32, #tpu.memory_space<vmem_shared>>
      tpu.wait_dma2 semaphore(%run_scoped3A : memref<!tpu.dma_semaphore, #tpu.memory_space<semaphore_mem>>) src(%arg10 : memref<80x128xf32, #tpu.memory_space<vmem>>) dst(%dma_wait3A_152 : memref<80x128xf32, #tpu.memory_space<vmem_shared>>)
      tpu.yield
    }) : () -> ()
    %add3A_82 = arith.constant 160 : i32
    %add3A_83 = arith.addi %mul3A_77, %add3A_82 : i32
    "tpu.region"() ({
      %run_scoped3A = tpu.sem_alloc : memref<!tpu.dma_semaphore, #tpu.memory_space<semaphore_mem>>
      %dma_start3A = arith.constant 0 : i32
      %dma_start3A_147 = tpu.memref_slice %arg12[%add3A_83, %dma_start3A] : memref<5128x128xf32, #tpu.memory_space<vmem_shared>> -> memref<80x128xf32, #tpu.memory_space<vmem_shared>>
      %dma_start3A_148 = arith.constant 0 : i32
      %dma_start3A_149 = tpu.memref_slice %arg12[%add3A_83, %dma_start3A_148] : memref<5128x128xf32, #tpu.memory_space<vmem_shared>> -> memref<80x128xf32, #tpu.memory_space<vmem_shared>>
      tpu.enqueue_dma source(%arg10 : memref<80x128xf32, #tpu.memory_space<vmem>>) target(%dma_start3A_149 : memref<80x128xf32, #tpu.memory_space<vmem_shared>>) target_semaphore(%run_scoped3A : memref<!tpu.dma_semaphore, #tpu.memory_space<semaphore_mem>>)
      %dma_wait3A = arith.constant 0 : i32
      %dma_wait3A_150 = tpu.memref_slice %arg12[%add3A_83, %dma_wait3A] : memref<5128x128xf32, #tpu.memory_space<vmem_shared>> -> memref<80x128xf32, #tpu.memory_space<vmem_shared>>
      %dma_wait3A_151 = arith.constant 0 : i32
      %dma_wait3A_152 = tpu.memref_slice %arg12[%add3A_83, %dma_wait3A_151] : memref<5128x128xf32, #tpu.memory_space<vmem_shared>> -> memref<80x128xf32, #tpu.memory_space<vmem_shared>>
      tpu.wait_dma2 semaphore(%run_scoped3A : memref<!tpu.dma_semaphore, #tpu.memory_space<semaphore_mem>>) src(%arg10 : memref<80x128xf32, #tpu.memory_space<vmem>>) dst(%dma_wait3A_152 : memref<80x128xf32, #tpu.memory_space<vmem_shared>>)
      tpu.yield
    }) : () -> ()
    %add3A_84 = arith.constant 240 : i32
    %add3A_85 = arith.addi %mul3A_77, %add3A_84 : i32
    "tpu.region"() ({
      %run_scoped3A = tpu.sem_alloc : memref<!tpu.dma_semaphore, #tpu.memory_space<semaphore_mem>>
      %dma_start3A = arith.constant 0 : i32
      %dma_start3A_147 = tpu.memref_slice %arg12[%add3A_85, %dma_start3A] : memref<5128x128xf32, #tpu.memory_space<vmem_shared>> -> memref<80x128xf32, #tpu.memory_space<vmem_shared>>
      %dma_start3A_148 = arith.constant 0 : i32
      %dma_start3A_149 = tpu.memref_slice %arg12[%add3A_85, %dma_start3A_148] : memref<5128x128xf32, #tpu.memory_space<vmem_shared>> -> memref<80x128xf32, #tpu.memory_space<vmem_shared>>
      tpu.enqueue_dma source(%arg10 : memref<80x128xf32, #tpu.memory_space<vmem>>) target(%dma_start3A_149 : memref<80x128xf32, #tpu.memory_space<vmem_shared>>) target_semaphore(%run_scoped3A : memref<!tpu.dma_semaphore, #tpu.memory_space<semaphore_mem>>)
      %dma_wait3A = arith.constant 0 : i32
      %dma_wait3A_150 = tpu.memref_slice %arg12[%add3A_85, %dma_wait3A] : memref<5128x128xf32, #tpu.memory_space<vmem_shared>> -> memref<80x128xf32, #tpu.memory_space<vmem_shared>>
      %dma_wait3A_151 = arith.constant 0 : i32
      %dma_wait3A_152 = tpu.memref_slice %arg12[%add3A_85, %dma_wait3A_151] : memref<5128x128xf32, #tpu.memory_space<vmem_shared>> -> memref<80x128xf32, #tpu.memory_space<vmem_shared>>
      tpu.wait_dma2 semaphore(%run_scoped3A : memref<!tpu.dma_semaphore, #tpu.memory_space<semaphore_mem>>) src(%arg10 : memref<80x128xf32, #tpu.memory_space<vmem>>) dst(%dma_wait3A_152 : memref<80x128xf32, #tpu.memory_space<vmem_shared>>)
      tpu.yield
    }) : () -> ()
    %eq3A = arith.constant 0 : i32
    %eq3A_86 = arith.cmpi eq, %arg1, %eq3A : i32
    %convert_element_type3A = arith.extui %eq3A_86 : i1 to i32
    %cond3A = arith.constant 0 : i32
    %cond3A_87 = arith.cmpi ne, %convert_element_type3A, %cond3A : i32
    scf.if %cond3A_87 {
      "tpu.region"() ({
        %run_scoped3A = tpu.sem_alloc : memref<!tpu.dma_semaphore, #tpu.memory_space<semaphore_mem>>
        %dma_start3A = arith.constant 0 : i32
        %dma_start3A_147 = arith.constant 0 : i32
        %dma_start3A_148 = tpu.memref_slice %arg10[%dma_start3A, %dma_start3A_147] : memref<80x128xf32, #tpu.memory_space<vmem>> -> memref<8x128xf32, #tpu.memory_space<vmem>>
        %dma_start3A_149 = arith.constant 5120 : i32
        %dma_start3A_150 = arith.constant 0 : i32
        %dma_start3A_151 = tpu.memref_slice %arg12[%dma_start3A_149, %dma_start3A_150] : memref<5128x128xf32, #tpu.memory_space<vmem_shared>> -> memref<8x128xf32, #tpu.memory_space<vmem_shared>>
        %dma_start3A_152 = arith.constant 5120 : i32
        %dma_start3A_153 = arith.constant 0 : i32
        %dma_start3A_154 = tpu.memref_slice %arg12[%dma_start3A_152, %dma_start3A_153] : memref<5128x128xf32, #tpu.memory_space<vmem_shared>> -> memref<8x128xf32, #tpu.memory_space<vmem_shared>>
        %dma_start3A_155 = arith.constant 0 : i32
        %dma_start3A_156 = arith.constant 0 : i32
        %dma_start3A_157 = tpu.memref_slice %arg10[%dma_start3A_155, %dma_start3A_156] : memref<80x128xf32, #tpu.memory_space<vmem>> -> memref<8x128xf32, #tpu.memory_space<vmem>>
        tpu.enqueue_dma source(%dma_start3A_157 : memref<8x128xf32, #tpu.memory_space<vmem>>) target(%dma_start3A_154 : memref<8x128xf32, #tpu.memory_space<vmem_shared>>) target_semaphore(%run_scoped3A : memref<!tpu.dma_semaphore, #tpu.memory_space<semaphore_mem>>)
        %dma_wait3A = arith.constant 0 : i32
        %dma_wait3A_158 = arith.constant 0 : i32
        %dma_wait3A_159 = tpu.memref_slice %arg10[%dma_wait3A, %dma_wait3A_158] : memref<80x128xf32, #tpu.memory_space<vmem>> -> memref<8x128xf32, #tpu.memory_space<vmem>>
        %dma_wait3A_160 = arith.constant 5120 : i32
        %dma_wait3A_161 = arith.constant 0 : i32
        %dma_wait3A_162 = tpu.memref_slice %arg12[%dma_wait3A_160, %dma_wait3A_161] : memref<5128x128xf32, #tpu.memory_space<vmem_shared>> -> memref<8x128xf32, #tpu.memory_space<vmem_shared>>
        %dma_wait3A_163 = arith.constant 5120 : i32
        %dma_wait3A_164 = arith.constant 0 : i32
        %dma_wait3A_165 = tpu.memref_slice %arg12[%dma_wait3A_163, %dma_wait3A_164] : memref<5128x128xf32, #tpu.memory_space<vmem_shared>> -> memref<8x128xf32, #tpu.memory_space<vmem_shared>>
        %dma_wait3A_166 = arith.constant 0 : i32
        %dma_wait3A_167 = arith.constant 0 : i32
        %dma_wait3A_168 = tpu.memref_slice %arg10[%dma_wait3A_166, %dma_wait3A_167] : memref<80x128xf32, #tpu.memory_space<vmem>> -> memref<8x128xf32, #tpu.memory_space<vmem>>
        tpu.wait_dma2 semaphore(%run_scoped3A : memref<!tpu.dma_semaphore, #tpu.memory_space<semaphore_mem>>) src(%dma_wait3A_168 : memref<8x128xf32, #tpu.memory_space<vmem>>) dst(%dma_wait3A_165 : memref<8x128xf32, #tpu.memory_space<vmem_shared>>)
        tpu.yield
      }) : () -> ()
    } else {
    }
    %barrier3A = arith.constant 0 : index
    tpu.barrier barrier_id(%barrier3A)
    %gt3A = arith.constant 0 : i32
    %gt3A_88 = arith.cmpi sgt, %select_n3A, %gt3A : i32
    %convert_element_type3A_89 = arith.extui %gt3A_88 : i1 to i32
    %cond3A_90 = arith.constant 0 : i32
    %cond3A_91 = arith.cmpi ne, %convert_element_type3A_89, %cond3A_90 : i32
    scf.if %cond3A_91 {
      %dma_start3A = arith.constant 0 : i32
      %dma_start3A_147 = tpu.memref_slice %arg8[%dma_start3A] : memref<20160xi32, #tpu.memory_space<vmem>> -> memref<80xi32, #tpu.memory_space<vmem>>
      %dma_start3A_148 = arith.constant 0 : i32
      %dma_start3A_149 = arith.constant 0 : i32
      %dma_start3A_150 = tpu.memref_slice %arg2[%dma_start3A_148, %dma_start3A_149] : memref<10000x128xf32, #tpu.memory_space<hbm>> -> memref<10000x128xf32, #tpu.memory_space<hbm>>
      tpu.enqueue_indirect_dma source(%dma_start3A_150 : memref<10000x128xf32, #tpu.memory_space<hbm>>) target(%arg10 : memref<80x128xf32, #tpu.memory_space<vmem>>) offsets(%dma_start3A_147 : memref<80xi32, #tpu.memory_space<vmem>>) semaphore(%arg13 : memref<!tpu.dma_semaphore, #tpu.memory_space<semaphore_mem>>)
    } else {
    }
    %jit3A_92 = arith.constant 2 : i32
    %div3A_93 = arith.divsi %select_n3A, %jit3A_92 : i32
    %sign3A_94 = arith.constant 0 : i32
    %sign3A_95 = arith.cmpi sgt, %select_n3A, %sign3A_94 : i32
    %sign3A_96 = arith.extui %sign3A_95 : i1 to i32
    %sign3A_97 = arith.constant 0 : i32
    %sign3A_98 = arith.cmpi slt, %select_n3A, %sign3A_97 : i32
    %sign3A_99 = arith.extui %sign3A_98 : i1 to i32
    %sign3A_100 = arith.subi %sign3A_96, %sign3A_99 : i32
    %sign3A_101 = arith.constant 0 : i32
    %sign3A_102 = arith.cmpi sgt, %jit3A_92, %sign3A_101 : i32
    %sign3A_103 = arith.extui %sign3A_102 : i1 to i32
    %sign3A_104 = arith.constant 0 : i32
    %sign3A_105 = arith.cmpi slt, %jit3A_92, %sign3A_104 : i32
    %sign3A_106 = arith.extui %sign3A_105 : i1 to i32
    %sign3A_107 = arith.subi %sign3A_103, %sign3A_106 : i32
    %ne3A_108 = arith.cmpi ne, %sign3A_100, %sign3A_107 : i32
    %rem3A_109 = arith.remsi %select_n3A, %jit3A_92 : i32
    %ne3A_110 = arith.constant 0 : i32
    %ne3A_111 = arith.cmpi ne, %rem3A_109, %ne3A_110 : i32
    %and3A_112 = arith.andi %ne3A_108, %ne3A_111 : i1
    %sub3A_113 = arith.constant 1 : i32
    %sub3A_114 = arith.subi %div3A_93, %sub3A_113 : i32
    %select_n3A_115 = arith.select %and3A_112, %sub3A_114, %div3A_93 : i32
    %while3A = arith.constant 0 : i32
    %while3A_116 = arith.constant 0 : i32
    %while3A_117 = arith.subi %select_n3A_115, %while3A_116 : i32
    %while3A_118 = arith.addi %while3A_116, %while3A_117 : i32
    %while3A_119 = arith.constant 1 : i32
    %while3A_120 = arith.divsi %while3A_117, %while3A_119 : i32
    %while3A_121 = arith.muli %while3A_120, %while3A_119 : i32
    %while3A_122 = arith.addi %while3A_116, %while3A_121 : i32
    %while3A_123 = arith.constant 1 : i32
    scf.for %while3A_147 = %while3A_116 to %while3A_122 step %while3A_123  : i32 {
      %mul3A_148 = arith.constant 2 : i32
      %mul3A_149 = arith.muli %mul3A_148, %while3A_147 : i32
      %add3A_150 = arith.constant 1 : i32
      %add3A_151 = arith.addi %mul3A_149, %add3A_150 : i32
      %mul3A_152 = arith.constant 80 : i32
      %mul3A_153 = arith.muli %add3A_151, %mul3A_152 : i32
      %dma_start3A = tpu.memref_slice %arg8[%mul3A_153] : memref<20160xi32, #tpu.memory_space<vmem>> -> memref<80xi32, #tpu.memory_space<vmem>>
      %dma_start3A_154 = arith.constant 0 : i32
      %dma_start3A_155 = arith.constant 0 : i32
      %dma_start3A_156 = tpu.memref_slice %arg2[%dma_start3A_154, %dma_start3A_155] : memref<10000x128xf32, #tpu.memory_space<hbm>> -> memref<10000x128xf32, #tpu.memory_space<hbm>>
      tpu.enqueue_indirect_dma source(%dma_start3A_156 : memref<10000x128xf32, #tpu.memory_space<hbm>>) target(%arg11 : memref<80x128xf32, #tpu.memory_space<vmem>>) offsets(%dma_start3A : memref<80xi32, #tpu.memory_space<vmem>>) semaphore(%arg14 : memref<!tpu.dma_semaphore, #tpu.memory_space<semaphore_mem>>)
      %dma_wait3A = arith.constant 0 : i32
      %dma_wait3A_157 = tpu.memref_slice %arg8[%dma_wait3A] : memref<20160xi32, #tpu.memory_space<vmem>> -> memref<80xi32, #tpu.memory_space<vmem>>
      %dma_wait3A_158 = arith.constant 0 : i32
      %dma_wait3A_159 = arith.constant 0 : i32
      %dma_wait3A_160 = tpu.memref_slice %arg2[%dma_wait3A_158, %dma_wait3A_159] : memref<10000x128xf32, #tpu.memory_space<hbm>> -> memref<10000x128xf32, #tpu.memory_space<hbm>>
      tpu.wait_indirect_dma semaphore(%arg13 : memref<!tpu.dma_semaphore, #tpu.memory_space<semaphore_mem>>) src(%dma_wait3A_160 : memref<10000x128xf32, #tpu.memory_space<hbm>>) dst(%arg10 : memref<80x128xf32, #tpu.memory_space<vmem>>)
      %mul3A_161 = arith.constant 80 : i32
      %mul3A_162 = arith.muli %mul3A_149, %mul3A_161 : i32
      "tpu.region"() ({
        %run_scoped3A = tpu.sem_alloc : memref<!tpu.dma_semaphore, #tpu.memory_space<semaphore_mem>>
        %dma_start3A_178 = tpu.memref_slice %arg9[%mul3A_162] : memref<20160xi32, #tpu.memory_space<vmem>> -> memref<80xi32, #tpu.memory_space<vmem>>
        %dma_start3A_179 = arith.constant 0 : i32
        %dma_start3A_180 = arith.constant 0 : i32
        %dma_start3A_181 = tpu.memref_slice %arg12[%dma_start3A_179, %dma_start3A_180] : memref<5128x128xf32, #tpu.memory_space<vmem_shared>> -> memref<5128x128xf32, #tpu.memory_space<vmem_shared>>
        tpu.enqueue_indirect_dma source(%arg10 : memref<80x128xf32, #tpu.memory_space<vmem>>) target(%dma_start3A_181 : memref<5128x128xf32, #tpu.memory_space<vmem_shared>>) offsets(%dma_start3A_178 : memref<80xi32, #tpu.memory_space<vmem>>) semaphore(%run_scoped3A : memref<!tpu.dma_semaphore, #tpu.memory_space<semaphore_mem>>) {add = true}
        %dma_wait3A_182 = tpu.memref_slice %arg9[%mul3A_162] : memref<20160xi32, #tpu.memory_space<vmem>> -> memref<80xi32, #tpu.memory_space<vmem>>
        %dma_wait3A_183 = arith.constant 0 : i32
        %dma_wait3A_184 = arith.constant 0 : i32
        %dma_wait3A_185 = tpu.memref_slice %arg12[%dma_wait3A_183, %dma_wait3A_184] : memref<5128x128xf32, #tpu.memory_space<vmem_shared>> -> memref<5128x128xf32, #tpu.memory_space<vmem_shared>>
        tpu.wait_indirect_dma semaphore(%run_scoped3A : memref<!tpu.dma_semaphore, #tpu.memory_space<semaphore_mem>>) src(%arg10 : memref<80x128xf32, #tpu.memory_space<vmem>>) dst(%dma_wait3A_185 : memref<5128x128xf32, #tpu.memory_space<vmem_shared>>)
        tpu.yield
      }) : () -> ()
      %add3A_163 = arith.constant 2 : i32
      %add3A_164 = arith.addi %mul3A_149, %add3A_163 : i32
      %lt3A_165 = arith.cmpi slt, %add3A_164, %select_n3A : i32
      %convert_element_type3A_166 = arith.extui %lt3A_165 : i1 to i32
      %cond3A_167 = arith.constant 0 : i32
      %cond3A_168 = arith.cmpi ne, %convert_element_type3A_166, %cond3A_167 : i32
      scf.if %cond3A_168 {
        %add3A_178 = arith.constant 2 : i32
        %add3A_179 = arith.addi %mul3A_149, %add3A_178 : i32
        %mul3A_180 = arith.constant 80 : i32
        %mul3A_181 = arith.muli %add3A_179, %mul3A_180 : i32
        %dma_start3A_182 = tpu.memref_slice %arg8[%mul3A_181] : memref<20160xi32, #tpu.memory_space<vmem>> -> memref<80xi32, #tpu.memory_space<vmem>>
        %dma_start3A_183 = arith.constant 0 : i32
        %dma_start3A_184 = arith.constant 0 : i32
        %dma_start3A_185 = tpu.memref_slice %arg2[%dma_start3A_183, %dma_start3A_184] : memref<10000x128xf32, #tpu.memory_space<hbm>> -> memref<10000x128xf32, #tpu.memory_space<hbm>>
        tpu.enqueue_indirect_dma source(%dma_start3A_185 : memref<10000x128xf32, #tpu.memory_space<hbm>>) target(%arg10 : memref<80x128xf32, #tpu.memory_space<vmem>>) offsets(%dma_start3A_182 : memref<80xi32, #tpu.memory_space<vmem>>) semaphore(%arg13 : memref<!tpu.dma_semaphore, #tpu.memory_space<semaphore_mem>>)
      } else {
      }
      %dma_wait3A_169 = arith.constant 0 : i32
      %dma_wait3A_170 = tpu.memref_slice %arg8[%dma_wait3A_169] : memref<20160xi32, #tpu.memory_space<vmem>> -> memref<80xi32, #tpu.memory_space<vmem>>
      %dma_wait3A_171 = arith.constant 0 : i32
      %dma_wait3A_172 = arith.constant 0 : i32
      %dma_wait3A_173 = tpu.memref_slice %arg2[%dma_wait3A_171, %dma_wait3A_172] : memref<10000x128xf32, #tpu.memory_space<hbm>> -> memref<10000x128xf32, #tpu.memory_space<hbm>>
      tpu.wait_indirect_dma semaphore(%arg14 : memref<!tpu.dma_semaphore, #tpu.memory_space<semaphore_mem>>) src(%dma_wait3A_173 : memref<10000x128xf32, #tpu.memory_space<hbm>>) dst(%arg11 : memref<80x128xf32, #tpu.memory_space<vmem>>)
      %add3A_174 = arith.constant 1 : i32
      %add3A_175 = arith.addi %mul3A_149, %add3A_174 : i32
      %mul3A_176 = arith.constant 80 : i32
      %mul3A_177 = arith.muli %add3A_175, %mul3A_176 : i32
      "tpu.region"() ({
        %run_scoped3A = tpu.sem_alloc : memref<!tpu.dma_semaphore, #tpu.memory_space<semaphore_mem>>
        %dma_start3A_178 = tpu.memref_slice %arg9[%mul3A_177] : memref<20160xi32, #tpu.memory_space<vmem>> -> memref<80xi32, #tpu.memory_space<vmem>>
        %dma_start3A_179 = arith.constant 0 : i32
        %dma_start3A_180 = arith.constant 0 : i32
        %dma_start3A_181 = tpu.memref_slice %arg12[%dma_start3A_179, %dma_start3A_180] : memref<5128x128xf32, #tpu.memory_space<vmem_shared>> -> memref<5128x128xf32, #tpu.memory_space<vmem_shared>>
        tpu.enqueue_indirect_dma source(%arg11 : memref<80x128xf32, #tpu.memory_space<vmem>>) target(%dma_start3A_181 : memref<5128x128xf32, #tpu.memory_space<vmem_shared>>) offsets(%dma_start3A_178 : memref<80xi32, #tpu.memory_space<vmem>>) semaphore(%run_scoped3A : memref<!tpu.dma_semaphore, #tpu.memory_space<semaphore_mem>>) {add = true}
        %dma_wait3A_182 = tpu.memref_slice %arg9[%mul3A_177] : memref<20160xi32, #tpu.memory_space<vmem>> -> memref<80xi32, #tpu.memory_space<vmem>>
        %dma_wait3A_183 = arith.constant 0 : i32
        %dma_wait3A_184 = arith.constant 0 : i32
        %dma_wait3A_185 = tpu.memref_slice %arg12[%dma_wait3A_183, %dma_wait3A_184] : memref<5128x128xf32, #tpu.memory_space<vmem_shared>> -> memref<5128x128xf32, #tpu.memory_space<vmem_shared>>
        tpu.wait_indirect_dma semaphore(%run_scoped3A : memref<!tpu.dma_semaphore, #tpu.memory_space<semaphore_mem>>) src(%arg11 : memref<80x128xf32, #tpu.memory_space<vmem>>) dst(%dma_wait3A_185 : memref<5128x128xf32, #tpu.memory_space<vmem_shared>>)
        tpu.yield
      }) : () -> ()
    }
    %while3A_124 = arith.constant 1 : i32
    scf.for %while3A_147 = %while3A_122 to %while3A_118 step %while3A_124  : i32 {
      %mul3A_148 = arith.constant 2 : i32
      %mul3A_149 = arith.muli %mul3A_148, %while3A_147 : i32
      %add3A_150 = arith.constant 1 : i32
      %add3A_151 = arith.addi %mul3A_149, %add3A_150 : i32
      %mul3A_152 = arith.constant 80 : i32
      %mul3A_153 = arith.muli %add3A_151, %mul3A_152 : i32
      %dma_start3A = tpu.memref_slice %arg8[%mul3A_153] : memref<20160xi32, #tpu.memory_space<vmem>> -> memref<80xi32, #tpu.memory_space<vmem>>
      %dma_start3A_154 = arith.constant 0 : i32
      %dma_start3A_155 = arith.constant 0 : i32
      %dma_start3A_156 = tpu.memref_slice %arg2[%dma_start3A_154, %dma_start3A_155] : memref<10000x128xf32, #tpu.memory_space<hbm>> -> memref<10000x128xf32, #tpu.memory_space<hbm>>
      tpu.enqueue_indirect_dma source(%dma_start3A_156 : memref<10000x128xf32, #tpu.memory_space<hbm>>) target(%arg11 : memref<80x128xf32, #tpu.memory_space<vmem>>) offsets(%dma_start3A : memref<80xi32, #tpu.memory_space<vmem>>) semaphore(%arg14 : memref<!tpu.dma_semaphore, #tpu.memory_space<semaphore_mem>>)
      %dma_wait3A = arith.constant 0 : i32
      %dma_wait3A_157 = tpu.memref_slice %arg8[%dma_wait3A] : memref<20160xi32, #tpu.memory_space<vmem>> -> memref<80xi32, #tpu.memory_space<vmem>>
      %dma_wait3A_158 = arith.constant 0 : i32
      %dma_wait3A_159 = arith.constant 0 : i32
      %dma_wait3A_160 = tpu.memref_slice %arg2[%dma_wait3A_158, %dma_wait3A_159] : memref<10000x128xf32, #tpu.memory_space<hbm>> -> memref<10000x128xf32, #tpu.memory_space<hbm>>
      tpu.wait_indirect_dma semaphore(%arg13 : memref<!tpu.dma_semaphore, #tpu.memory_space<semaphore_mem>>) src(%dma_wait3A_160 : memref<10000x128xf32, #tpu.memory_space<hbm>>) dst(%arg10 : memref<80x128xf32, #tpu.memory_space<vmem>>)
      %mul3A_161 = arith.constant 80 : i32
      %mul3A_162 = arith.muli %mul3A_149, %mul3A_161 : i32
      "tpu.region"() ({
        %run_scoped3A = tpu.sem_alloc : memref<!tpu.dma_semaphore, #tpu.memory_space<semaphore_mem>>
        %dma_start3A_178 = tpu.memref_slice %arg9[%mul3A_162] : memref<20160xi32, #tpu.memory_space<vmem>> -> memref<80xi32, #tpu.memory_space<vmem>>
        %dma_start3A_179 = arith.constant 0 : i32
        %dma_start3A_180 = arith.constant 0 : i32
        %dma_start3A_181 = tpu.memref_slice %arg12[%dma_start3A_179, %dma_start3A_180] : memref<5128x128xf32, #tpu.memory_space<vmem_shared>> -> memref<5128x128xf32, #tpu.memory_space<vmem_shared>>
        tpu.enqueue_indirect_dma source(%arg10 : memref<80x128xf32, #tpu.memory_space<vmem>>) target(%dma_start3A_181 : memref<5128x128xf32, #tpu.memory_space<vmem_shared>>) offsets(%dma_start3A_178 : memref<80xi32, #tpu.memory_space<vmem>>) semaphore(%run_scoped3A : memref<!tpu.dma_semaphore, #tpu.memory_space<semaphore_mem>>) {add = true}
        %dma_wait3A_182 = tpu.memref_slice %arg9[%mul3A_162] : memref<20160xi32, #tpu.memory_space<vmem>> -> memref<80xi32, #tpu.memory_space<vmem>>
        %dma_wait3A_183 = arith.constant 0 : i32
        %dma_wait3A_184 = arith.constant 0 : i32
        %dma_wait3A_185 = tpu.memref_slice %arg12[%dma_wait3A_183, %dma_wait3A_184] : memref<5128x128xf32, #tpu.memory_space<vmem_shared>> -> memref<5128x128xf32, #tpu.memory_space<vmem_shared>>
        tpu.wait_indirect_dma semaphore(%run_scoped3A : memref<!tpu.dma_semaphore, #tpu.memory_space<semaphore_mem>>) src(%arg10 : memref<80x128xf32, #tpu.memory_space<vmem>>) dst(%dma_wait3A_185 : memref<5128x128xf32, #tpu.memory_space<vmem_shared>>)
        tpu.yield
      }) : () -> ()
      %add3A_163 = arith.constant 2 : i32
      %add3A_164 = arith.addi %mul3A_149, %add3A_163 : i32
      %lt3A_165 = arith.cmpi slt, %add3A_164, %select_n3A : i32
      %convert_element_type3A_166 = arith.extui %lt3A_165 : i1 to i32
      %cond3A_167 = arith.constant 0 : i32
      %cond3A_168 = arith.cmpi ne, %convert_element_type3A_166, %cond3A_167 : i32
      scf.if %cond3A_168 {
        %add3A_178 = arith.constant 2 : i32
        %add3A_179 = arith.addi %mul3A_149, %add3A_178 : i32
        %mul3A_180 = arith.constant 80 : i32
        %mul3A_181 = arith.muli %add3A_179, %mul3A_180 : i32
        %dma_start3A_182 = tpu.memref_slice %arg8[%mul3A_181] : memref<20160xi32, #tpu.memory_space<vmem>> -> memref<80xi32, #tpu.memory_space<vmem>>
        %dma_start3A_183 = arith.constant 0 : i32
        %dma_start3A_184 = arith.constant 0 : i32
        %dma_start3A_185 = tpu.memref_slice %arg2[%dma_start3A_183, %dma_start3A_184] : memref<10000x128xf32, #tpu.memory_space<hbm>> -> memref<10000x128xf32, #tpu.memory_space<hbm>>
        tpu.enqueue_indirect_dma source(%dma_start3A_185 : memref<10000x128xf32, #tpu.memory_space<hbm>>) target(%arg10 : memref<80x128xf32, #tpu.memory_space<vmem>>) offsets(%dma_start3A_182 : memref<80xi32, #tpu.memory_space<vmem>>) semaphore(%arg13 : memref<!tpu.dma_semaphore, #tpu.memory_space<semaphore_mem>>)
      } else {
      }
      %dma_wait3A_169 = arith.constant 0 : i32
      %dma_wait3A_170 = tpu.memref_slice %arg8[%dma_wait3A_169] : memref<20160xi32, #tpu.memory_space<vmem>> -> memref<80xi32, #tpu.memory_space<vmem>>
      %dma_wait3A_171 = arith.constant 0 : i32
      %dma_wait3A_172 = arith.constant 0 : i32
      %dma_wait3A_173 = tpu.memref_slice %arg2[%dma_wait3A_171, %dma_wait3A_172] : memref<10000x128xf32, #tpu.memory_space<hbm>> -> memref<10000x128xf32, #tpu.memory_space<hbm>>
      tpu.wait_indirect_dma semaphore(%arg14 : memref<!tpu.dma_semaphore, #tpu.memory_space<semaphore_mem>>) src(%dma_wait3A_173 : memref<10000x128xf32, #tpu.memory_space<hbm>>) dst(%arg11 : memref<80x128xf32, #tpu.memory_space<vmem>>)
      %add3A_174 = arith.constant 1 : i32
      %add3A_175 = arith.addi %mul3A_149, %add3A_174 : i32
      %mul3A_176 = arith.constant 80 : i32
      %mul3A_177 = arith.muli %add3A_175, %mul3A_176 : i32
      "tpu.region"() ({
        %run_scoped3A = tpu.sem_alloc : memref<!tpu.dma_semaphore, #tpu.memory_space<semaphore_mem>>
        %dma_start3A_178 = tpu.memref_slice %arg9[%mul3A_177] : memref<20160xi32, #tpu.memory_space<vmem>> -> memref<80xi32, #tpu.memory_space<vmem>>
        %dma_start3A_179 = arith.constant 0 : i32
        %dma_start3A_180 = arith.constant 0 : i32
        %dma_start3A_181 = tpu.memref_slice %arg12[%dma_start3A_179, %dma_start3A_180] : memref<5128x128xf32, #tpu.memory_space<vmem_shared>> -> memref<5128x128xf32, #tpu.memory_space<vmem_shared>>
        tpu.enqueue_indirect_dma source(%arg11 : memref<80x128xf32, #tpu.memory_space<vmem>>) target(%dma_start3A_181 : memref<5128x128xf32, #tpu.memory_space<vmem_shared>>) offsets(%dma_start3A_178 : memref<80xi32, #tpu.memory_space<vmem>>) semaphore(%run_scoped3A : memref<!tpu.dma_semaphore, #tpu.memory_space<semaphore_mem>>) {add = true}
        %dma_wait3A_182 = tpu.memref_slice %arg9[%mul3A_177] : memref<20160xi32, #tpu.memory_space<vmem>> -> memref<80xi32, #tpu.memory_space<vmem>>
        %dma_wait3A_183 = arith.constant 0 : i32
        %dma_wait3A_184 = arith.constant 0 : i32
        %dma_wait3A_185 = tpu.memref_slice %arg12[%dma_wait3A_183, %dma_wait3A_184] : memref<5128x128xf32, #tpu.memory_space<vmem_shared>> -> memref<5128x128xf32, #tpu.memory_space<vmem_shared>>
        tpu.wait_indirect_dma semaphore(%run_scoped3A : memref<!tpu.dma_semaphore, #tpu.memory_space<semaphore_mem>>) src(%arg11 : memref<80x128xf32, #tpu.memory_space<vmem>>) dst(%dma_wait3A_185 : memref<5128x128xf32, #tpu.memory_space<vmem_shared>>)
        tpu.yield
      }) : () -> ()
    }
    %jit3A_125 = arith.constant 2 : i32
    %eq3A_126 = arith.constant 0 : i32
    %eq3A_127 = arith.cmpi eq, %jit3A_125, %eq3A_126 : i32
    %jit3A_128 = arith.constant 1 : i32
    %select_n3A_129 = arith.select %eq3A_127, %jit3A_128, %jit3A_125 : i32
    %rem3A_130 = arith.remsi %select_n3A, %select_n3A_129 : i32
    %ne3A_131 = arith.constant 0 : i32
    %ne3A_132 = arith.cmpi ne, %rem3A_130, %ne3A_131 : i32
    %lt3A = arith.constant 0 : i32
    %lt3A_133 = arith.cmpi slt, %rem3A_130, %lt3A : i32
    %lt3A_134 = arith.constant 0 : i32
    %lt3A_135 = arith.cmpi slt, %select_n3A_129, %lt3A_134 : i32
    %ne3A_136 = arith.xori %lt3A_133, %lt3A_135 : i1
    %and3A_137 = arith.andi %ne3A_136, %ne3A_132 : i1
    %add3A_138 = arith.addi %rem3A_130, %select_n3A_129 : i32
    %select_n3A_139 = arith.select %and3A_137, %add3A_138, %rem3A_130 : i32
    %eq3A_140 = arith.constant 1 : i32
    %eq3A_141 = arith.cmpi eq, %select_n3A_139, %eq3A_140 : i32
    %convert_element_type3A_142 = arith.extui %eq3A_141 : i1 to i32
    %cond3A_143 = arith.constant 0 : i32
    %cond3A_144 = arith.cmpi ne, %convert_element_type3A_142, %cond3A_143 : i32
    scf.if %cond3A_144 {
      %dma_wait3A = arith.constant 0 : i32
      %dma_wait3A_147 = tpu.memref_slice %arg8[%dma_wait3A] : memref<20160xi32, #tpu.memory_space<vmem>> -> memref<80xi32, #tpu.memory_space<vmem>>
      %dma_wait3A_148 = arith.constant 0 : i32
      %dma_wait3A_149 = arith.constant 0 : i32
      %dma_wait3A_150 = tpu.memref_slice %arg2[%dma_wait3A_148, %dma_wait3A_149] : memref<10000x128xf32, #tpu.memory_space<hbm>> -> memref<10000x128xf32, #tpu.memory_space<hbm>>
      tpu.wait_indirect_dma semaphore(%arg13 : memref<!tpu.dma_semaphore, #tpu.memory_space<semaphore_mem>>) src(%dma_wait3A_150 : memref<10000x128xf32, #tpu.memory_space<hbm>>) dst(%arg10 : memref<80x128xf32, #tpu.memory_space<vmem>>)
      %sub3A_151 = arith.constant 1 : i32
      %sub3A_152 = arith.subi %select_n3A, %sub3A_151 : i32
      %mul3A_153 = arith.constant 80 : i32
      %mul3A_154 = arith.muli %sub3A_152, %mul3A_153 : i32
      "tpu.region"() ({
        %run_scoped3A = tpu.sem_alloc : memref<!tpu.dma_semaphore, #tpu.memory_space<semaphore_mem>>
        %dma_start3A = tpu.memref_slice %arg9[%mul3A_154] : memref<20160xi32, #tpu.memory_space<vmem>> -> memref<80xi32, #tpu.memory_space<vmem>>
        %dma_start3A_155 = arith.constant 0 : i32
        %dma_start3A_156 = arith.constant 0 : i32
        %dma_start3A_157 = tpu.memref_slice %arg12[%dma_start3A_155, %dma_start3A_156] : memref<5128x128xf32, #tpu.memory_space<vmem_shared>> -> memref<5128x128xf32, #tpu.memory_space<vmem_shared>>
        tpu.enqueue_indirect_dma source(%arg10 : memref<80x128xf32, #tpu.memory_space<vmem>>) target(%dma_start3A_157 : memref<5128x128xf32, #tpu.memory_space<vmem_shared>>) offsets(%dma_start3A : memref<80xi32, #tpu.memory_space<vmem>>) semaphore(%run_scoped3A : memref<!tpu.dma_semaphore, #tpu.memory_space<semaphore_mem>>) {add = true}
        %dma_wait3A_158 = tpu.memref_slice %arg9[%mul3A_154] : memref<20160xi32, #tpu.memory_space<vmem>> -> memref<80xi32, #tpu.memory_space<vmem>>
        %dma_wait3A_159 = arith.constant 0 : i32
        %dma_wait3A_160 = arith.constant 0 : i32
        %dma_wait3A_161 = tpu.memref_slice %arg12[%dma_wait3A_159, %dma_wait3A_160] : memref<5128x128xf32, #tpu.memory_space<vmem_shared>> -> memref<5128x128xf32, #tpu.memory_space<vmem_shared>>
        tpu.wait_indirect_dma semaphore(%run_scoped3A : memref<!tpu.dma_semaphore, #tpu.memory_space<semaphore_mem>>) src(%arg10 : memref<80x128xf32, #tpu.memory_space<vmem>>) dst(%dma_wait3A_161 : memref<5128x128xf32, #tpu.memory_space<vmem_shared>>)
        tpu.yield
      }) : () -> ()
    } else {
    }
    %barrier3A_145 = arith.constant 0 : index
    tpu.barrier barrier_id(%barrier3A_145)
    %add3A_146 = arith.addi %mul3A_0, %mul3A_77 : i32
    "tpu.region"() ({
      %run_scoped3A = tpu.sem_alloc : memref<!tpu.dma_semaphore, #tpu.memory_space<semaphore_mem>>
      %dma_start3A = arith.constant 0 : i32
      %dma_start3A_147 = tpu.memref_slice %arg5[%add3A_146, %dma_start3A] : memref<10240x128xf32, #tpu.memory_space<hbm>> -> memref<320x128xf32, #tpu.memory_space<hbm>>
      %dma_start3A_148 = arith.constant 0 : i32
      %dma_start3A_149 = tpu.memref_slice %arg12[%mul3A_77, %dma_start3A_148] : memref<5128x128xf32, #tpu.memory_space<vmem_shared>> -> memref<320x128xf32, #tpu.memory_space<vmem_shared>>
      tpu.enqueue_dma source(%dma_start3A_149 : memref<320x128xf32, #tpu.memory_space<vmem_shared>>) target(%dma_start3A_147 : memref<320x128xf32, #tpu.memory_space<hbm>>) target_semaphore(%run_scoped3A : memref<!tpu.dma_semaphore, #tpu.memory_space<semaphore_mem>>)
      %dma_wait3A = arith.constant 0 : i32
      %dma_wait3A_150 = tpu.memref_slice %arg5[%add3A_146, %dma_wait3A] : memref<10240x128xf32, #tpu.memory_space<hbm>> -> memref<320x128xf32, #tpu.memory_space<hbm>>
      %dma_wait3A_151 = arith.constant 0 : i32
      %dma_wait3A_152 = tpu.memref_slice %arg12[%mul3A_77, %dma_wait3A_151] : memref<5128x128xf32, #tpu.memory_space<vmem_shared>> -> memref<320x128xf32, #tpu.memory_space<vmem_shared>>
      tpu.wait_dma2 semaphore(%run_scoped3A : memref<!tpu.dma_semaphore, #tpu.memory_space<semaphore_mem>>) src(%dma_wait3A_152 : memref<320x128xf32, #tpu.memory_space<vmem_shared>>) dst(%dma_wait3A_150 : memref<320x128xf32, #tpu.memory_space<hbm>>)
      tpu.yield
    }) : () -> ()
    return
  }
}

#map = affine_map<(d0, d1) -> (0, 0)>
module attributes {stable_mosaic.version = 14 : i64} {
  func.func @body(%arg0: i32, %arg1: i32, %arg2: memref<32x10000xi32, #tpu.memory_space<hbm>>, %arg3: memref<32x10240xf32, #tpu.memory_space<hbm>>, %arg4: memref<10000xi32, #tpu.memory_space<vmem>>, %arg5: memref<10240xf32, #tpu.memory_space<vmem>>) attributes {dimension_semantics = [#tpu.dimension_semantics<core_parallel>, #tpu.dimension_semantics<subcore_parallel>], iteration_bounds = array<i64: 2, 16>, scalar_prefetch = 0 : i64, scratch_operands = 2 : i64, tpu.core_type = #tpu.core_type<sc_vector_subcore>, window_params = [{transform_indices = #map}, {transform_indices = #map}]} {
    %mul3A = arith.constant 16 : i32
    %mul3A_0 = arith.muli %arg0, %mul3A : i32
    %add3A = arith.addi %mul3A_0, %arg1 : i32
    "tpu.region"() ({
      %run_scoped3A = tpu.sem_alloc : memref<!tpu.dma_semaphore, #tpu.memory_space<semaphore_mem>>
      %dma_start3A = arith.constant 0 : i32
      %dma_start3A_15 = tpu.memref_slice %arg2[%add3A, %dma_start3A] : memref<32x10000xi32, #tpu.memory_space<hbm>> -> memref<1x10000xi32, #tpu.memory_space<hbm>>
      %dma_start3A_16 = tpu.memref_squeeze %dma_start3A_15 : memref<1x10000xi32, #tpu.memory_space<hbm>> -> memref<10000xi32, #tpu.memory_space<hbm>>
      %dma_start3A_17 = arith.constant 0 : i32
      %dma_start3A_18 = tpu.memref_slice %arg2[%add3A, %dma_start3A_17] : memref<32x10000xi32, #tpu.memory_space<hbm>> -> memref<1x10000xi32, #tpu.memory_space<hbm>>
      %dma_start3A_19 = tpu.memref_squeeze %dma_start3A_18 : memref<1x10000xi32, #tpu.memory_space<hbm>> -> memref<10000xi32, #tpu.memory_space<hbm>>
      tpu.enqueue_dma source(%dma_start3A_19 : memref<10000xi32, #tpu.memory_space<hbm>>) target(%arg4 : memref<10000xi32, #tpu.memory_space<vmem>>) target_semaphore(%run_scoped3A : memref<!tpu.dma_semaphore, #tpu.memory_space<semaphore_mem>>)
      %dma_wait3A = arith.constant 0 : i32
      %dma_wait3A_20 = tpu.memref_slice %arg2[%add3A, %dma_wait3A] : memref<32x10000xi32, #tpu.memory_space<hbm>> -> memref<1x10000xi32, #tpu.memory_space<hbm>>
      %dma_wait3A_21 = tpu.memref_squeeze %dma_wait3A_20 : memref<1x10000xi32, #tpu.memory_space<hbm>> -> memref<10000xi32, #tpu.memory_space<hbm>>
      %dma_wait3A_22 = arith.constant 0 : i32
      %dma_wait3A_23 = tpu.memref_slice %arg2[%add3A, %dma_wait3A_22] : memref<32x10000xi32, #tpu.memory_space<hbm>> -> memref<1x10000xi32, #tpu.memory_space<hbm>>
      %dma_wait3A_24 = tpu.memref_squeeze %dma_wait3A_23 : memref<1x10000xi32, #tpu.memory_space<hbm>> -> memref<10000xi32, #tpu.memory_space<hbm>>
      tpu.wait_dma2 semaphore(%run_scoped3A : memref<!tpu.dma_semaphore, #tpu.memory_space<semaphore_mem>>) src(%dma_wait3A_24 : memref<10000xi32, #tpu.memory_space<hbm>>) dst(%arg4 : memref<10000xi32, #tpu.memory_space<vmem>>)
      tpu.yield
    }) : () -> ()
    %broadcast_in_dim3A = arith.constant 0.000000e+00 : f32
    %broadcast_in_dim3A_1 = vector.broadcast %broadcast_in_dim3A : f32 to vector<16xf32>
    %scan3A = arith.constant 0 : i32
    %scan3A_2 = arith.constant 0 : i32
    %scan3A_3 = arith.constant 640 : i32
    %scan3A_4 = arith.addi %scan3A_2, %scan3A_3 : i32
    %scan3A_5 = arith.constant 1 : i32
    scf.for %scan3A_15 = %scan3A_2 to %scan3A_4 step %scan3A_5  : i32 {
      %mul3A_16 = arith.constant 16 : i32
      %mul3A_17 = arith.muli %scan3A_15, %mul3A_16 : i32
      %swap3A = arith.index_cast %mul3A_17 : i32 to index
      %swap3A_18 = tpu.vector_load %arg5[%swap3A] {strides = array<i32>} : memref<10240xf32, #tpu.memory_space<vmem>>, vector<16xf32>,
      tpu.vector_store %arg5[%swap3A], %broadcast_in_dim3A_1 {strides = array<i32>} : memref<10240xf32, #tpu.memory_space<vmem>>, vector<16xf32>,
    }
    %scan3A_6 = arith.constant 640 : i32
    %broadcast_in_dim3A_7 = arith.constant 1.000000e+00 : f32
    %broadcast_in_dim3A_8 = vector.broadcast %broadcast_in_dim3A_7 : f32 to vector<16xf32>
    %scan3A_9 = arith.constant 0 : i32
    %scan3A_10 = arith.constant 0 : i32
    %scan3A_11 = arith.constant 625 : i32
    %scan3A_12 = arith.addi %scan3A_10, %scan3A_11 : i32
    %scan3A_13 = arith.constant 1 : i32
    scf.for %scan3A_15 = %scan3A_10 to %scan3A_12 step %scan3A_13  : i32 {
      %mul3A_16 = arith.constant 16 : i32
      %mul3A_17 = arith.muli %scan3A_15, %mul3A_16 : i32
      %get3A = arith.index_cast %mul3A_17 : i32 to index
      %get3A_18 = tpu.vector_load %arg4[%get3A] {strides = array<i32>} : memref<10000xi32, #tpu.memory_space<vmem>>, vector<16xi32>,
      tpu.vector_store_idx %arg5[%get3A_18], %broadcast_in_dim3A_8 {add = true} : memref<10240xf32, #tpu.memory_space<vmem>>[vector<16xi32>], vector<16xf32>,
    }
    %scan3A_14 = arith.constant 625 : i32
    "tpu.region"() ({
      %run_scoped3A = tpu.sem_alloc : memref<!tpu.dma_semaphore, #tpu.memory_space<semaphore_mem>>
      %dma_start3A = arith.constant 0 : i32
      %dma_start3A_15 = tpu.memref_slice %arg3[%add3A, %dma_start3A] : memref<32x10240xf32, #tpu.memory_space<hbm>> -> memref<1x10240xf32, #tpu.memory_space<hbm>>
      %dma_start3A_16 = tpu.memref_squeeze %dma_start3A_15 : memref<1x10240xf32, #tpu.memory_space<hbm>> -> memref<10240xf32, #tpu.memory_space<hbm>>
      %dma_start3A_17 = arith.constant 0 : i32
      %dma_start3A_18 = tpu.memref_slice %arg3[%add3A, %dma_start3A_17] : memref<32x10240xf32, #tpu.memory_space<hbm>> -> memref<1x10240xf32, #tpu.memory_space<hbm>>
      %dma_start3A_19 = tpu.memref_squeeze %dma_start3A_18 : memref<1x10240xf32, #tpu.memory_space<hbm>> -> memref<10240xf32, #tpu.memory_space<hbm>>
      tpu.enqueue_dma source(%arg5 : memref<10240xf32, #tpu.memory_space<vmem>>) target(%dma_start3A_19 : memref<10240xf32, #tpu.memory_space<hbm>>) target_semaphore(%run_scoped3A : memref<!tpu.dma_semaphore, #tpu.memory_space<semaphore_mem>>)
      %dma_wait3A = arith.constant 0 : i32
      %dma_wait3A_20 = tpu.memref_slice %arg3[%add3A, %dma_wait3A] : memref<32x10240xf32, #tpu.memory_space<hbm>> -> memref<1x10240xf32, #tpu.memory_space<hbm>>
      %dma_wait3A_21 = tpu.memref_squeeze %dma_wait3A_20 : memref<1x10240xf32, #tpu.memory_space<hbm>> -> memref<10240xf32, #tpu.memory_space<hbm>>
      %dma_wait3A_22 = arith.constant 0 : i32
      %dma_wait3A_23 = tpu.memref_slice %arg3[%add3A, %dma_wait3A_22] : memref<32x10240xf32, #tpu.memory_space<hbm>> -> memref<1x10240xf32, #tpu.memory_space<hbm>>
      %dma_wait3A_24 = tpu.memref_squeeze %dma_wait3A_23 : memref<1x10240xf32, #tpu.memory_space<hbm>> -> memref<10240xf32, #tpu.memory_space<hbm>>
      tpu.wait_dma2 semaphore(%run_scoped3A : memref<!tpu.dma_semaphore, #tpu.memory_space<semaphore_mem>>) src(%arg5 : memref<10240xf32, #tpu.memory_space<vmem>>) dst(%dma_wait3A_24 : memref<10240xf32, #tpu.memory_space<hbm>>)
      tpu.yield
    }) : () -> ()
    return
  }
}

#map = affine_map<(d0, d1) -> (0, 0)>
module attributes {stable_mosaic.version = 14 : i64} {
  func.func @body(%arg0: i32, %arg1: i32, %arg2: memref<10000x128xf32, #tpu.memory_space<hbm>>, %arg3: memref<160x2000xi32, #tpu.memory_space<hbm>>, %arg4: memref<160x2000xi32, #tpu.memory_space<hbm>>, %arg5: memref<10240x128xf32, #tpu.memory_space<hbm>>, %arg6: memref<2000xi32, #tpu.memory_space<vmem>>, %arg7: memref<2000xi32, #tpu.memory_space<vmem>>, %arg8: memref<20160xi32, #tpu.memory_space<vmem>>, %arg9: memref<20160xi32, #tpu.memory_space<vmem>>, %arg10: memref<80x128xf32, #tpu.memory_space<vmem>>, %arg11: memref<80x128xf32, #tpu.memory_space<vmem>>, %arg12: memref<5128x128xf32, #tpu.memory_space<vmem_shared>>, %arg13: memref<!tpu.dma_semaphore, #tpu.memory_space<semaphore_mem>>, %arg14: memref<!tpu.dma_semaphore, #tpu.memory_space<semaphore_mem>>) attributes {dimension_semantics = [#tpu.dimension_semantics<core_parallel>, #tpu.dimension_semantics<subcore_parallel>], iteration_bounds = array<i64: 2, 16>, scalar_prefetch = 0 : i64, scratch_operands = 9 : i64, tpu.core_type = #tpu.core_type<sc_vector_subcore>, window_params = [{transform_indices = #map}, {transform_indices = #map}, {transform_indices = #map}, {transform_indices = #map}]} {
    %mul3A = arith.constant 5120 : i32
    %mul3A_0 = arith.muli %arg0, %mul3A : i32
    %scan3A = arith.constant 0 : i32
    %scan3A_1 = arith.constant 0 : i32
    %scan3A_2 = arith.constant 10 : i32
    %scan3A_3 = arith.addi %scan3A_1, %scan3A_2 : i32
    %scan3A_4 = arith.constant 1 : i32
    %scan3A_5 = scf.for %scan3A_147 = %scan3A_1 to %scan3A_3 step %scan3A_4 iter_args(%scan3A_148 = %scan3A) -> (i32)  : i32 {
      %mul3A_149 = arith.constant 10 : i32
      %mul3A_150 = arith.muli %arg1, %mul3A_149 : i32
      %add3A_151 = arith.addi %mul3A_150, %scan3A_147 : i32
      "tpu.region"() ({
        %run_scoped3A = tpu.sem_alloc : memref<!tpu.dma_semaphore, #tpu.memory_space<semaphore_mem>>
        %dma_start3A = arith.constant 0 : i32
        %dma_start3A_161 = tpu.memref_slice %arg3[%add3A_151, %dma_start3A] : memref<160x2000xi32, #tpu.memory_space<hbm>> -> memref<1x2000xi32, #tpu.memory_space<hbm>>
        %dma_start3A_162 = tpu.memref_squeeze %dma_start3A_161 : memref<1x2000xi32, #tpu.memory_space<hbm>> -> memref<2000xi32, #tpu.memory_space<hbm>>
        %dma_start3A_163 = arith.constant 0 : i32
        %dma_start3A_164 = tpu.memref_slice %arg3[%add3A_151, %dma_start3A_163] : memref<160x2000xi32, #tpu.memory_space<hbm>> -> memref<1x2000xi32, #tpu.memory_space<hbm>>
        %dma_start3A_165 = tpu.memref_squeeze %dma_start3A_164 : memref<1x2000xi32, #tpu.memory_space<hbm>> -> memref<2000xi32, #tpu.memory_space<hbm>>
        tpu.enqueue_dma source(%dma_start3A_165 : memref<2000xi32, #tpu.memory_space<hbm>>) target(%arg6 : memref<2000xi32, #tpu.memory_space<vmem>>) target_semaphore(%run_scoped3A : memref<!tpu.dma_semaphore, #tpu.memory_space<semaphore_mem>>)
        %dma_wait3A = arith.constant 0 : i32
        %dma_wait3A_166 = tpu.memref_slice %arg3[%add3A_151, %dma_wait3A] : memref<160x2000xi32, #tpu.memory_space<hbm>> -> memref<1x2000xi32, #tpu.memory_space<hbm>>
        %dma_wait3A_167 = tpu.memref_squeeze %dma_wait3A_166 : memref<1x2000xi32, #tpu.memory_space<hbm>> -> memref<2000xi32, #tpu.memory_space<hbm>>
        %dma_wait3A_168 = arith.constant 0 : i32
        %dma_wait3A_169 = tpu.memref_slice %arg3[%add3A_151, %dma_wait3A_168] : memref<160x2000xi32, #tpu.memory_space<hbm>> -> memref<1x2000xi32, #tpu.memory_space<hbm>>
        %dma_wait3A_170 = tpu.memref_squeeze %dma_wait3A_169 : memref<1x2000xi32, #tpu.memory_space<hbm>> -> memref<2000xi32, #tpu.memory_space<hbm>>
        tpu.wait_dma2 semaphore(%run_scoped3A : memref<!tpu.dma_semaphore, #tpu.memory_space<semaphore_mem>>) src(%dma_wait3A_170 : memref<2000xi32, #tpu.memory_space<hbm>>) dst(%arg6 : memref<2000xi32, #tpu.memory_space<vmem>>)
        tpu.yield
      }) : () -> ()
      %mul3A_152 = arith.constant 10 : i32
      %mul3A_153 = arith.muli %arg1, %mul3A_152 : i32
      %add3A_154 = arith.addi %mul3A_153, %scan3A_147 : i32
      "tpu.region"() ({
        %run_scoped3A = tpu.sem_alloc : memref<!tpu.dma_semaphore, #tpu.memory_space<semaphore_mem>>
        %dma_start3A = arith.constant 0 : i32
        %dma_start3A_161 = tpu.memref_slice %arg4[%add3A_154, %dma_start3A] : memref<160x2000xi32, #tpu.memory_space<hbm>> -> memref<1x2000xi32, #tpu.memory_space<hbm>>
        %dma_start3A_162 = tpu.memref_squeeze %dma_start3A_161 : memref<1x2000xi32, #tpu.memory_space<hbm>> -> memref<2000xi32, #tpu.memory_space<hbm>>
        %dma_start3A_163 = arith.constant 0 : i32
        %dma_start3A_164 = tpu.memref_slice %arg4[%add3A_154, %dma_start3A_163] : memref<160x2000xi32, #tpu.memory_space<hbm>> -> memref<1x2000xi32, #tpu.memory_space<hbm>>
        %dma_start3A_165 = tpu.memref_squeeze %dma_start3A_164 : memref<1x2000xi32, #tpu.memory_space<hbm>> -> memref<2000xi32, #tpu.memory_space<hbm>>
        tpu.enqueue_dma source(%dma_start3A_165 : memref<2000xi32, #tpu.memory_space<hbm>>) target(%arg7 : memref<2000xi32, #tpu.memory_space<vmem>>) target_semaphore(%run_scoped3A : memref<!tpu.dma_semaphore, #tpu.memory_space<semaphore_mem>>)
        %dma_wait3A = arith.constant 0 : i32
        %dma_wait3A_166 = tpu.memref_slice %arg4[%add3A_154, %dma_wait3A] : memref<160x2000xi32, #tpu.memory_space<hbm>> -> memref<1x2000xi32, #tpu.memory_space<hbm>>
        %dma_wait3A_167 = tpu.memref_squeeze %dma_wait3A_166 : memref<1x2000xi32, #tpu.memory_space<hbm>> -> memref<2000xi32, #tpu.memory_space<hbm>>
        %dma_wait3A_168 = arith.constant 0 : i32
        %dma_wait3A_169 = tpu.memref_slice %arg4[%add3A_154, %dma_wait3A_168] : memref<160x2000xi32, #tpu.memory_space<hbm>> -> memref<1x2000xi32, #tpu.memory_space<hbm>>
        %dma_wait3A_170 = tpu.memref_squeeze %dma_wait3A_169 : memref<1x2000xi32, #tpu.memory_space<hbm>> -> memref<2000xi32, #tpu.memory_space<hbm>>
        tpu.wait_dma2 semaphore(%run_scoped3A : memref<!tpu.dma_semaphore, #tpu.memory_space<semaphore_mem>>) src(%dma_wait3A_170 : memref<2000xi32, #tpu.memory_space<hbm>>) dst(%arg7 : memref<2000xi32, #tpu.memory_space<vmem>>)
        tpu.yield
      }) : () -> ()
      %scan3A_155 = arith.constant 0 : i32
      %scan3A_156 = arith.constant 125 : i32
      %scan3A_157 = arith.addi %scan3A_155, %scan3A_156 : i32
      %scan3A_158 = arith.constant 1 : i32
      %scan3A_159 = scf.for %scan3A_161 = %scan3A_155 to %scan3A_157 step %scan3A_158 iter_args(%scan3A_162 = %scan3A_148) -> (i32)  : i32 {
        %mul3A_163 = arith.constant 16 : i32
        %mul3A_164 = arith.muli %mul3A_163, %scan3A_161 : i32
        %get3A = arith.index_cast %mul3A_164 : i32 to index
        %get3A_165 = tpu.vector_load %arg6[%get3A] {strides = array<i32>} : memref<2000xi32, #tpu.memory_space<vmem>>, vector<16xi32>,
        %mul3A_166 = arith.constant 16 : i32
        %mul3A_167 = arith.muli %mul3A_166, %scan3A_161 : i32
        %get3A_168 = arith.index_cast %mul3A_167 : i32 to index
        %get3A_169 = tpu.vector_load %arg7[%get3A_168] {strides = array<i32>} : memref<2000xi32, #tpu.memory_space<vmem>>, vector<16xi32>,
        %sub3A_170 = vector.broadcast %mul3A_0 : i32 to vector<16xi32>
        %sub3A_171 = arith.subi %get3A_169, %sub3A_170 : vector<16xi32>
        %ge3A = arith.constant 0 : i32
        %ge3A_172 = vector.broadcast %ge3A : i32 to vector<16xi32>
        %ge3A_173 = arith.cmpi sge, %sub3A_171, %ge3A_172 : vector<16xi32>
        %lt3A_174 = arith.constant 5120 : i32
        %lt3A_175 = vector.broadcast %lt3A_174 : i32 to vector<16xi32>
        %lt3A_176 = arith.cmpi slt, %sub3A_171, %lt3A_175 : vector<16xi32>
        %and3A_177 = arith.andi %ge3A_173, %lt3A_176 : vector<16xi1>
        %swap3A_178 = arith.index_cast %scan3A_162 : i32 to index
        %swap3A_179 = tpu.vector_load %arg8[%swap3A_178] masked %and3A_177 {strides = array<i32>} : memref<20160xi32, #tpu.memory_space<vmem>>, vector<16xi32>, vector<16xi1>
        tpu.vector_store %arg8[%swap3A_178], %get3A_165 masked %and3A_177 {strides = array<i32>} : memref<20160xi32, #tpu.memory_space<vmem>>, vector<16xi32>, vector<16xi1>
        %swap3A_180 = arith.index_cast %scan3A_162 : i32 to index
        %swap3A_181 = tpu.vector_load %arg9[%swap3A_180] masked %and3A_177 {strides = array<i32>} : memref<20160xi32, #tpu.memory_space<vmem>>, vector<16xi32>, vector<16xi1>
        tpu.vector_store %arg9[%swap3A_180], %sub3A_171 masked %and3A_177 {strides = array<i32>} : memref<20160xi32, #tpu.memory_space<vmem>>, vector<16xi32>, vector<16xi1>
        %jit3A_182 = arith.constant 1 : i32
        %jit3A_183 = arith.constant 0 : i32
        %broadcast_in_dim3A_184 = vector.broadcast %jit3A_182 : i32 to vector<16xi32>
        %broadcast_in_dim3A_185 = vector.broadcast %jit3A_183 : i32 to vector<16xi32>
        %select_n3A_186 = arith.select %and3A_177, %broadcast_in_dim3A_184, %broadcast_in_dim3A_185 : vector<16xi1>, vector<16xi32>
        %reduce_sum3A = arith.constant true
        %reduce_sum3A_187 = vector.broadcast %reduce_sum3A : i1 to vector<16xi1>
        %reduce_sum3A_188 = tpu.scan <sum>, %select_n3A_186 masked %reduce_sum3A_187 : vector<16xi32>, vector<16xi1> -> vector<16xi32>
        %reduce_sum3A_189 = vector.extract %reduce_sum3A_188[15] : i32 from vector<16xi32>
        %add3A_190 = arith.addi %scan3A_162, %reduce_sum3A_189 : i32
        scf.yield %add3A_190 : i32
      }
      %scan3A_160 = arith.constant 125 : i32
      scf.yield %scan3A_159 : i32
    }
    %scan3A_6 = arith.constant 10 : i32
    %broadcast_in_dim3A = arith.constant 0 : i32
    %broadcast_in_dim3A_7 = vector.broadcast %broadcast_in_dim3A : i32 to vector<16xi32>
    %broadcast_in_dim3A_8 = arith.constant 5120 : i32
    %broadcast_in_dim3A_9 = vector.broadcast %broadcast_in_dim3A_8 : i32 to vector<16xi32>
    %add3A = arith.constant 0 : i32
    %add3A_10 = arith.addi %scan3A_5, %add3A : i32
    %swap3A = arith.index_cast %add3A_10 : i32 to index
    %swap3A_11 = tpu.vector_load %arg8[%swap3A] {strides = array<i32>} : memref<20160xi32, #tpu.memory_space<vmem>>, vector<16xi32>,
    tpu.vector_store %arg8[%swap3A], %broadcast_in_dim3A_7 {strides = array<i32>} : memref<20160xi32, #tpu.memory_space<vmem>>, vector<16xi32>,
    %add3A_12 = arith.constant 0 : i32
    %add3A_13 = arith.addi %scan3A_5, %add3A_12 : i32
    %swap3A_14 = arith.index_cast %add3A_13 : i32 to index
    %swap3A_15 = tpu.vector_load %arg9[%swap3A_14] {strides = array<i32>} : memref<20160xi32, #tpu.memory_space<vmem>>, vector<16xi32>,
    tpu.vector_store %arg9[%swap3A_14], %broadcast_in_dim3A_9 {strides = array<i32>} : memref<20160xi32, #tpu.memory_space<vmem>>, vector<16xi32>,
    %add3A_16 = arith.constant 16 : i32
    %add3A_17 = arith.addi %scan3A_5, %add3A_16 : i32
    %swap3A_18 = arith.index_cast %add3A_17 : i32 to index
    %swap3A_19 = tpu.vector_load %arg8[%swap3A_18] {strides = array<i32>} : memref<20160xi32, #tpu.memory_space<vmem>>, vector<16xi32>,
    tpu.vector_store %arg8[%swap3A_18], %broadcast_in_dim3A_7 {strides = array<i32>} : memref<20160xi32, #tpu.memory_space<vmem>>, vector<16xi32>,
    %add3A_20 = arith.constant 16 : i32
    %add3A_21 = arith.addi %scan3A_5, %add3A_20 : i32
    %swap3A_22 = arith.index_cast %add3A_21 : i32 to index
    %swap3A_23 = tpu.vector_load %arg9[%swap3A_22] {strides = array<i32>} : memref<20160xi32, #tpu.memory_space<vmem>>, vector<16xi32>,
    tpu.vector_store %arg9[%swap3A_22], %broadcast_in_dim3A_9 {strides = array<i32>} : memref<20160xi32, #tpu.memory_space<vmem>>, vector<16xi32>,
    %add3A_24 = arith.constant 32 : i32
    %add3A_25 = arith.addi %scan3A_5, %add3A_24 : i32
    %swap3A_26 = arith.index_cast %add3A_25 : i32 to index
    %swap3A_27 = tpu.vector_load %arg8[%swap3A_26] {strides = array<i32>} : memref<20160xi32, #tpu.memory_space<vmem>>, vector<16xi32>,
    tpu.vector_store %arg8[%swap3A_26], %broadcast_in_dim3A_7 {strides = array<i32>} : memref<20160xi32, #tpu.memory_space<vmem>>, vector<16xi32>,
    %add3A_28 = arith.constant 32 : i32
    %add3A_29 = arith.addi %scan3A_5, %add3A_28 : i32
    %swap3A_30 = arith.index_cast %add3A_29 : i32 to index
    %swap3A_31 = tpu.vector_load %arg9[%swap3A_30] {strides = array<i32>} : memref<20160xi32, #tpu.memory_space<vmem>>, vector<16xi32>,
    tpu.vector_store %arg9[%swap3A_30], %broadcast_in_dim3A_9 {strides = array<i32>} : memref<20160xi32, #tpu.memory_space<vmem>>, vector<16xi32>,
    %add3A_32 = arith.constant 48 : i32
    %add3A_33 = arith.addi %scan3A_5, %add3A_32 : i32
    %swap3A_34 = arith.index_cast %add3A_33 : i32 to index
    %swap3A_35 = tpu.vector_load %arg8[%swap3A_34] {strides = array<i32>} : memref<20160xi32, #tpu.memory_space<vmem>>, vector<16xi32>,
    tpu.vector_store %arg8[%swap3A_34], %broadcast_in_dim3A_7 {strides = array<i32>} : memref<20160xi32, #tpu.memory_space<vmem>>, vector<16xi32>,
    %add3A_36 = arith.constant 48 : i32
    %add3A_37 = arith.addi %scan3A_5, %add3A_36 : i32
    %swap3A_38 = arith.index_cast %add3A_37 : i32 to index
    %swap3A_39 = tpu.vector_load %arg9[%swap3A_38] {strides = array<i32>} : memref<20160xi32, #tpu.memory_space<vmem>>, vector<16xi32>,
    tpu.vector_store %arg9[%swap3A_38], %broadcast_in_dim3A_9 {strides = array<i32>} : memref<20160xi32, #tpu.memory_space<vmem>>, vector<16xi32>,
    %add3A_40 = arith.constant 64 : i32
    %add3A_41 = arith.addi %scan3A_5, %add3A_40 : i32
    %swap3A_42 = arith.index_cast %add3A_41 : i32 to index
    %swap3A_43 = tpu.vector_load %arg8[%swap3A_42] {strides = array<i32>} : memref<20160xi32, #tpu.memory_space<vmem>>, vector<16xi32>,
    tpu.vector_store %arg8[%swap3A_42], %broadcast_in_dim3A_7 {strides = array<i32>} : memref<20160xi32, #tpu.memory_space<vmem>>, vector<16xi32>,
    %add3A_44 = arith.constant 64 : i32
    %add3A_45 = arith.addi %scan3A_5, %add3A_44 : i32
    %swap3A_46 = arith.index_cast %add3A_45 : i32 to index
    %swap3A_47 = tpu.vector_load %arg9[%swap3A_46] {strides = array<i32>} : memref<20160xi32, #tpu.memory_space<vmem>>, vector<16xi32>,
    tpu.vector_store %arg9[%swap3A_46], %broadcast_in_dim3A_9 {strides = array<i32>} : memref<20160xi32, #tpu.memory_space<vmem>>, vector<16xi32>,
    %add3A_48 = arith.constant 80 : i32
    %add3A_49 = arith.addi %scan3A_5, %add3A_48 : i32
    %sub3A = arith.constant 1 : i32
    %sub3A_50 = arith.subi %add3A_49, %sub3A : i32
    %jit3A = arith.constant 80 : i32
    %div3A = arith.divsi %sub3A_50, %jit3A : i32
    %sign3A = arith.constant 0 : i32
    %sign3A_51 = arith.cmpi sgt, %sub3A_50, %sign3A : i32
    %sign3A_52 = arith.extui %sign3A_51 : i1 to i32
    %sign3A_53 = arith.constant 0 : i32
    %sign3A_54 = arith.cmpi slt, %sub3A_50, %sign3A_53 : i32
    %sign3A_55 = arith.extui %sign3A_54 : i1 to i32
    %sign3A_56 = arith.subi %sign3A_52, %sign3A_55 : i32
    %sign3A_57 = arith.constant 0 : i32
    %sign3A_58 = arith.cmpi sgt, %jit3A, %sign3A_57 : i32
    %sign3A_59 = arith.extui %sign3A_58 : i1 to i32
    %sign3A_60 = arith.constant 0 : i32
    %sign3A_61 = arith.cmpi slt, %jit3A, %sign3A_60 : i32
    %sign3A_62 = arith.extui %sign3A_61 : i1 to i32
    %sign3A_63 = arith.subi %sign3A_59, %sign3A_62 : i32
    %ne3A = arith.cmpi ne, %sign3A_56, %sign3A_63 : i32
    %rem3A = arith.remsi %sub3A_50, %jit3A : i32
    %ne3A_64 = arith.constant 0 : i32
    %ne3A_65 = arith.cmpi ne, %rem3A, %ne3A_64 : i32
    %and3A = arith.andi %ne3A, %ne3A_65 : i1
    %sub3A_66 = arith.constant 1 : i32
    %sub3A_67 = arith.subi %div3A, %sub3A_66 : i32
    %select_n3A = arith.select %and3A, %sub3A_67, %div3A : i32
    %broadcast_in_dim3A_68 = arith.constant 0.000000e+00 : f32
    %broadcast_in_dim3A_69 = vector.broadcast %broadcast_in_dim3A_68 : f32 to vector<16xf32>
    %scan3A_70 = arith.constant 0 : i32
    %scan3A_71 = arith.constant 0 : i32
    %scan3A_72 = arith.constant 80 : i32
    %scan3A_73 = arith.addi %scan3A_71, %scan3A_72 : i32
    %scan3A_74 = arith.constant 1 : i32
    scf.for %scan3A_147 = %scan3A_71 to %scan3A_73 step %scan3A_74  : i32 {
      %swap3A_148 = arith.index_cast %scan3A_147 : i32 to index
      %swap3A_149 = arith.constant 0 : index
      %swap3A_150 = tpu.vector_load %arg10[%swap3A_148, %swap3A_149] {strides = array<i32>} : memref<80x128xf32, #tpu.memory_space<vmem>>, vector<16xf32>,
      tpu.vector_store %arg10[%swap3A_148, %swap3A_149], %broadcast_in_dim3A_69 {strides = array<i32>} : memref<80x128xf32, #tpu.memory_space<vmem>>, vector<16xf32>,
      %swap3A_151 = arith.index_cast %scan3A_147 : i32 to index
      %swap3A_152 = arith.constant 16 : index
      %swap3A_153 = tpu.vector_load %arg10[%swap3A_151, %swap3A_152] {strides = array<i32>} : memref<80x128xf32, #tpu.memory_space<vmem>>, vector<16xf32>,
      tpu.vector_store %arg10[%swap3A_151, %swap3A_152], %broadcast_in_dim3A_69 {strides = array<i32>} : memref<80x128xf32, #tpu.memory_space<vmem>>, vector<16xf32>,
      %swap3A_154 = arith.index_cast %scan3A_147 : i32 to index
      %swap3A_155 = arith.constant 32 : index
      %swap3A_156 = tpu.vector_load %arg10[%swap3A_154, %swap3A_155] {strides = array<i32>} : memref<80x128xf32, #tpu.memory_space<vmem>>, vector<16xf32>,
      tpu.vector_store %arg10[%swap3A_154, %swap3A_155], %broadcast_in_dim3A_69 {strides = array<i32>} : memref<80x128xf32, #tpu.memory_space<vmem>>, vector<16xf32>,
      %swap3A_157 = arith.index_cast %scan3A_147 : i32 to index
      %swap3A_158 = arith.constant 48 : index
      %swap3A_159 = tpu.vector_load %arg10[%swap3A_157, %swap3A_158] {strides = array<i32>} : memref<80x128xf32, #tpu.memory_space<vmem>>, vector<16xf32>,
      tpu.vector_store %arg10[%swap3A_157, %swap3A_158], %broadcast_in_dim3A_69 {strides = array<i32>} : memref<80x128xf32, #tpu.memory_space<vmem>>, vector<16xf32>,
      %swap3A_160 = arith.index_cast %scan3A_147 : i32 to index
      %swap3A_161 = arith.constant 64 : index
      %swap3A_162 = tpu.vector_load %arg10[%swap3A_160, %swap3A_161] {strides = array<i32>} : memref<80x128xf32, #tpu.memory_space<vmem>>, vector<16xf32>,
      tpu.vector_store %arg10[%swap3A_160, %swap3A_161], %broadcast_in_dim3A_69 {strides = array<i32>} : memref<80x128xf32, #tpu.memory_space<vmem>>, vector<16xf32>,
      %swap3A_163 = arith.index_cast %scan3A_147 : i32 to index
      %swap3A_164 = arith.constant 80 : index
      %swap3A_165 = tpu.vector_load %arg10[%swap3A_163, %swap3A_164] {strides = array<i32>} : memref<80x128xf32, #tpu.memory_space<vmem>>, vector<16xf32>,
      tpu.vector_store %arg10[%swap3A_163, %swap3A_164], %broadcast_in_dim3A_69 {strides = array<i32>} : memref<80x128xf32, #tpu.memory_space<vmem>>, vector<16xf32>,
      %swap3A_166 = arith.index_cast %scan3A_147 : i32 to index
      %swap3A_167 = arith.constant 96 : index
      %swap3A_168 = tpu.vector_load %arg10[%swap3A_166, %swap3A_167] {strides = array<i32>} : memref<80x128xf32, #tpu.memory_space<vmem>>, vector<16xf32>,
      tpu.vector_store %arg10[%swap3A_166, %swap3A_167], %broadcast_in_dim3A_69 {strides = array<i32>} : memref<80x128xf32, #tpu.memory_space<vmem>>, vector<16xf32>,
      %swap3A_169 = arith.index_cast %scan3A_147 : i32 to index
      %swap3A_170 = arith.constant 112 : index
      %swap3A_171 = tpu.vector_load %arg10[%swap3A_169, %swap3A_170] {strides = array<i32>} : memref<80x128xf32, #tpu.memory_space<vmem>>, vector<16xf32>,
      tpu.vector_store %arg10[%swap3A_169, %swap3A_170], %broadcast_in_dim3A_69 {strides = array<i32>} : memref<80x128xf32, #tpu.memory_space<vmem>>, vector<16xf32>,
    }
    %scan3A_75 = arith.constant 80 : i32
    %mul3A_76 = arith.constant 320 : i32
    %mul3A_77 = arith.muli %arg1, %mul3A_76 : i32
    %add3A_78 = arith.constant 0 : i32
    %add3A_79 = arith.addi %mul3A_77, %add3A_78 : i32
    "tpu.region"() ({
      %run_scoped3A = tpu.sem_alloc : memref<!tpu.dma_semaphore, #tpu.memory_space<semaphore_mem>>
      %dma_start3A = arith.constant 0 : i32
      %dma_start3A_147 = tpu.memref_slice %arg12[%add3A_79, %dma_start3A] : memref<5128x128xf32, #tpu.memory_space<vmem_shared>> -> memref<80x128xf32, #tpu.memory_space<vmem_shared>>
      %dma_start3A_148 = arith.constant 0 : i32
      %dma_start3A_149 = tpu.memref_slice %arg12[%add3A_79, %dma_start3A_148] : memref<5128x128xf32, #tpu.memory_space<vmem_shared>> -> memref<80x128xf32, #tpu.memory_space<vmem_shared>>
      tpu.enqueue_dma source(%arg10 : memref<80x128xf32, #tpu.memory_space<vmem>>) target(%dma_start3A_149 : memref<80x128xf32, #tpu.memory_space<vmem_shared>>) target_semaphore(%run_scoped3A : memref<!tpu.dma_semaphore, #tpu.memory_space<semaphore_mem>>)
      %dma_wait3A = arith.constant 0 : i32
      %dma_wait3A_150 = tpu.memref_slice %arg12[%add3A_79, %dma_wait3A] : memref<5128x128xf32, #tpu.memory_space<vmem_shared>> -> memref<80x128xf32, #tpu.memory_space<vmem_shared>>
      %dma_wait3A_151 = arith.constant 0 : i32
      %dma_wait3A_152 = tpu.memref_slice %arg12[%add3A_79, %dma_wait3A_151] : memref<5128x128xf32, #tpu.memory_space<vmem_shared>> -> memref<80x128xf32, #tpu.memory_space<vmem_shared>>
      tpu.wait_dma2 semaphore(%run_scoped3A : memref<!tpu.dma_semaphore, #tpu.memory_space<semaphore_mem>>) src(%arg10 : memref<80x128xf32, #tpu.memory_space<vmem>>) dst(%dma_wait3A_152 : memref<80x128xf32, #tpu.memory_space<vmem_shared>>)
      tpu.yield
    }) : () -> ()
    %add3A_80 = arith.constant 80 : i32
    %add3A_81 = arith.addi %mul3A_77, %add3A_80 : i32
    "tpu.region"() ({
      %run_scoped3A = tpu.sem_alloc : memref<!tpu.dma_semaphore, #tpu.memory_space<semaphore_mem>>
      %dma_start3A = arith.constant 0 : i32
      %dma_start3A_147 = tpu.memref_slice %arg12[%add3A_81, %dma_start3A] : memref<5128x128xf32, #tpu.memory_space<vmem_shared>> -> memref<80x128xf32, #tpu.memory_space<vmem_shared>>
      %dma_start3A_148 = arith.constant 0 : i32
      %dma_start3A_149 = tpu.memref_slice %arg12[%add3A_81, %dma_start3A_148] : memref<5128x128xf32, #tpu.memory_space<vmem_shared>> -> memref<80x128xf32, #tpu.memory_space<vmem_shared>>
      tpu.enqueue_dma source(%arg10 : memref<80x128xf32, #tpu.memory_space<vmem>>) target(%dma_start3A_149 : memref<80x128xf32, #tpu.memory_space<vmem_shared>>) target_semaphore(%run_scoped3A : memref<!tpu.dma_semaphore, #tpu.memory_space<semaphore_mem>>)
      %dma_wait3A = arith.constant 0 : i32
      %dma_wait3A_150 = tpu.memref_slice %arg12[%add3A_81, %dma_wait3A] : memref<5128x128xf32, #tpu.memory_space<vmem_shared>> -> memref<80x128xf32, #tpu.memory_space<vmem_shared>>
      %dma_wait3A_151 = arith.constant 0 : i32
      %dma_wait3A_152 = tpu.memref_slice %arg12[%add3A_81, %dma_wait3A_151] : memref<5128x128xf32, #tpu.memory_space<vmem_shared>> -> memref<80x128xf32, #tpu.memory_space<vmem_shared>>
      tpu.wait_dma2 semaphore(%run_scoped3A : memref<!tpu.dma_semaphore, #tpu.memory_space<semaphore_mem>>) src(%arg10 : memref<80x128xf32, #tpu.memory_space<vmem>>) dst(%dma_wait3A_152 : memref<80x128xf32, #tpu.memory_space<vmem_shared>>)
      tpu.yield
    }) : () -> ()
    %add3A_82 = arith.constant 160 : i32
    %add3A_83 = arith.addi %mul3A_77, %add3A_82 : i32
    "tpu.region"() ({
      %run_scoped3A = tpu.sem_alloc : memref<!tpu.dma_semaphore, #tpu.memory_space<semaphore_mem>>
      %dma_start3A = arith.constant 0 : i32
      %dma_start3A_147 = tpu.memref_slice %arg12[%add3A_83, %dma_start3A] : memref<5128x128xf32, #tpu.memory_space<vmem_shared>> -> memref<80x128xf32, #tpu.memory_space<vmem_shared>>
      %dma_start3A_148 = arith.constant 0 : i32
      %dma_start3A_149 = tpu.memref_slice %arg12[%add3A_83, %dma_start3A_148] : memref<5128x128xf32, #tpu.memory_space<vmem_shared>> -> memref<80x128xf32, #tpu.memory_space<vmem_shared>>
      tpu.enqueue_dma source(%arg10 : memref<80x128xf32, #tpu.memory_space<vmem>>) target(%dma_start3A_149 : memref<80x128xf32, #tpu.memory_space<vmem_shared>>) target_semaphore(%run_scoped3A : memref<!tpu.dma_semaphore, #tpu.memory_space<semaphore_mem>>)
      %dma_wait3A = arith.constant 0 : i32
      %dma_wait3A_150 = tpu.memref_slice %arg12[%add3A_83, %dma_wait3A] : memref<5128x128xf32, #tpu.memory_space<vmem_shared>> -> memref<80x128xf32, #tpu.memory_space<vmem_shared>>
      %dma_wait3A_151 = arith.constant 0 : i32
      %dma_wait3A_152 = tpu.memref_slice %arg12[%add3A_83, %dma_wait3A_151] : memref<5128x128xf32, #tpu.memory_space<vmem_shared>> -> memref<80x128xf32, #tpu.memory_space<vmem_shared>>
      tpu.wait_dma2 semaphore(%run_scoped3A : memref<!tpu.dma_semaphore, #tpu.memory_space<semaphore_mem>>) src(%arg10 : memref<80x128xf32, #tpu.memory_space<vmem>>) dst(%dma_wait3A_152 : memref<80x128xf32, #tpu.memory_space<vmem_shared>>)
      tpu.yield
    }) : () -> ()
    %add3A_84 = arith.constant 240 : i32
    %add3A_85 = arith.addi %mul3A_77, %add3A_84 : i32
    "tpu.region"() ({
      %run_scoped3A = tpu.sem_alloc : memref<!tpu.dma_semaphore, #tpu.memory_space<semaphore_mem>>
      %dma_start3A = arith.constant 0 : i32
      %dma_start3A_147 = tpu.memref_slice %arg12[%add3A_85, %dma_start3A] : memref<5128x128xf32, #tpu.memory_space<vmem_shared>> -> memref<80x128xf32, #tpu.memory_space<vmem_shared>>
      %dma_start3A_148 = arith.constant 0 : i32
      %dma_start3A_149 = tpu.memref_slice %arg12[%add3A_85, %dma_start3A_148] : memref<5128x128xf32, #tpu.memory_space<vmem_shared>> -> memref<80x128xf32, #tpu.memory_space<vmem_shared>>
      tpu.enqueue_dma source(%arg10 : memref<80x128xf32, #tpu.memory_space<vmem>>) target(%dma_start3A_149 : memref<80x128xf32, #tpu.memory_space<vmem_shared>>) target_semaphore(%run_scoped3A : memref<!tpu.dma_semaphore, #tpu.memory_space<semaphore_mem>>)
      %dma_wait3A = arith.constant 0 : i32
      %dma_wait3A_150 = tpu.memref_slice %arg12[%add3A_85, %dma_wait3A] : memref<5128x128xf32, #tpu.memory_space<vmem_shared>> -> memref<80x128xf32, #tpu.memory_space<vmem_shared>>
      %dma_wait3A_151 = arith.constant 0 : i32
      %dma_wait3A_152 = tpu.memref_slice %arg12[%add3A_85, %dma_wait3A_151] : memref<5128x128xf32, #tpu.memory_space<vmem_shared>> -> memref<80x128xf32, #tpu.memory_space<vmem_shared>>
      tpu.wait_dma2 semaphore(%run_scoped3A : memref<!tpu.dma_semaphore, #tpu.memory_space<semaphore_mem>>) src(%arg10 : memref<80x128xf32, #tpu.memory_space<vmem>>) dst(%dma_wait3A_152 : memref<80x128xf32, #tpu.memory_space<vmem_shared>>)
      tpu.yield
    }) : () -> ()
    %eq3A = arith.constant 0 : i32
    %eq3A_86 = arith.cmpi eq, %arg1, %eq3A : i32
    %convert_element_type3A = arith.extui %eq3A_86 : i1 to i32
    %cond3A = arith.constant 0 : i32
    %cond3A_87 = arith.cmpi ne, %convert_element_type3A, %cond3A : i32
    scf.if %cond3A_87 {
      "tpu.region"() ({
        %run_scoped3A = tpu.sem_alloc : memref<!tpu.dma_semaphore, #tpu.memory_space<semaphore_mem>>
        %dma_start3A = arith.constant 0 : i32
        %dma_start3A_147 = arith.constant 0 : i32
        %dma_start3A_148 = tpu.memref_slice %arg10[%dma_start3A, %dma_start3A_147] : memref<80x128xf32, #tpu.memory_space<vmem>> -> memref<8x128xf32, #tpu.memory_space<vmem>>
        %dma_start3A_149 = arith.constant 5120 : i32
        %dma_start3A_150 = arith.constant 0 : i32
        %dma_start3A_151 = tpu.memref_slice %arg12[%dma_start3A_149, %dma_start3A_150] : memref<5128x128xf32, #tpu.memory_space<vmem_shared>> -> memref<8x128xf32, #tpu.memory_space<vmem_shared>>
        %dma_start3A_152 = arith.constant 5120 : i32
        %dma_start3A_153 = arith.constant 0 : i32
        %dma_start3A_154 = tpu.memref_slice %arg12[%dma_start3A_152, %dma_start3A_153] : memref<5128x128xf32, #tpu.memory_space<vmem_shared>> -> memref<8x128xf32, #tpu.memory_space<vmem_shared>>
        %dma_start3A_155 = arith.constant 0 : i32
        %dma_start3A_156 = arith.constant 0 : i32
        %dma_start3A_157 = tpu.memref_slice %arg10[%dma_start3A_155, %dma_start3A_156] : memref<80x128xf32, #tpu.memory_space<vmem>> -> memref<8x128xf32, #tpu.memory_space<vmem>>
        tpu.enqueue_dma source(%dma_start3A_157 : memref<8x128xf32, #tpu.memory_space<vmem>>) target(%dma_start3A_154 : memref<8x128xf32, #tpu.memory_space<vmem_shared>>) target_semaphore(%run_scoped3A : memref<!tpu.dma_semaphore, #tpu.memory_space<semaphore_mem>>)
        %dma_wait3A = arith.constant 0 : i32
        %dma_wait3A_158 = arith.constant 0 : i32
        %dma_wait3A_159 = tpu.memref_slice %arg10[%dma_wait3A, %dma_wait3A_158] : memref<80x128xf32, #tpu.memory_space<vmem>> -> memref<8x128xf32, #tpu.memory_space<vmem>>
        %dma_wait3A_160 = arith.constant 5120 : i32
        %dma_wait3A_161 = arith.constant 0 : i32
        %dma_wait3A_162 = tpu.memref_slice %arg12[%dma_wait3A_160, %dma_wait3A_161] : memref<5128x128xf32, #tpu.memory_space<vmem_shared>> -> memref<8x128xf32, #tpu.memory_space<vmem_shared>>
        %dma_wait3A_163 = arith.constant 5120 : i32
        %dma_wait3A_164 = arith.constant 0 : i32
        %dma_wait3A_165 = tpu.memref_slice %arg12[%dma_wait3A_163, %dma_wait3A_164] : memref<5128x128xf32, #tpu.memory_space<vmem_shared>> -> memref<8x128xf32, #tpu.memory_space<vmem_shared>>
        %dma_wait3A_166 = arith.constant 0 : i32
        %dma_wait3A_167 = arith.constant 0 : i32
        %dma_wait3A_168 = tpu.memref_slice %arg10[%dma_wait3A_166, %dma_wait3A_167] : memref<80x128xf32, #tpu.memory_space<vmem>> -> memref<8x128xf32, #tpu.memory_space<vmem>>
        tpu.wait_dma2 semaphore(%run_scoped3A : memref<!tpu.dma_semaphore, #tpu.memory_space<semaphore_mem>>) src(%dma_wait3A_168 : memref<8x128xf32, #tpu.memory_space<vmem>>) dst(%dma_wait3A_165 : memref<8x128xf32, #tpu.memory_space<vmem_shared>>)
        tpu.yield
      }) : () -> ()
    } else {
    }
    %barrier3A = arith.constant 0 : index
    tpu.barrier barrier_id(%barrier3A)
    %gt3A = arith.constant 0 : i32
    %gt3A_88 = arith.cmpi sgt, %select_n3A, %gt3A : i32
    %convert_element_type3A_89 = arith.extui %gt3A_88 : i1 to i32
    %cond3A_90 = arith.constant 0 : i32
    %cond3A_91 = arith.cmpi ne, %convert_element_type3A_89, %cond3A_90 : i32
    scf.if %cond3A_91 {
      %dma_start3A = arith.constant 0 : i32
      %dma_start3A_147 = tpu.memref_slice %arg8[%dma_start3A] : memref<20160xi32, #tpu.memory_space<vmem>> -> memref<80xi32, #tpu.memory_space<vmem>>
      %dma_start3A_148 = arith.constant 0 : i32
      %dma_start3A_149 = arith.constant 0 : i32
      %dma_start3A_150 = tpu.memref_slice %arg2[%dma_start3A_148, %dma_start3A_149] : memref<10000x128xf32, #tpu.memory_space<hbm>> -> memref<10000x128xf32, #tpu.memory_space<hbm>>
      tpu.enqueue_indirect_dma source(%dma_start3A_150 : memref<10000x128xf32, #tpu.memory_space<hbm>>) target(%arg10 : memref<80x128xf32, #tpu.memory_space<vmem>>) offsets(%dma_start3A_147 : memref<80xi32, #tpu.memory_space<vmem>>) semaphore(%arg13 : memref<!tpu.dma_semaphore, #tpu.memory_space<semaphore_mem>>)
    } else {
    }
    %jit3A_92 = arith.constant 2 : i32
    %div3A_93 = arith.divsi %select_n3A, %jit3A_92 : i32
    %sign3A_94 = arith.constant 0 : i32
    %sign3A_95 = arith.cmpi sgt, %select_n3A, %sign3A_94 : i32
    %sign3A_96 = arith.extui %sign3A_95 : i1 to i32
    %sign3A_97 = arith.constant 0 : i32
    %sign3A_98 = arith.cmpi slt, %select_n3A, %sign3A_97 : i32
    %sign3A_99 = arith.extui %sign3A_98 : i1 to i32
    %sign3A_100 = arith.subi %sign3A_96, %sign3A_99 : i32
    %sign3A_101 = arith.constant 0 : i32
    %sign3A_102 = arith.cmpi sgt, %jit3A_92, %sign3A_101 : i32
    %sign3A_103 = arith.extui %sign3A_102 : i1 to i32
    %sign3A_104 = arith.constant 0 : i32
    %sign3A_105 = arith.cmpi slt, %jit3A_92, %sign3A_104 : i32
    %sign3A_106 = arith.extui %sign3A_105 : i1 to i32
    %sign3A_107 = arith.subi %sign3A_103, %sign3A_106 : i32
    %ne3A_108 = arith.cmpi ne, %sign3A_100, %sign3A_107 : i32
    %rem3A_109 = arith.remsi %select_n3A, %jit3A_92 : i32
    %ne3A_110 = arith.constant 0 : i32
    %ne3A_111 = arith.cmpi ne, %rem3A_109, %ne3A_110 : i32
    %and3A_112 = arith.andi %ne3A_108, %ne3A_111 : i1
    %sub3A_113 = arith.constant 1 : i32
    %sub3A_114 = arith.subi %div3A_93, %sub3A_113 : i32
    %select_n3A_115 = arith.select %and3A_112, %sub3A_114, %div3A_93 : i32
    %while3A = arith.constant 0 : i32
    %while3A_116 = arith.constant 0 : i32
    %while3A_117 = arith.subi %select_n3A_115, %while3A_116 : i32
    %while3A_118 = arith.addi %while3A_116, %while3A_117 : i32
    %while3A_119 = arith.constant 1 : i32
    %while3A_120 = arith.divsi %while3A_117, %while3A_119 : i32
    %while3A_121 = arith.muli %while3A_120, %while3A_119 : i32
    %while3A_122 = arith.addi %while3A_116, %while3A_121 : i32
    %while3A_123 = arith.constant 1 : i32
    scf.for %while3A_147 = %while3A_116 to %while3A_122 step %while3A_123  : i32 {
      %mul3A_148 = arith.constant 2 : i32
      %mul3A_149 = arith.muli %mul3A_148, %while3A_147 : i32
      %add3A_150 = arith.constant 1 : i32
      %add3A_151 = arith.addi %mul3A_149, %add3A_150 : i32
      %mul3A_152 = arith.constant 80 : i32
      %mul3A_153 = arith.muli %add3A_151, %mul3A_152 : i32
      %dma_start3A = tpu.memref_slice %arg8[%mul3A_153] : memref<20160xi32, #tpu.memory_space<vmem>> -> memref<80xi32, #tpu.memory_space<vmem>>
      %dma_start3A_154 = arith.constant 0 : i32
      %dma_start3A_155 = arith.constant 0 : i32
      %dma_start3A_156 = tpu.memref_slice %arg2[%dma_start3A_154, %dma_start3A_155] : memref<10000x128xf32, #tpu.memory_space<hbm>> -> memref<10000x128xf32, #tpu.memory_space<hbm>>
      tpu.enqueue_indirect_dma source(%dma_start3A_156 : memref<10000x128xf32, #tpu.memory_space<hbm>>) target(%arg11 : memref<80x128xf32, #tpu.memory_space<vmem>>) offsets(%dma_start3A : memref<80xi32, #tpu.memory_space<vmem>>) semaphore(%arg14 : memref<!tpu.dma_semaphore, #tpu.memory_space<semaphore_mem>>)
      %dma_wait3A = arith.constant 0 : i32
      %dma_wait3A_157 = tpu.memref_slice %arg8[%dma_wait3A] : memref<20160xi32, #tpu.memory_space<vmem>> -> memref<80xi32, #tpu.memory_space<vmem>>
      %dma_wait3A_158 = arith.constant 0 : i32
      %dma_wait3A_159 = arith.constant 0 : i32
      %dma_wait3A_160 = tpu.memref_slice %arg2[%dma_wait3A_158, %dma_wait3A_159] : memref<10000x128xf32, #tpu.memory_space<hbm>> -> memref<10000x128xf32, #tpu.memory_space<hbm>>
      tpu.wait_indirect_dma semaphore(%arg13 : memref<!tpu.dma_semaphore, #tpu.memory_space<semaphore_mem>>) src(%dma_wait3A_160 : memref<10000x128xf32, #tpu.memory_space<hbm>>) dst(%arg10 : memref<80x128xf32, #tpu.memory_space<vmem>>)
      %mul3A_161 = arith.constant 80 : i32
      %mul3A_162 = arith.muli %mul3A_149, %mul3A_161 : i32
      "tpu.region"() ({
        %run_scoped3A = tpu.sem_alloc : memref<!tpu.dma_semaphore, #tpu.memory_space<semaphore_mem>>
        %dma_start3A_178 = tpu.memref_slice %arg9[%mul3A_162] : memref<20160xi32, #tpu.memory_space<vmem>> -> memref<80xi32, #tpu.memory_space<vmem>>
        %dma_start3A_179 = arith.constant 0 : i32
        %dma_start3A_180 = arith.constant 0 : i32
        %dma_start3A_181 = tpu.memref_slice %arg12[%dma_start3A_179, %dma_start3A_180] : memref<5128x128xf32, #tpu.memory_space<vmem_shared>> -> memref<5128x128xf32, #tpu.memory_space<vmem_shared>>
        tpu.enqueue_indirect_dma source(%arg10 : memref<80x128xf32, #tpu.memory_space<vmem>>) target(%dma_start3A_181 : memref<5128x128xf32, #tpu.memory_space<vmem_shared>>) offsets(%dma_start3A_178 : memref<80xi32, #tpu.memory_space<vmem>>) semaphore(%run_scoped3A : memref<!tpu.dma_semaphore, #tpu.memory_space<semaphore_mem>>) {add = true}
        %dma_wait3A_182 = tpu.memref_slice %arg9[%mul3A_162] : memref<20160xi32, #tpu.memory_space<vmem>> -> memref<80xi32, #tpu.memory_space<vmem>>
        %dma_wait3A_183 = arith.constant 0 : i32
        %dma_wait3A_184 = arith.constant 0 : i32
        %dma_wait3A_185 = tpu.memref_slice %arg12[%dma_wait3A_183, %dma_wait3A_184] : memref<5128x128xf32, #tpu.memory_space<vmem_shared>> -> memref<5128x128xf32, #tpu.memory_space<vmem_shared>>
        tpu.wait_indirect_dma semaphore(%run_scoped3A : memref<!tpu.dma_semaphore, #tpu.memory_space<semaphore_mem>>) src(%arg10 : memref<80x128xf32, #tpu.memory_space<vmem>>) dst(%dma_wait3A_185 : memref<5128x128xf32, #tpu.memory_space<vmem_shared>>)
        tpu.yield
      }) : () -> ()
      %add3A_163 = arith.constant 2 : i32
      %add3A_164 = arith.addi %mul3A_149, %add3A_163 : i32
      %lt3A_165 = arith.cmpi slt, %add3A_164, %select_n3A : i32
      %convert_element_type3A_166 = arith.extui %lt3A_165 : i1 to i32
      %cond3A_167 = arith.constant 0 : i32
      %cond3A_168 = arith.cmpi ne, %convert_element_type3A_166, %cond3A_167 : i32
      scf.if %cond3A_168 {
        %add3A_178 = arith.constant 2 : i32
        %add3A_179 = arith.addi %mul3A_149, %add3A_178 : i32
        %mul3A_180 = arith.constant 80 : i32
        %mul3A_181 = arith.muli %add3A_179, %mul3A_180 : i32
        %dma_start3A_182 = tpu.memref_slice %arg8[%mul3A_181] : memref<20160xi32, #tpu.memory_space<vmem>> -> memref<80xi32, #tpu.memory_space<vmem>>
        %dma_start3A_183 = arith.constant 0 : i32
        %dma_start3A_184 = arith.constant 0 : i32
        %dma_start3A_185 = tpu.memref_slice %arg2[%dma_start3A_183, %dma_start3A_184] : memref<10000x128xf32, #tpu.memory_space<hbm>> -> memref<10000x128xf32, #tpu.memory_space<hbm>>
        tpu.enqueue_indirect_dma source(%dma_start3A_185 : memref<10000x128xf32, #tpu.memory_space<hbm>>) target(%arg10 : memref<80x128xf32, #tpu.memory_space<vmem>>) offsets(%dma_start3A_182 : memref<80xi32, #tpu.memory_space<vmem>>) semaphore(%arg13 : memref<!tpu.dma_semaphore, #tpu.memory_space<semaphore_mem>>)
      } else {
      }
      %dma_wait3A_169 = arith.constant 0 : i32
      %dma_wait3A_170 = tpu.memref_slice %arg8[%dma_wait3A_169] : memref<20160xi32, #tpu.memory_space<vmem>> -> memref<80xi32, #tpu.memory_space<vmem>>
      %dma_wait3A_171 = arith.constant 0 : i32
      %dma_wait3A_172 = arith.constant 0 : i32
      %dma_wait3A_173 = tpu.memref_slice %arg2[%dma_wait3A_171, %dma_wait3A_172] : memref<10000x128xf32, #tpu.memory_space<hbm>> -> memref<10000x128xf32, #tpu.memory_space<hbm>>
      tpu.wait_indirect_dma semaphore(%arg14 : memref<!tpu.dma_semaphore, #tpu.memory_space<semaphore_mem>>) src(%dma_wait3A_173 : memref<10000x128xf32, #tpu.memory_space<hbm>>) dst(%arg11 : memref<80x128xf32, #tpu.memory_space<vmem>>)
      %add3A_174 = arith.constant 1 : i32
      %add3A_175 = arith.addi %mul3A_149, %add3A_174 : i32
      %mul3A_176 = arith.constant 80 : i32
      %mul3A_177 = arith.muli %add3A_175, %mul3A_176 : i32
      "tpu.region"() ({
        %run_scoped3A = tpu.sem_alloc : memref<!tpu.dma_semaphore, #tpu.memory_space<semaphore_mem>>
        %dma_start3A_178 = tpu.memref_slice %arg9[%mul3A_177] : memref<20160xi32, #tpu.memory_space<vmem>> -> memref<80xi32, #tpu.memory_space<vmem>>
        %dma_start3A_179 = arith.constant 0 : i32
        %dma_start3A_180 = arith.constant 0 : i32
        %dma_start3A_181 = tpu.memref_slice %arg12[%dma_start3A_179, %dma_start3A_180] : memref<5128x128xf32, #tpu.memory_space<vmem_shared>> -> memref<5128x128xf32, #tpu.memory_space<vmem_shared>>
        tpu.enqueue_indirect_dma source(%arg11 : memref<80x128xf32, #tpu.memory_space<vmem>>) target(%dma_start3A_181 : memref<5128x128xf32, #tpu.memory_space<vmem_shared>>) offsets(%dma_start3A_178 : memref<80xi32, #tpu.memory_space<vmem>>) semaphore(%run_scoped3A : memref<!tpu.dma_semaphore, #tpu.memory_space<semaphore_mem>>) {add = true}
        %dma_wait3A_182 = tpu.memref_slice %arg9[%mul3A_177] : memref<20160xi32, #tpu.memory_space<vmem>> -> memref<80xi32, #tpu.memory_space<vmem>>
        %dma_wait3A_183 = arith.constant 0 : i32
        %dma_wait3A_184 = arith.constant 0 : i32
        %dma_wait3A_185 = tpu.memref_slice %arg12[%dma_wait3A_183, %dma_wait3A_184] : memref<5128x128xf32, #tpu.memory_space<vmem_shared>> -> memref<5128x128xf32, #tpu.memory_space<vmem_shared>>
        tpu.wait_indirect_dma semaphore(%run_scoped3A : memref<!tpu.dma_semaphore, #tpu.memory_space<semaphore_mem>>) src(%arg11 : memref<80x128xf32, #tpu.memory_space<vmem>>) dst(%dma_wait3A_185 : memref<5128x128xf32, #tpu.memory_space<vmem_shared>>)
        tpu.yield
      }) : () -> ()
    }
    %while3A_124 = arith.constant 1 : i32
    scf.for %while3A_147 = %while3A_122 to %while3A_118 step %while3A_124  : i32 {
      %mul3A_148 = arith.constant 2 : i32
      %mul3A_149 = arith.muli %mul3A_148, %while3A_147 : i32
      %add3A_150 = arith.constant 1 : i32
      %add3A_151 = arith.addi %mul3A_149, %add3A_150 : i32
      %mul3A_152 = arith.constant 80 : i32
      %mul3A_153 = arith.muli %add3A_151, %mul3A_152 : i32
      %dma_start3A = tpu.memref_slice %arg8[%mul3A_153] : memref<20160xi32, #tpu.memory_space<vmem>> -> memref<80xi32, #tpu.memory_space<vmem>>
      %dma_start3A_154 = arith.constant 0 : i32
      %dma_start3A_155 = arith.constant 0 : i32
      %dma_start3A_156 = tpu.memref_slice %arg2[%dma_start3A_154, %dma_start3A_155] : memref<10000x128xf32, #tpu.memory_space<hbm>> -> memref<10000x128xf32, #tpu.memory_space<hbm>>
      tpu.enqueue_indirect_dma source(%dma_start3A_156 : memref<10000x128xf32, #tpu.memory_space<hbm>>) target(%arg11 : memref<80x128xf32, #tpu.memory_space<vmem>>) offsets(%dma_start3A : memref<80xi32, #tpu.memory_space<vmem>>) semaphore(%arg14 : memref<!tpu.dma_semaphore, #tpu.memory_space<semaphore_mem>>)
      %dma_wait3A = arith.constant 0 : i32
      %dma_wait3A_157 = tpu.memref_slice %arg8[%dma_wait3A] : memref<20160xi32, #tpu.memory_space<vmem>> -> memref<80xi32, #tpu.memory_space<vmem>>
      %dma_wait3A_158 = arith.constant 0 : i32
      %dma_wait3A_159 = arith.constant 0 : i32
      %dma_wait3A_160 = tpu.memref_slice %arg2[%dma_wait3A_158, %dma_wait3A_159] : memref<10000x128xf32, #tpu.memory_space<hbm>> -> memref<10000x128xf32, #tpu.memory_space<hbm>>
      tpu.wait_indirect_dma semaphore(%arg13 : memref<!tpu.dma_semaphore, #tpu.memory_space<semaphore_mem>>) src(%dma_wait3A_160 : memref<10000x128xf32, #tpu.memory_space<hbm>>) dst(%arg10 : memref<80x128xf32, #tpu.memory_space<vmem>>)
      %mul3A_161 = arith.constant 80 : i32
      %mul3A_162 = arith.muli %mul3A_149, %mul3A_161 : i32
      "tpu.region"() ({
        %run_scoped3A = tpu.sem_alloc : memref<!tpu.dma_semaphore, #tpu.memory_space<semaphore_mem>>
        %dma_start3A_178 = tpu.memref_slice %arg9[%mul3A_162] : memref<20160xi32, #tpu.memory_space<vmem>> -> memref<80xi32, #tpu.memory_space<vmem>>
        %dma_start3A_179 = arith.constant 0 : i32
        %dma_start3A_180 = arith.constant 0 : i32
        %dma_start3A_181 = tpu.memref_slice %arg12[%dma_start3A_179, %dma_start3A_180] : memref<5128x128xf32, #tpu.memory_space<vmem_shared>> -> memref<5128x128xf32, #tpu.memory_space<vmem_shared>>
        tpu.enqueue_indirect_dma source(%arg10 : memref<80x128xf32, #tpu.memory_space<vmem>>) target(%dma_start3A_181 : memref<5128x128xf32, #tpu.memory_space<vmem_shared>>) offsets(%dma_start3A_178 : memref<80xi32, #tpu.memory_space<vmem>>) semaphore(%run_scoped3A : memref<!tpu.dma_semaphore, #tpu.memory_space<semaphore_mem>>) {add = true}
        %dma_wait3A_182 = tpu.memref_slice %arg9[%mul3A_162] : memref<20160xi32, #tpu.memory_space<vmem>> -> memref<80xi32, #tpu.memory_space<vmem>>
        %dma_wait3A_183 = arith.constant 0 : i32
        %dma_wait3A_184 = arith.constant 0 : i32
        %dma_wait3A_185 = tpu.memref_slice %arg12[%dma_wait3A_183, %dma_wait3A_184] : memref<5128x128xf32, #tpu.memory_space<vmem_shared>> -> memref<5128x128xf32, #tpu.memory_space<vmem_shared>>
        tpu.wait_indirect_dma semaphore(%run_scoped3A : memref<!tpu.dma_semaphore, #tpu.memory_space<semaphore_mem>>) src(%arg10 : memref<80x128xf32, #tpu.memory_space<vmem>>) dst(%dma_wait3A_185 : memref<5128x128xf32, #tpu.memory_space<vmem_shared>>)
        tpu.yield
      }) : () -> ()
      %add3A_163 = arith.constant 2 : i32
      %add3A_164 = arith.addi %mul3A_149, %add3A_163 : i32
      %lt3A_165 = arith.cmpi slt, %add3A_164, %select_n3A : i32
      %convert_element_type3A_166 = arith.extui %lt3A_165 : i1 to i32
      %cond3A_167 = arith.constant 0 : i32
      %cond3A_168 = arith.cmpi ne, %convert_element_type3A_166, %cond3A_167 : i32
      scf.if %cond3A_168 {
        %add3A_178 = arith.constant 2 : i32
        %add3A_179 = arith.addi %mul3A_149, %add3A_178 : i32
        %mul3A_180 = arith.constant 80 : i32
        %mul3A_181 = arith.muli %add3A_179, %mul3A_180 : i32
        %dma_start3A_182 = tpu.memref_slice %arg8[%mul3A_181] : memref<20160xi32, #tpu.memory_space<vmem>> -> memref<80xi32, #tpu.memory_space<vmem>>
        %dma_start3A_183 = arith.constant 0 : i32
        %dma_start3A_184 = arith.constant 0 : i32
        %dma_start3A_185 = tpu.memref_slice %arg2[%dma_start3A_183, %dma_start3A_184] : memref<10000x128xf32, #tpu.memory_space<hbm>> -> memref<10000x128xf32, #tpu.memory_space<hbm>>
        tpu.enqueue_indirect_dma source(%dma_start3A_185 : memref<10000x128xf32, #tpu.memory_space<hbm>>) target(%arg10 : memref<80x128xf32, #tpu.memory_space<vmem>>) offsets(%dma_start3A_182 : memref<80xi32, #tpu.memory_space<vmem>>) semaphore(%arg13 : memref<!tpu.dma_semaphore, #tpu.memory_space<semaphore_mem>>)
      } else {
      }
      %dma_wait3A_169 = arith.constant 0 : i32
      %dma_wait3A_170 = tpu.memref_slice %arg8[%dma_wait3A_169] : memref<20160xi32, #tpu.memory_space<vmem>> -> memref<80xi32, #tpu.memory_space<vmem>>
      %dma_wait3A_171 = arith.constant 0 : i32
      %dma_wait3A_172 = arith.constant 0 : i32
      %dma_wait3A_173 = tpu.memref_slice %arg2[%dma_wait3A_171, %dma_wait3A_172] : memref<10000x128xf32, #tpu.memory_space<hbm>> -> memref<10000x128xf32, #tpu.memory_space<hbm>>
      tpu.wait_indirect_dma semaphore(%arg14 : memref<!tpu.dma_semaphore, #tpu.memory_space<semaphore_mem>>) src(%dma_wait3A_173 : memref<10000x128xf32, #tpu.memory_space<hbm>>) dst(%arg11 : memref<80x128xf32, #tpu.memory_space<vmem>>)
      %add3A_174 = arith.constant 1 : i32
      %add3A_175 = arith.addi %mul3A_149, %add3A_174 : i32
      %mul3A_176 = arith.constant 80 : i32
      %mul3A_177 = arith.muli %add3A_175, %mul3A_176 : i32
      "tpu.region"() ({
        %run_scoped3A = tpu.sem_alloc : memref<!tpu.dma_semaphore, #tpu.memory_space<semaphore_mem>>
        %dma_start3A_178 = tpu.memref_slice %arg9[%mul3A_177] : memref<20160xi32, #tpu.memory_space<vmem>> -> memref<80xi32, #tpu.memory_space<vmem>>
        %dma_start3A_179 = arith.constant 0 : i32
        %dma_start3A_180 = arith.constant 0 : i32
        %dma_start3A_181 = tpu.memref_slice %arg12[%dma_start3A_179, %dma_start3A_180] : memref<5128x128xf32, #tpu.memory_space<vmem_shared>> -> memref<5128x128xf32, #tpu.memory_space<vmem_shared>>
        tpu.enqueue_indirect_dma source(%arg11 : memref<80x128xf32, #tpu.memory_space<vmem>>) target(%dma_start3A_181 : memref<5128x128xf32, #tpu.memory_space<vmem_shared>>) offsets(%dma_start3A_178 : memref<80xi32, #tpu.memory_space<vmem>>) semaphore(%run_scoped3A : memref<!tpu.dma_semaphore, #tpu.memory_space<semaphore_mem>>) {add = true}
        %dma_wait3A_182 = tpu.memref_slice %arg9[%mul3A_177] : memref<20160xi32, #tpu.memory_space<vmem>> -> memref<80xi32, #tpu.memory_space<vmem>>
        %dma_wait3A_183 = arith.constant 0 : i32
        %dma_wait3A_184 = arith.constant 0 : i32
        %dma_wait3A_185 = tpu.memref_slice %arg12[%dma_wait3A_183, %dma_wait3A_184] : memref<5128x128xf32, #tpu.memory_space<vmem_shared>> -> memref<5128x128xf32, #tpu.memory_space<vmem_shared>>
        tpu.wait_indirect_dma semaphore(%run_scoped3A : memref<!tpu.dma_semaphore, #tpu.memory_space<semaphore_mem>>) src(%arg11 : memref<80x128xf32, #tpu.memory_space<vmem>>) dst(%dma_wait3A_185 : memref<5128x128xf32, #tpu.memory_space<vmem_shared>>)
        tpu.yield
      }) : () -> ()
    }
    %jit3A_125 = arith.constant 2 : i32
    %eq3A_126 = arith.constant 0 : i32
    %eq3A_127 = arith.cmpi eq, %jit3A_125, %eq3A_126 : i32
    %jit3A_128 = arith.constant 1 : i32
    %select_n3A_129 = arith.select %eq3A_127, %jit3A_128, %jit3A_125 : i32
    %rem3A_130 = arith.remsi %select_n3A, %select_n3A_129 : i32
    %ne3A_131 = arith.constant 0 : i32
    %ne3A_132 = arith.cmpi ne, %rem3A_130, %ne3A_131 : i32
    %lt3A = arith.constant 0 : i32
    %lt3A_133 = arith.cmpi slt, %rem3A_130, %lt3A : i32
    %lt3A_134 = arith.constant 0 : i32
    %lt3A_135 = arith.cmpi slt, %select_n3A_129, %lt3A_134 : i32
    %ne3A_136 = arith.xori %lt3A_133, %lt3A_135 : i1
    %and3A_137 = arith.andi %ne3A_136, %ne3A_132 : i1
    %add3A_138 = arith.addi %rem3A_130, %select_n3A_129 : i32
    %select_n3A_139 = arith.select %and3A_137, %add3A_138, %rem3A_130 : i32
    %eq3A_140 = arith.constant 1 : i32
    %eq3A_141 = arith.cmpi eq, %select_n3A_139, %eq3A_140 : i32
    %convert_element_type3A_142 = arith.extui %eq3A_141 : i1 to i32
    %cond3A_143 = arith.constant 0 : i32
    %cond3A_144 = arith.cmpi ne, %convert_element_type3A_142, %cond3A_143 : i32
    scf.if %cond3A_144 {
      %dma_wait3A = arith.constant 0 : i32
      %dma_wait3A_147 = tpu.memref_slice %arg8[%dma_wait3A] : memref<20160xi32, #tpu.memory_space<vmem>> -> memref<80xi32, #tpu.memory_space<vmem>>
      %dma_wait3A_148 = arith.constant 0 : i32
      %dma_wait3A_149 = arith.constant 0 : i32
      %dma_wait3A_150 = tpu.memref_slice %arg2[%dma_wait3A_148, %dma_wait3A_149] : memref<10000x128xf32, #tpu.memory_space<hbm>> -> memref<10000x128xf32, #tpu.memory_space<hbm>>
      tpu.wait_indirect_dma semaphore(%arg13 : memref<!tpu.dma_semaphore, #tpu.memory_space<semaphore_mem>>) src(%dma_wait3A_150 : memref<10000x128xf32, #tpu.memory_space<hbm>>) dst(%arg10 : memref<80x128xf32, #tpu.memory_space<vmem>>)
      %sub3A_151 = arith.constant 1 : i32
      %sub3A_152 = arith.subi %select_n3A, %sub3A_151 : i32
      %mul3A_153 = arith.constant 80 : i32
      %mul3A_154 = arith.muli %sub3A_152, %mul3A_153 : i32
      "tpu.region"() ({
        %run_scoped3A = tpu.sem_alloc : memref<!tpu.dma_semaphore, #tpu.memory_space<semaphore_mem>>
        %dma_start3A = tpu.memref_slice %arg9[%mul3A_154] : memref<20160xi32, #tpu.memory_space<vmem>> -> memref<80xi32, #tpu.memory_space<vmem>>
        %dma_start3A_155 = arith.constant 0 : i32
        %dma_start3A_156 = arith.constant 0 : i32
        %dma_start3A_157 = tpu.memref_slice %arg12[%dma_start3A_155, %dma_start3A_156] : memref<5128x128xf32, #tpu.memory_space<vmem_shared>> -> memref<5128x128xf32, #tpu.memory_space<vmem_shared>>
        tpu.enqueue_indirect_dma source(%arg10 : memref<80x128xf32, #tpu.memory_space<vmem>>) target(%dma_start3A_157 : memref<5128x128xf32, #tpu.memory_space<vmem_shared>>) offsets(%dma_start3A : memref<80xi32, #tpu.memory_space<vmem>>) semaphore(%run_scoped3A : memref<!tpu.dma_semaphore, #tpu.memory_space<semaphore_mem>>) {add = true}
        %dma_wait3A_158 = tpu.memref_slice %arg9[%mul3A_154] : memref<20160xi32, #tpu.memory_space<vmem>> -> memref<80xi32, #tpu.memory_space<vmem>>
        %dma_wait3A_159 = arith.constant 0 : i32
        %dma_wait3A_160 = arith.constant 0 : i32
        %dma_wait3A_161 = tpu.memref_slice %arg12[%dma_wait3A_159, %dma_wait3A_160] : memref<5128x128xf32, #tpu.memory_space<vmem_shared>> -> memref<5128x128xf32, #tpu.memory_space<vmem_shared>>
        tpu.wait_indirect_dma semaphore(%run_scoped3A : memref<!tpu.dma_semaphore, #tpu.memory_space<semaphore_mem>>) src(%arg10 : memref<80x128xf32, #tpu.memory_space<vmem>>) dst(%dma_wait3A_161 : memref<5128x128xf32, #tpu.memory_space<vmem_shared>>)
        tpu.yield
      }) : () -> ()
    } else {
    }
    %barrier3A_145 = arith.constant 0 : index
    tpu.barrier barrier_id(%barrier3A_145)
    %add3A_146 = arith.addi %mul3A_0, %mul3A_77 : i32
    "tpu.region"() ({
      %run_scoped3A = tpu.sem_alloc : memref<!tpu.dma_semaphore, #tpu.memory_space<semaphore_mem>>
      %dma_start3A = arith.constant 0 : i32
      %dma_start3A_147 = tpu.memref_slice %arg5[%add3A_146, %dma_start3A] : memref<10240x128xf32, #tpu.memory_space<hbm>> -> memref<320x128xf32, #tpu.memory_space<hbm>>
      %dma_start3A_148 = arith.constant 0 : i32
      %dma_start3A_149 = tpu.memref_slice %arg12[%mul3A_77, %dma_start3A_148] : memref<5128x128xf32, #tpu.memory_space<vmem_shared>> -> memref<320x128xf32, #tpu.memory_space<vmem_shared>>
      tpu.enqueue_dma source(%dma_start3A_149 : memref<320x128xf32, #tpu.memory_space<vmem_shared>>) target(%dma_start3A_147 : memref<320x128xf32, #tpu.memory_space<hbm>>) target_semaphore(%run_scoped3A : memref<!tpu.dma_semaphore, #tpu.memory_space<semaphore_mem>>)
      %dma_wait3A = arith.constant 0 : i32
      %dma_wait3A_150 = tpu.memref_slice %arg5[%add3A_146, %dma_wait3A] : memref<10240x128xf32, #tpu.memory_space<hbm>> -> memref<320x128xf32, #tpu.memory_space<hbm>>
      %dma_wait3A_151 = arith.constant 0 : i32
      %dma_wait3A_152 = tpu.memref_slice %arg12[%mul3A_77, %dma_wait3A_151] : memref<5128x128xf32, #tpu.memory_space<vmem_shared>> -> memref<320x128xf32, #tpu.memory_space<vmem_shared>>
      tpu.wait_dma2 semaphore(%run_scoped3A : memref<!tpu.dma_semaphore, #tpu.memory_space<semaphore_mem>>) src(%dma_wait3A_152 : memref<320x128xf32, #tpu.memory_space<vmem_shared>>) dst(%dma_wait3A_150 : memref<320x128xf32, #tpu.memory_space<hbm>>)
      tpu.yield
    }) : () -> ()
    return
  }
}

#map = affine_map<(d0, d1) -> (0, 0)>
module attributes {stable_mosaic.version = 14 : i64} {
  func.func @body(%arg0: i32, %arg1: i32, %arg2: memref<10000x128xf32, #tpu.memory_space<hbm>>, %arg3: memref<160x2000xi32, #tpu.memory_space<hbm>>, %arg4: memref<160x2000xi32, #tpu.memory_space<hbm>>, %arg5: memref<10240x128xf32, #tpu.memory_space<hbm>>, %arg6: memref<2000xi32, #tpu.memory_space<vmem>>, %arg7: memref<2000xi32, #tpu.memory_space<vmem>>, %arg8: memref<20160xi32, #tpu.memory_space<vmem>>, %arg9: memref<20160xi32, #tpu.memory_space<vmem>>, %arg10: memref<80x128xf32, #tpu.memory_space<vmem>>, %arg11: memref<80x128xf32, #tpu.memory_space<vmem>>, %arg12: memref<5128x128xf32, #tpu.memory_space<vmem_shared>>, %arg13: memref<!tpu.dma_semaphore, #tpu.memory_space<semaphore_mem>>, %arg14: memref<!tpu.dma_semaphore, #tpu.memory_space<semaphore_mem>>) attributes {dimension_semantics = [#tpu.dimension_semantics<core_parallel>, #tpu.dimension_semantics<subcore_parallel>], iteration_bounds = array<i64: 2, 16>, scalar_prefetch = 0 : i64, scratch_operands = 9 : i64, tpu.core_type = #tpu.core_type<sc_vector_subcore>, window_params = [{transform_indices = #map}, {transform_indices = #map}, {transform_indices = #map}, {transform_indices = #map}]} {
    %mul3A = arith.constant 5120 : i32
    %mul3A_0 = arith.muli %arg0, %mul3A : i32
    %scan3A = arith.constant 0 : i32
    %scan3A_1 = arith.constant 0 : i32
    %scan3A_2 = arith.constant 10 : i32
    %scan3A_3 = arith.addi %scan3A_1, %scan3A_2 : i32
    %scan3A_4 = arith.constant 1 : i32
    %scan3A_5 = scf.for %scan3A_147 = %scan3A_1 to %scan3A_3 step %scan3A_4 iter_args(%scan3A_148 = %scan3A) -> (i32)  : i32 {
      %mul3A_149 = arith.constant 10 : i32
      %mul3A_150 = arith.muli %arg1, %mul3A_149 : i32
      %add3A_151 = arith.addi %mul3A_150, %scan3A_147 : i32
      "tpu.region"() ({
        %run_scoped3A = tpu.sem_alloc : memref<!tpu.dma_semaphore, #tpu.memory_space<semaphore_mem>>
        %dma_start3A = arith.constant 0 : i32
        %dma_start3A_161 = tpu.memref_slice %arg3[%add3A_151, %dma_start3A] : memref<160x2000xi32, #tpu.memory_space<hbm>> -> memref<1x2000xi32, #tpu.memory_space<hbm>>
        %dma_start3A_162 = tpu.memref_squeeze %dma_start3A_161 : memref<1x2000xi32, #tpu.memory_space<hbm>> -> memref<2000xi32, #tpu.memory_space<hbm>>
        %dma_start3A_163 = arith.constant 0 : i32
        %dma_start3A_164 = tpu.memref_slice %arg3[%add3A_151, %dma_start3A_163] : memref<160x2000xi32, #tpu.memory_space<hbm>> -> memref<1x2000xi32, #tpu.memory_space<hbm>>
        %dma_start3A_165 = tpu.memref_squeeze %dma_start3A_164 : memref<1x2000xi32, #tpu.memory_space<hbm>> -> memref<2000xi32, #tpu.memory_space<hbm>>
        tpu.enqueue_dma source(%dma_start3A_165 : memref<2000xi32, #tpu.memory_space<hbm>>) target(%arg6 : memref<2000xi32, #tpu.memory_space<vmem>>) target_semaphore(%run_scoped3A : memref<!tpu.dma_semaphore, #tpu.memory_space<semaphore_mem>>)
        %dma_wait3A = arith.constant 0 : i32
        %dma_wait3A_166 = tpu.memref_slice %arg3[%add3A_151, %dma_wait3A] : memref<160x2000xi32, #tpu.memory_space<hbm>> -> memref<1x2000xi32, #tpu.memory_space<hbm>>
        %dma_wait3A_167 = tpu.memref_squeeze %dma_wait3A_166 : memref<1x2000xi32, #tpu.memory_space<hbm>> -> memref<2000xi32, #tpu.memory_space<hbm>>
        %dma_wait3A_168 = arith.constant 0 : i32
        %dma_wait3A_169 = tpu.memref_slice %arg3[%add3A_151, %dma_wait3A_168] : memref<160x2000xi32, #tpu.memory_space<hbm>> -> memref<1x2000xi32, #tpu.memory_space<hbm>>
        %dma_wait3A_170 = tpu.memref_squeeze %dma_wait3A_169 : memref<1x2000xi32, #tpu.memory_space<hbm>> -> memref<2000xi32, #tpu.memory_space<hbm>>
        tpu.wait_dma2 semaphore(%run_scoped3A : memref<!tpu.dma_semaphore, #tpu.memory_space<semaphore_mem>>) src(%dma_wait3A_170 : memref<2000xi32, #tpu.memory_space<hbm>>) dst(%arg6 : memref<2000xi32, #tpu.memory_space<vmem>>)
        tpu.yield
      }) : () -> ()
      %mul3A_152 = arith.constant 10 : i32
      %mul3A_153 = arith.muli %arg1, %mul3A_152 : i32
      %add3A_154 = arith.addi %mul3A_153, %scan3A_147 : i32
      "tpu.region"() ({
        %run_scoped3A = tpu.sem_alloc : memref<!tpu.dma_semaphore, #tpu.memory_space<semaphore_mem>>
        %dma_start3A = arith.constant 0 : i32
        %dma_start3A_161 = tpu.memref_slice %arg4[%add3A_154, %dma_start3A] : memref<160x2000xi32, #tpu.memory_space<hbm>> -> memref<1x2000xi32, #tpu.memory_space<hbm>>
        %dma_start3A_162 = tpu.memref_squeeze %dma_start3A_161 : memref<1x2000xi32, #tpu.memory_space<hbm>> -> memref<2000xi32, #tpu.memory_space<hbm>>
        %dma_start3A_163 = arith.constant 0 : i32
        %dma_start3A_164 = tpu.memref_slice %arg4[%add3A_154, %dma_start3A_163] : memref<160x2000xi32, #tpu.memory_space<hbm>> -> memref<1x2000xi32, #tpu.memory_space<hbm>>
        %dma_start3A_165 = tpu.memref_squeeze %dma_start3A_164 : memref<1x2000xi32, #tpu.memory_space<hbm>> -> memref<2000xi32, #tpu.memory_space<hbm>>
        tpu.enqueue_dma source(%dma_start3A_165 : memref<2000xi32, #tpu.memory_space<hbm>>) target(%arg7 : memref<2000xi32, #tpu.memory_space<vmem>>) target_semaphore(%run_scoped3A : memref<!tpu.dma_semaphore, #tpu.memory_space<semaphore_mem>>)
        %dma_wait3A = arith.constant 0 : i32
        %dma_wait3A_166 = tpu.memref_slice %arg4[%add3A_154, %dma_wait3A] : memref<160x2000xi32, #tpu.memory_space<hbm>> -> memref<1x2000xi32, #tpu.memory_space<hbm>>
        %dma_wait3A_167 = tpu.memref_squeeze %dma_wait3A_166 : memref<1x2000xi32, #tpu.memory_space<hbm>> -> memref<2000xi32, #tpu.memory_space<hbm>>
        %dma_wait3A_168 = arith.constant 0 : i32
        %dma_wait3A_169 = tpu.memref_slice %arg4[%add3A_154, %dma_wait3A_168] : memref<160x2000xi32, #tpu.memory_space<hbm>> -> memref<1x2000xi32, #tpu.memory_space<hbm>>
        %dma_wait3A_170 = tpu.memref_squeeze %dma_wait3A_169 : memref<1x2000xi32, #tpu.memory_space<hbm>> -> memref<2000xi32, #tpu.memory_space<hbm>>
        tpu.wait_dma2 semaphore(%run_scoped3A : memref<!tpu.dma_semaphore, #tpu.memory_space<semaphore_mem>>) src(%dma_wait3A_170 : memref<2000xi32, #tpu.memory_space<hbm>>) dst(%arg7 : memref<2000xi32, #tpu.memory_space<vmem>>)
        tpu.yield
      }) : () -> ()
      %scan3A_155 = arith.constant 0 : i32
      %scan3A_156 = arith.constant 125 : i32
      %scan3A_157 = arith.addi %scan3A_155, %scan3A_156 : i32
      %scan3A_158 = arith.constant 1 : i32
      %scan3A_159 = scf.for %scan3A_161 = %scan3A_155 to %scan3A_157 step %scan3A_158 iter_args(%scan3A_162 = %scan3A_148) -> (i32)  : i32 {
        %mul3A_163 = arith.constant 16 : i32
        %mul3A_164 = arith.muli %mul3A_163, %scan3A_161 : i32
        %get3A = arith.index_cast %mul3A_164 : i32 to index
        %get3A_165 = tpu.vector_load %arg6[%get3A] {strides = array<i32>} : memref<2000xi32, #tpu.memory_space<vmem>>, vector<16xi32>,
        %mul3A_166 = arith.constant 16 : i32
        %mul3A_167 = arith.muli %mul3A_166, %scan3A_161 : i32
        %get3A_168 = arith.index_cast %mul3A_167 : i32 to index
        %get3A_169 = tpu.vector_load %arg7[%get3A_168] {strides = array<i32>} : memref<2000xi32, #tpu.memory_space<vmem>>, vector<16xi32>,
        %sub3A_170 = vector.broadcast %mul3A_0 : i32 to vector<16xi32>
        %sub3A_171 = arith.subi %get3A_169, %sub3A_170 : vector<16xi32>
        %ge3A = arith.constant 0 : i32
        %ge3A_172 = vector.broadcast %ge3A : i32 to vector<16xi32>
        %ge3A_173 = arith.cmpi sge, %sub3A_171, %ge3A_172 : vector<16xi32>
        %lt3A_174 = arith.constant 5120 : i32
        %lt3A_175 = vector.broadcast %lt3A_174 : i32 to vector<16xi32>
        %lt3A_176 = arith.cmpi slt, %sub3A_171, %lt3A_175 : vector<16xi32>
        %and3A_177 = arith.andi %ge3A_173, %lt3A_176 : vector<16xi1>
        %swap3A_178 = arith.index_cast %scan3A_162 : i32 to index
        %swap3A_179 = tpu.vector_load %arg8[%swap3A_178] masked %and3A_177 {strides = array<i32>} : memref<20160xi32, #tpu.memory_space<vmem>>, vector<16xi32>, vector<16xi1>
        tpu.vector_store %arg8[%swap3A_178], %get3A_165 masked %and3A_177 {strides = array<i32>} : memref<20160xi32, #tpu.memory_space<vmem>>, vector<16xi32>, vector<16xi1>
        %swap3A_180 = arith.index_cast %scan3A_162 : i32 to index
        %swap3A_181 = tpu.vector_load %arg9[%swap3A_180] masked %and3A_177 {strides = array<i32>} : memref<20160xi32, #tpu.memory_space<vmem>>, vector<16xi32>, vector<16xi1>
        tpu.vector_store %arg9[%swap3A_180], %sub3A_171 masked %and3A_177 {strides = array<i32>} : memref<20160xi32, #tpu.memory_space<vmem>>, vector<16xi32>, vector<16xi1>
        %jit3A_182 = arith.constant 1 : i32
        %jit3A_183 = arith.constant 0 : i32
        %broadcast_in_dim3A_184 = vector.broadcast %jit3A_182 : i32 to vector<16xi32>
        %broadcast_in_dim3A_185 = vector.broadcast %jit3A_183 : i32 to vector<16xi32>
        %select_n3A_186 = arith.select %and3A_177, %broadcast_in_dim3A_184, %broadcast_in_dim3A_185 : vector<16xi1>, vector<16xi32>
        %reduce_sum3A = arith.constant true
        %reduce_sum3A_187 = vector.broadcast %reduce_sum3A : i1 to vector<16xi1>
        %reduce_sum3A_188 = tpu.scan <sum>, %select_n3A_186 masked %reduce_sum3A_187 : vector<16xi32>, vector<16xi1> -> vector<16xi32>
        %reduce_sum3A_189 = vector.extract %reduce_sum3A_188[15] : i32 from vector<16xi32>
        %add3A_190 = arith.addi %scan3A_162, %reduce_sum3A_189 : i32
        scf.yield %add3A_190 : i32
      }
      %scan3A_160 = arith.constant 125 : i32
      scf.yield %scan3A_159 : i32
    }
    %scan3A_6 = arith.constant 10 : i32
    %broadcast_in_dim3A = arith.constant 0 : i32
    %broadcast_in_dim3A_7 = vector.broadcast %broadcast_in_dim3A : i32 to vector<16xi32>
    %broadcast_in_dim3A_8 = arith.constant 5120 : i32
    %broadcast_in_dim3A_9 = vector.broadcast %broadcast_in_dim3A_8 : i32 to vector<16xi32>
    %add3A = arith.constant 0 : i32
    %add3A_10 = arith.addi %scan3A_5, %add3A : i32
    %swap3A = arith.index_cast %add3A_10 : i32 to index
    %swap3A_11 = tpu.vector_load %arg8[%swap3A] {strides = array<i32>} : memref<20160xi32, #tpu.memory_space<vmem>>, vector<16xi32>,
    tpu.vector_store %arg8[%swap3A], %broadcast_in_dim3A_7 {strides = array<i32>} : memref<20160xi32, #tpu.memory_space<vmem>>, vector<16xi32>,
    %add3A_12 = arith.constant 0 : i32
    %add3A_13 = arith.addi %scan3A_5, %add3A_12 : i32
    %swap3A_14 = arith.index_cast %add3A_13 : i32 to index
    %swap3A_15 = tpu.vector_load %arg9[%swap3A_14] {strides = array<i32>} : memref<20160xi32, #tpu.memory_space<vmem>>, vector<16xi32>,
    tpu.vector_store %arg9[%swap3A_14], %broadcast_in_dim3A_9 {strides = array<i32>} : memref<20160xi32, #tpu.memory_space<vmem>>, vector<16xi32>,
    %add3A_16 = arith.constant 16 : i32
    %add3A_17 = arith.addi %scan3A_5, %add3A_16 : i32
    %swap3A_18 = arith.index_cast %add3A_17 : i32 to index
    %swap3A_19 = tpu.vector_load %arg8[%swap3A_18] {strides = array<i32>} : memref<20160xi32, #tpu.memory_space<vmem>>, vector<16xi32>,
    tpu.vector_store %arg8[%swap3A_18], %broadcast_in_dim3A_7 {strides = array<i32>} : memref<20160xi32, #tpu.memory_space<vmem>>, vector<16xi32>,
    %add3A_20 = arith.constant 16 : i32
    %add3A_21 = arith.addi %scan3A_5, %add3A_20 : i32
    %swap3A_22 = arith.index_cast %add3A_21 : i32 to index
    %swap3A_23 = tpu.vector_load %arg9[%swap3A_22] {strides = array<i32>} : memref<20160xi32, #tpu.memory_space<vmem>>, vector<16xi32>,
    tpu.vector_store %arg9[%swap3A_22], %broadcast_in_dim3A_9 {strides = array<i32>} : memref<20160xi32, #tpu.memory_space<vmem>>, vector<16xi32>,
    %add3A_24 = arith.constant 32 : i32
    %add3A_25 = arith.addi %scan3A_5, %add3A_24 : i32
    %swap3A_26 = arith.index_cast %add3A_25 : i32 to index
    %swap3A_27 = tpu.vector_load %arg8[%swap3A_26] {strides = array<i32>} : memref<20160xi32, #tpu.memory_space<vmem>>, vector<16xi32>,
    tpu.vector_store %arg8[%swap3A_26], %broadcast_in_dim3A_7 {strides = array<i32>} : memref<20160xi32, #tpu.memory_space<vmem>>, vector<16xi32>,
    %add3A_28 = arith.constant 32 : i32
    %add3A_29 = arith.addi %scan3A_5, %add3A_28 : i32
    %swap3A_30 = arith.index_cast %add3A_29 : i32 to index
    %swap3A_31 = tpu.vector_load %arg9[%swap3A_30] {strides = array<i32>} : memref<20160xi32, #tpu.memory_space<vmem>>, vector<16xi32>,
    tpu.vector_store %arg9[%swap3A_30], %broadcast_in_dim3A_9 {strides = array<i32>} : memref<20160xi32, #tpu.memory_space<vmem>>, vector<16xi32>,
    %add3A_32 = arith.constant 48 : i32
    %add3A_33 = arith.addi %scan3A_5, %add3A_32 : i32
    %swap3A_34 = arith.index_cast %add3A_33 : i32 to index
    %swap3A_35 = tpu.vector_load %arg8[%swap3A_34] {strides = array<i32>} : memref<20160xi32, #tpu.memory_space<vmem>>, vector<16xi32>,
    tpu.vector_store %arg8[%swap3A_34], %broadcast_in_dim3A_7 {strides = array<i32>} : memref<20160xi32, #tpu.memory_space<vmem>>, vector<16xi32>,
    %add3A_36 = arith.constant 48 : i32
    %add3A_37 = arith.addi %scan3A_5, %add3A_36 : i32
    %swap3A_38 = arith.index_cast %add3A_37 : i32 to index
    %swap3A_39 = tpu.vector_load %arg9[%swap3A_38] {strides = array<i32>} : memref<20160xi32, #tpu.memory_space<vmem>>, vector<16xi32>,
    tpu.vector_store %arg9[%swap3A_38], %broadcast_in_dim3A_9 {strides = array<i32>} : memref<20160xi32, #tpu.memory_space<vmem>>, vector<16xi32>,
    %add3A_40 = arith.constant 64 : i32
    %add3A_41 = arith.addi %scan3A_5, %add3A_40 : i32
    %swap3A_42 = arith.index_cast %add3A_41 : i32 to index
    %swap3A_43 = tpu.vector_load %arg8[%swap3A_42] {strides = array<i32>} : memref<20160xi32, #tpu.memory_space<vmem>>, vector<16xi32>,
    tpu.vector_store %arg8[%swap3A_42], %broadcast_in_dim3A_7 {strides = array<i32>} : memref<20160xi32, #tpu.memory_space<vmem>>, vector<16xi32>,
    %add3A_44 = arith.constant 64 : i32
    %add3A_45 = arith.addi %scan3A_5, %add3A_44 : i32
    %swap3A_46 = arith.index_cast %add3A_45 : i32 to index
    %swap3A_47 = tpu.vector_load %arg9[%swap3A_46] {strides = array<i32>} : memref<20160xi32, #tpu.memory_space<vmem>>, vector<16xi32>,
    tpu.vector_store %arg9[%swap3A_46], %broadcast_in_dim3A_9 {strides = array<i32>} : memref<20160xi32, #tpu.memory_space<vmem>>, vector<16xi32>,
    %add3A_48 = arith.constant 80 : i32
    %add3A_49 = arith.addi %scan3A_5, %add3A_48 : i32
    %sub3A = arith.constant 1 : i32
    %sub3A_50 = arith.subi %add3A_49, %sub3A : i32
    %jit3A = arith.constant 80 : i32
    %div3A = arith.divsi %sub3A_50, %jit3A : i32
    %sign3A = arith.constant 0 : i32
    %sign3A_51 = arith.cmpi sgt, %sub3A_50, %sign3A : i32
    %sign3A_52 = arith.extui %sign3A_51 : i1 to i32
    %sign3A_53 = arith.constant 0 : i32
    %sign3A_54 = arith.cmpi slt, %sub3A_50, %sign3A_53 : i32
    %sign3A_55 = arith.extui %sign3A_54 : i1 to i32
    %sign3A_56 = arith.subi %sign3A_52, %sign3A_55 : i32
    %sign3A_57 = arith.constant 0 : i32
    %sign3A_58 = arith.cmpi sgt, %jit3A, %sign3A_57 : i32
    %sign3A_59 = arith.extui %sign3A_58 : i1 to i32
    %sign3A_60 = arith.constant 0 : i32
    %sign3A_61 = arith.cmpi slt, %jit3A, %sign3A_60 : i32
    %sign3A_62 = arith.extui %sign3A_61 : i1 to i32
    %sign3A_63 = arith.subi %sign3A_59, %sign3A_62 : i32
    %ne3A = arith.cmpi ne, %sign3A_56, %sign3A_63 : i32
    %rem3A = arith.remsi %sub3A_50, %jit3A : i32
    %ne3A_64 = arith.constant 0 : i32
    %ne3A_65 = arith.cmpi ne, %rem3A, %ne3A_64 : i32
    %and3A = arith.andi %ne3A, %ne3A_65 : i1
    %sub3A_66 = arith.constant 1 : i32
    %sub3A_67 = arith.subi %div3A, %sub3A_66 : i32
    %select_n3A = arith.select %and3A, %sub3A_67, %div3A : i32
    %broadcast_in_dim3A_68 = arith.constant 0.000000e+00 : f32
    %broadcast_in_dim3A_69 = vector.broadcast %broadcast_in_dim3A_68 : f32 to vector<16xf32>
    %scan3A_70 = arith.constant 0 : i32
    %scan3A_71 = arith.constant 0 : i32
    %scan3A_72 = arith.constant 80 : i32
    %scan3A_73 = arith.addi %scan3A_71, %scan3A_72 : i32
    %scan3A_74 = arith.constant 1 : i32
    scf.for %scan3A_147 = %scan3A_71 to %scan3A_73 step %scan3A_74  : i32 {
      %swap3A_148 = arith.index_cast %scan3A_147 : i32 to index
      %swap3A_149 = arith.constant 0 : index
      %swap3A_150 = tpu.vector_load %arg10[%swap3A_148, %swap3A_149] {strides = array<i32>} : memref<80x128xf32, #tpu.memory_space<vmem>>, vector<16xf32>,
      tpu.vector_store %arg10[%swap3A_148, %swap3A_149], %broadcast_in_dim3A_69 {strides = array<i32>} : memref<80x128xf32, #tpu.memory_space<vmem>>, vector<16xf32>,
      %swap3A_151 = arith.index_cast %scan3A_147 : i32 to index
      %swap3A_152 = arith.constant 16 : index
      %swap3A_153 = tpu.vector_load %arg10[%swap3A_151, %swap3A_152] {strides = array<i32>} : memref<80x128xf32, #tpu.memory_space<vmem>>, vector<16xf32>,
      tpu.vector_store %arg10[%swap3A_151, %swap3A_152], %broadcast_in_dim3A_69 {strides = array<i32>} : memref<80x128xf32, #tpu.memory_space<vmem>>, vector<16xf32>,
      %swap3A_154 = arith.index_cast %scan3A_147 : i32 to index
      %swap3A_155 = arith.constant 32 : index
      %swap3A_156 = tpu.vector_load %arg10[%swap3A_154, %swap3A_155] {strides = array<i32>} : memref<80x128xf32, #tpu.memory_space<vmem>>, vector<16xf32>,
      tpu.vector_store %arg10[%swap3A_154, %swap3A_155], %broadcast_in_dim3A_69 {strides = array<i32>} : memref<80x128xf32, #tpu.memory_space<vmem>>, vector<16xf32>,
      %swap3A_157 = arith.index_cast %scan3A_147 : i32 to index
      %swap3A_158 = arith.constant 48 : index
      %swap3A_159 = tpu.vector_load %arg10[%swap3A_157, %swap3A_158] {strides = array<i32>} : memref<80x128xf32, #tpu.memory_space<vmem>>, vector<16xf32>,
      tpu.vector_store %arg10[%swap3A_157, %swap3A_158], %broadcast_in_dim3A_69 {strides = array<i32>} : memref<80x128xf32, #tpu.memory_space<vmem>>, vector<16xf32>,
      %swap3A_160 = arith.index_cast %scan3A_147 : i32 to index
      %swap3A_161 = arith.constant 64 : index
      %swap3A_162 = tpu.vector_load %arg10[%swap3A_160, %swap3A_161] {strides = array<i32>} : memref<80x128xf32, #tpu.memory_space<vmem>>, vector<16xf32>,
      tpu.vector_store %arg10[%swap3A_160, %swap3A_161], %broadcast_in_dim3A_69 {strides = array<i32>} : memref<80x128xf32, #tpu.memory_space<vmem>>, vector<16xf32>,
      %swap3A_163 = arith.index_cast %scan3A_147 : i32 to index
      %swap3A_164 = arith.constant 80 : index
      %swap3A_165 = tpu.vector_load %arg10[%swap3A_163, %swap3A_164] {strides = array<i32>} : memref<80x128xf32, #tpu.memory_space<vmem>>, vector<16xf32>,
      tpu.vector_store %arg10[%swap3A_163, %swap3A_164], %broadcast_in_dim3A_69 {strides = array<i32>} : memref<80x128xf32, #tpu.memory_space<vmem>>, vector<16xf32>,
      %swap3A_166 = arith.index_cast %scan3A_147 : i32 to index
      %swap3A_167 = arith.constant 96 : index
      %swap3A_168 = tpu.vector_load %arg10[%swap3A_166, %swap3A_167] {strides = array<i32>} : memref<80x128xf32, #tpu.memory_space<vmem>>, vector<16xf32>,
      tpu.vector_store %arg10[%swap3A_166, %swap3A_167], %broadcast_in_dim3A_69 {strides = array<i32>} : memref<80x128xf32, #tpu.memory_space<vmem>>, vector<16xf32>,
      %swap3A_169 = arith.index_cast %scan3A_147 : i32 to index
      %swap3A_170 = arith.constant 112 : index
      %swap3A_171 = tpu.vector_load %arg10[%swap3A_169, %swap3A_170] {strides = array<i32>} : memref<80x128xf32, #tpu.memory_space<vmem>>, vector<16xf32>,
      tpu.vector_store %arg10[%swap3A_169, %swap3A_170], %broadcast_in_dim3A_69 {strides = array<i32>} : memref<80x128xf32, #tpu.memory_space<vmem>>, vector<16xf32>,
    }
    %scan3A_75 = arith.constant 80 : i32
    %mul3A_76 = arith.constant 320 : i32
    %mul3A_77 = arith.muli %arg1, %mul3A_76 : i32
    %add3A_78 = arith.constant 0 : i32
    %add3A_79 = arith.addi %mul3A_77, %add3A_78 : i32
    "tpu.region"() ({
      %run_scoped3A = tpu.sem_alloc : memref<!tpu.dma_semaphore, #tpu.memory_space<semaphore_mem>>
      %dma_start3A = arith.constant 0 : i32
      %dma_start3A_147 = tpu.memref_slice %arg12[%add3A_79, %dma_start3A] : memref<5128x128xf32, #tpu.memory_space<vmem_shared>> -> memref<80x128xf32, #tpu.memory_space<vmem_shared>>
      %dma_start3A_148 = arith.constant 0 : i32
      %dma_start3A_149 = tpu.memref_slice %arg12[%add3A_79, %dma_start3A_148] : memref<5128x128xf32, #tpu.memory_space<vmem_shared>> -> memref<80x128xf32, #tpu.memory_space<vmem_shared>>
      tpu.enqueue_dma source(%arg10 : memref<80x128xf32, #tpu.memory_space<vmem>>) target(%dma_start3A_149 : memref<80x128xf32, #tpu.memory_space<vmem_shared>>) target_semaphore(%run_scoped3A : memref<!tpu.dma_semaphore, #tpu.memory_space<semaphore_mem>>)
      %dma_wait3A = arith.constant 0 : i32
      %dma_wait3A_150 = tpu.memref_slice %arg12[%add3A_79, %dma_wait3A] : memref<5128x128xf32, #tpu.memory_space<vmem_shared>> -> memref<80x128xf32, #tpu.memory_space<vmem_shared>>
      %dma_wait3A_151 = arith.constant 0 : i32
      %dma_wait3A_152 = tpu.memref_slice %arg12[%add3A_79, %dma_wait3A_151] : memref<5128x128xf32, #tpu.memory_space<vmem_shared>> -> memref<80x128xf32, #tpu.memory_space<vmem_shared>>
      tpu.wait_dma2 semaphore(%run_scoped3A : memref<!tpu.dma_semaphore, #tpu.memory_space<semaphore_mem>>) src(%arg10 : memref<80x128xf32, #tpu.memory_space<vmem>>) dst(%dma_wait3A_152 : memref<80x128xf32, #tpu.memory_space<vmem_shared>>)
      tpu.yield
    }) : () -> ()
    %add3A_80 = arith.constant 80 : i32
    %add3A_81 = arith.addi %mul3A_77, %add3A_80 : i32
    "tpu.region"() ({
      %run_scoped3A = tpu.sem_alloc : memref<!tpu.dma_semaphore, #tpu.memory_space<semaphore_mem>>
      %dma_start3A = arith.constant 0 : i32
      %dma_start3A_147 = tpu.memref_slice %arg12[%add3A_81, %dma_start3A] : memref<5128x128xf32, #tpu.memory_space<vmem_shared>> -> memref<80x128xf32, #tpu.memory_space<vmem_shared>>
      %dma_start3A_148 = arith.constant 0 : i32
      %dma_start3A_149 = tpu.memref_slice %arg12[%add3A_81, %dma_start3A_148] : memref<5128x128xf32, #tpu.memory_space<vmem_shared>> -> memref<80x128xf32, #tpu.memory_space<vmem_shared>>
      tpu.enqueue_dma source(%arg10 : memref<80x128xf32, #tpu.memory_space<vmem>>) target(%dma_start3A_149 : memref<80x128xf32, #tpu.memory_space<vmem_shared>>) target_semaphore(%run_scoped3A : memref<!tpu.dma_semaphore, #tpu.memory_space<semaphore_mem>>)
      %dma_wait3A = arith.constant 0 : i32
      %dma_wait3A_150 = tpu.memref_slice %arg12[%add3A_81, %dma_wait3A] : memref<5128x128xf32, #tpu.memory_space<vmem_shared>> -> memref<80x128xf32, #tpu.memory_space<vmem_shared>>
      %dma_wait3A_151 = arith.constant 0 : i32
      %dma_wait3A_152 = tpu.memref_slice %arg12[%add3A_81, %dma_wait3A_151] : memref<5128x128xf32, #tpu.memory_space<vmem_shared>> -> memref<80x128xf32, #tpu.memory_space<vmem_shared>>
      tpu.wait_dma2 semaphore(%run_scoped3A : memref<!tpu.dma_semaphore, #tpu.memory_space<semaphore_mem>>) src(%arg10 : memref<80x128xf32, #tpu.memory_space<vmem>>) dst(%dma_wait3A_152 : memref<80x128xf32, #tpu.memory_space<vmem_shared>>)
      tpu.yield
    }) : () -> ()
    %add3A_82 = arith.constant 160 : i32
    %add3A_83 = arith.addi %mul3A_77, %add3A_82 : i32
    "tpu.region"() ({
      %run_scoped3A = tpu.sem_alloc : memref<!tpu.dma_semaphore, #tpu.memory_space<semaphore_mem>>
      %dma_start3A = arith.constant 0 : i32
      %dma_start3A_147 = tpu.memref_slice %arg12[%add3A_83, %dma_start3A] : memref<5128x128xf32, #tpu.memory_space<vmem_shared>> -> memref<80x128xf32, #tpu.memory_space<vmem_shared>>
      %dma_start3A_148 = arith.constant 0 : i32
      %dma_start3A_149 = tpu.memref_slice %arg12[%add3A_83, %dma_start3A_148] : memref<5128x128xf32, #tpu.memory_space<vmem_shared>> -> memref<80x128xf32, #tpu.memory_space<vmem_shared>>
      tpu.enqueue_dma source(%arg10 : memref<80x128xf32, #tpu.memory_space<vmem>>) target(%dma_start3A_149 : memref<80x128xf32, #tpu.memory_space<vmem_shared>>) target_semaphore(%run_scoped3A : memref<!tpu.dma_semaphore, #tpu.memory_space<semaphore_mem>>)
      %dma_wait3A = arith.constant 0 : i32
      %dma_wait3A_150 = tpu.memref_slice %arg12[%add3A_83, %dma_wait3A] : memref<5128x128xf32, #tpu.memory_space<vmem_shared>> -> memref<80x128xf32, #tpu.memory_space<vmem_shared>>
      %dma_wait3A_151 = arith.constant 0 : i32
      %dma_wait3A_152 = tpu.memref_slice %arg12[%add3A_83, %dma_wait3A_151] : memref<5128x128xf32, #tpu.memory_space<vmem_shared>> -> memref<80x128xf32, #tpu.memory_space<vmem_shared>>
      tpu.wait_dma2 semaphore(%run_scoped3A : memref<!tpu.dma_semaphore, #tpu.memory_space<semaphore_mem>>) src(%arg10 : memref<80x128xf32, #tpu.memory_space<vmem>>) dst(%dma_wait3A_152 : memref<80x128xf32, #tpu.memory_space<vmem_shared>>)
      tpu.yield
    }) : () -> ()
    %add3A_84 = arith.constant 240 : i32
    %add3A_85 = arith.addi %mul3A_77, %add3A_84 : i32
    "tpu.region"() ({
      %run_scoped3A = tpu.sem_alloc : memref<!tpu.dma_semaphore, #tpu.memory_space<semaphore_mem>>
      %dma_start3A = arith.constant 0 : i32
      %dma_start3A_147 = tpu.memref_slice %arg12[%add3A_85, %dma_start3A] : memref<5128x128xf32, #tpu.memory_space<vmem_shared>> -> memref<80x128xf32, #tpu.memory_space<vmem_shared>>
      %dma_start3A_148 = arith.constant 0 : i32
      %dma_start3A_149 = tpu.memref_slice %arg12[%add3A_85, %dma_start3A_148] : memref<5128x128xf32, #tpu.memory_space<vmem_shared>> -> memref<80x128xf32, #tpu.memory_space<vmem_shared>>
      tpu.enqueue_dma source(%arg10 : memref<80x128xf32, #tpu.memory_space<vmem>>) target(%dma_start3A_149 : memref<80x128xf32, #tpu.memory_space<vmem_shared>>) target_semaphore(%run_scoped3A : memref<!tpu.dma_semaphore, #tpu.memory_space<semaphore_mem>>)
      %dma_wait3A = arith.constant 0 : i32
      %dma_wait3A_150 = tpu.memref_slice %arg12[%add3A_85, %dma_wait3A] : memref<5128x128xf32, #tpu.memory_space<vmem_shared>> -> memref<80x128xf32, #tpu.memory_space<vmem_shared>>
      %dma_wait3A_151 = arith.constant 0 : i32
      %dma_wait3A_152 = tpu.memref_slice %arg12[%add3A_85, %dma_wait3A_151] : memref<5128x128xf32, #tpu.memory_space<vmem_shared>> -> memref<80x128xf32, #tpu.memory_space<vmem_shared>>
      tpu.wait_dma2 semaphore(%run_scoped3A : memref<!tpu.dma_semaphore, #tpu.memory_space<semaphore_mem>>) src(%arg10 : memref<80x128xf32, #tpu.memory_space<vmem>>) dst(%dma_wait3A_152 : memref<80x128xf32, #tpu.memory_space<vmem_shared>>)
      tpu.yield
    }) : () -> ()
    %eq3A = arith.constant 0 : i32
    %eq3A_86 = arith.cmpi eq, %arg1, %eq3A : i32
    %convert_element_type3A = arith.extui %eq3A_86 : i1 to i32
    %cond3A = arith.constant 0 : i32
    %cond3A_87 = arith.cmpi ne, %convert_element_type3A, %cond3A : i32
    scf.if %cond3A_87 {
      "tpu.region"() ({
        %run_scoped3A = tpu.sem_alloc : memref<!tpu.dma_semaphore, #tpu.memory_space<semaphore_mem>>
        %dma_start3A = arith.constant 0 : i32
        %dma_start3A_147 = arith.constant 0 : i32
        %dma_start3A_148 = tpu.memref_slice %arg10[%dma_start3A, %dma_start3A_147] : memref<80x128xf32, #tpu.memory_space<vmem>> -> memref<8x128xf32, #tpu.memory_space<vmem>>
        %dma_start3A_149 = arith.constant 5120 : i32
        %dma_start3A_150 = arith.constant 0 : i32
        %dma_start3A_151 = tpu.memref_slice %arg12[%dma_start3A_149, %dma_start3A_150] : memref<5128x128xf32, #tpu.memory_space<vmem_shared>> -> memref<8x128xf32, #tpu.memory_space<vmem_shared>>
        %dma_start3A_152 = arith.constant 5120 : i32
        %dma_start3A_153 = arith.constant 0 : i32
        %dma_start3A_154 = tpu.memref_slice %arg12[%dma_start3A_152, %dma_start3A_153] : memref<5128x128xf32, #tpu.memory_space<vmem_shared>> -> memref<8x128xf32, #tpu.memory_space<vmem_shared>>
        %dma_start3A_155 = arith.constant 0 : i32
        %dma_start3A_156 = arith.constant 0 : i32
        %dma_start3A_157 = tpu.memref_slice %arg10[%dma_start3A_155, %dma_start3A_156] : memref<80x128xf32, #tpu.memory_space<vmem>> -> memref<8x128xf32, #tpu.memory_space<vmem>>
        tpu.enqueue_dma source(%dma_start3A_157 : memref<8x128xf32, #tpu.memory_space<vmem>>) target(%dma_start3A_154 : memref<8x128xf32, #tpu.memory_space<vmem_shared>>) target_semaphore(%run_scoped3A : memref<!tpu.dma_semaphore, #tpu.memory_space<semaphore_mem>>)
        %dma_wait3A = arith.constant 0 : i32
        %dma_wait3A_158 = arith.constant 0 : i32
        %dma_wait3A_159 = tpu.memref_slice %arg10[%dma_wait3A, %dma_wait3A_158] : memref<80x128xf32, #tpu.memory_space<vmem>> -> memref<8x128xf32, #tpu.memory_space<vmem>>
        %dma_wait3A_160 = arith.constant 5120 : i32
        %dma_wait3A_161 = arith.constant 0 : i32
        %dma_wait3A_162 = tpu.memref_slice %arg12[%dma_wait3A_160, %dma_wait3A_161] : memref<5128x128xf32, #tpu.memory_space<vmem_shared>> -> memref<8x128xf32, #tpu.memory_space<vmem_shared>>
        %dma_wait3A_163 = arith.constant 5120 : i32
        %dma_wait3A_164 = arith.constant 0 : i32
        %dma_wait3A_165 = tpu.memref_slice %arg12[%dma_wait3A_163, %dma_wait3A_164] : memref<5128x128xf32, #tpu.memory_space<vmem_shared>> -> memref<8x128xf32, #tpu.memory_space<vmem_shared>>
        %dma_wait3A_166 = arith.constant 0 : i32
        %dma_wait3A_167 = arith.constant 0 : i32
        %dma_wait3A_168 = tpu.memref_slice %arg10[%dma_wait3A_166, %dma_wait3A_167] : memref<80x128xf32, #tpu.memory_space<vmem>> -> memref<8x128xf32, #tpu.memory_space<vmem>>
        tpu.wait_dma2 semaphore(%run_scoped3A : memref<!tpu.dma_semaphore, #tpu.memory_space<semaphore_mem>>) src(%dma_wait3A_168 : memref<8x128xf32, #tpu.memory_space<vmem>>) dst(%dma_wait3A_165 : memref<8x128xf32, #tpu.memory_space<vmem_shared>>)
        tpu.yield
      }) : () -> ()
    } else {
    }
    %barrier3A = arith.constant 0 : index
    tpu.barrier barrier_id(%barrier3A)
    %gt3A = arith.constant 0 : i32
    %gt3A_88 = arith.cmpi sgt, %select_n3A, %gt3A : i32
    %convert_element_type3A_89 = arith.extui %gt3A_88 : i1 to i32
    %cond3A_90 = arith.constant 0 : i32
    %cond3A_91 = arith.cmpi ne, %convert_element_type3A_89, %cond3A_90 : i32
    scf.if %cond3A_91 {
      %dma_start3A = arith.constant 0 : i32
      %dma_start3A_147 = tpu.memref_slice %arg8[%dma_start3A] : memref<20160xi32, #tpu.memory_space<vmem>> -> memref<80xi32, #tpu.memory_space<vmem>>
      %dma_start3A_148 = arith.constant 0 : i32
      %dma_start3A_149 = arith.constant 0 : i32
      %dma_start3A_150 = tpu.memref_slice %arg2[%dma_start3A_148, %dma_start3A_149] : memref<10000x128xf32, #tpu.memory_space<hbm>> -> memref<10000x128xf32, #tpu.memory_space<hbm>>
      tpu.enqueue_indirect_dma source(%dma_start3A_150 : memref<10000x128xf32, #tpu.memory_space<hbm>>) target(%arg10 : memref<80x128xf32, #tpu.memory_space<vmem>>) offsets(%dma_start3A_147 : memref<80xi32, #tpu.memory_space<vmem>>) semaphore(%arg13 : memref<!tpu.dma_semaphore, #tpu.memory_space<semaphore_mem>>)
    } else {
    }
    %jit3A_92 = arith.constant 2 : i32
    %div3A_93 = arith.divsi %select_n3A, %jit3A_92 : i32
    %sign3A_94 = arith.constant 0 : i32
    %sign3A_95 = arith.cmpi sgt, %select_n3A, %sign3A_94 : i32
    %sign3A_96 = arith.extui %sign3A_95 : i1 to i32
    %sign3A_97 = arith.constant 0 : i32
    %sign3A_98 = arith.cmpi slt, %select_n3A, %sign3A_97 : i32
    %sign3A_99 = arith.extui %sign3A_98 : i1 to i32
    %sign3A_100 = arith.subi %sign3A_96, %sign3A_99 : i32
    %sign3A_101 = arith.constant 0 : i32
    %sign3A_102 = arith.cmpi sgt, %jit3A_92, %sign3A_101 : i32
    %sign3A_103 = arith.extui %sign3A_102 : i1 to i32
    %sign3A_104 = arith.constant 0 : i32
    %sign3A_105 = arith.cmpi slt, %jit3A_92, %sign3A_104 : i32
    %sign3A_106 = arith.extui %sign3A_105 : i1 to i32
    %sign3A_107 = arith.subi %sign3A_103, %sign3A_106 : i32
    %ne3A_108 = arith.cmpi ne, %sign3A_100, %sign3A_107 : i32
    %rem3A_109 = arith.remsi %select_n3A, %jit3A_92 : i32
    %ne3A_110 = arith.constant 0 : i32
    %ne3A_111 = arith.cmpi ne, %rem3A_109, %ne3A_110 : i32
    %and3A_112 = arith.andi %ne3A_108, %ne3A_111 : i1
    %sub3A_113 = arith.constant 1 : i32
    %sub3A_114 = arith.subi %div3A_93, %sub3A_113 : i32
    %select_n3A_115 = arith.select %and3A_112, %sub3A_114, %div3A_93 : i32
    %while3A = arith.constant 0 : i32
    %while3A_116 = arith.constant 0 : i32
    %while3A_117 = arith.subi %select_n3A_115, %while3A_116 : i32
    %while3A_118 = arith.addi %while3A_116, %while3A_117 : i32
    %while3A_119 = arith.constant 1 : i32
    %while3A_120 = arith.divsi %while3A_117, %while3A_119 : i32
    %while3A_121 = arith.muli %while3A_120, %while3A_119 : i32
    %while3A_122 = arith.addi %while3A_116, %while3A_121 : i32
    %while3A_123 = arith.constant 1 : i32
    scf.for %while3A_147 = %while3A_116 to %while3A_122 step %while3A_123  : i32 {
      %mul3A_148 = arith.constant 2 : i32
      %mul3A_149 = arith.muli %mul3A_148, %while3A_147 : i32
      %add3A_150 = arith.constant 1 : i32
      %add3A_151 = arith.addi %mul3A_149, %add3A_150 : i32
      %mul3A_152 = arith.constant 80 : i32
      %mul3A_153 = arith.muli %add3A_151, %mul3A_152 : i32
      %dma_start3A = tpu.memref_slice %arg8[%mul3A_153] : memref<20160xi32, #tpu.memory_space<vmem>> -> memref<80xi32, #tpu.memory_space<vmem>>
      %dma_start3A_154 = arith.constant 0 : i32
      %dma_start3A_155 = arith.constant 0 : i32
      %dma_start3A_156 = tpu.memref_slice %arg2[%dma_start3A_154, %dma_start3A_155] : memref<10000x128xf32, #tpu.memory_space<hbm>> -> memref<10000x128xf32, #tpu.memory_space<hbm>>
      tpu.enqueue_indirect_dma source(%dma_start3A_156 : memref<10000x128xf32, #tpu.memory_space<hbm>>) target(%arg11 : memref<80x128xf32, #tpu.memory_space<vmem>>) offsets(%dma_start3A : memref<80xi32, #tpu.memory_space<vmem>>) semaphore(%arg14 : memref<!tpu.dma_semaphore, #tpu.memory_space<semaphore_mem>>)
      %dma_wait3A = arith.constant 0 : i32
      %dma_wait3A_157 = tpu.memref_slice %arg8[%dma_wait3A] : memref<20160xi32, #tpu.memory_space<vmem>> -> memref<80xi32, #tpu.memory_space<vmem>>
      %dma_wait3A_158 = arith.constant 0 : i32
      %dma_wait3A_159 = arith.constant 0 : i32
      %dma_wait3A_160 = tpu.memref_slice %arg2[%dma_wait3A_158, %dma_wait3A_159] : memref<10000x128xf32, #tpu.memory_space<hbm>> -> memref<10000x128xf32, #tpu.memory_space<hbm>>
      tpu.wait_indirect_dma semaphore(%arg13 : memref<!tpu.dma_semaphore, #tpu.memory_space<semaphore_mem>>) src(%dma_wait3A_160 : memref<10000x128xf32, #tpu.memory_space<hbm>>) dst(%arg10 : memref<80x128xf32, #tpu.memory_space<vmem>>)
      %mul3A_161 = arith.constant 80 : i32
      %mul3A_162 = arith.muli %mul3A_149, %mul3A_161 : i32
      "tpu.region"() ({
        %run_scoped3A = tpu.sem_alloc : memref<!tpu.dma_semaphore, #tpu.memory_space<semaphore_mem>>
        %dma_start3A_178 = tpu.memref_slice %arg9[%mul3A_162] : memref<20160xi32, #tpu.memory_space<vmem>> -> memref<80xi32, #tpu.memory_space<vmem>>
        %dma_start3A_179 = arith.constant 0 : i32
        %dma_start3A_180 = arith.constant 0 : i32
        %dma_start3A_181 = tpu.memref_slice %arg12[%dma_start3A_179, %dma_start3A_180] : memref<5128x128xf32, #tpu.memory_space<vmem_shared>> -> memref<5128x128xf32, #tpu.memory_space<vmem_shared>>
        tpu.enqueue_indirect_dma source(%arg10 : memref<80x128xf32, #tpu.memory_space<vmem>>) target(%dma_start3A_181 : memref<5128x128xf32, #tpu.memory_space<vmem_shared>>) offsets(%dma_start3A_178 : memref<80xi32, #tpu.memory_space<vmem>>) semaphore(%run_scoped3A : memref<!tpu.dma_semaphore, #tpu.memory_space<semaphore_mem>>) {add = true}
        %dma_wait3A_182 = tpu.memref_slice %arg9[%mul3A_162] : memref<20160xi32, #tpu.memory_space<vmem>> -> memref<80xi32, #tpu.memory_space<vmem>>
        %dma_wait3A_183 = arith.constant 0 : i32
        %dma_wait3A_184 = arith.constant 0 : i32
        %dma_wait3A_185 = tpu.memref_slice %arg12[%dma_wait3A_183, %dma_wait3A_184] : memref<5128x128xf32, #tpu.memory_space<vmem_shared>> -> memref<5128x128xf32, #tpu.memory_space<vmem_shared>>
        tpu.wait_indirect_dma semaphore(%run_scoped3A : memref<!tpu.dma_semaphore, #tpu.memory_space<semaphore_mem>>) src(%arg10 : memref<80x128xf32, #tpu.memory_space<vmem>>) dst(%dma_wait3A_185 : memref<5128x128xf32, #tpu.memory_space<vmem_shared>>)
        tpu.yield
      }) : () -> ()
      %add3A_163 = arith.constant 2 : i32
      %add3A_164 = arith.addi %mul3A_149, %add3A_163 : i32
      %lt3A_165 = arith.cmpi slt, %add3A_164, %select_n3A : i32
      %convert_element_type3A_166 = arith.extui %lt3A_165 : i1 to i32
      %cond3A_167 = arith.constant 0 : i32
      %cond3A_168 = arith.cmpi ne, %convert_element_type3A_166, %cond3A_167 : i32
      scf.if %cond3A_168 {
        %add3A_178 = arith.constant 2 : i32
        %add3A_179 = arith.addi %mul3A_149, %add3A_178 : i32
        %mul3A_180 = arith.constant 80 : i32
        %mul3A_181 = arith.muli %add3A_179, %mul3A_180 : i32
        %dma_start3A_182 = tpu.memref_slice %arg8[%mul3A_181] : memref<20160xi32, #tpu.memory_space<vmem>> -> memref<80xi32, #tpu.memory_space<vmem>>
        %dma_start3A_183 = arith.constant 0 : i32
        %dma_start3A_184 = arith.constant 0 : i32
        %dma_start3A_185 = tpu.memref_slice %arg2[%dma_start3A_183, %dma_start3A_184] : memref<10000x128xf32, #tpu.memory_space<hbm>> -> memref<10000x128xf32, #tpu.memory_space<hbm>>
        tpu.enqueue_indirect_dma source(%dma_start3A_185 : memref<10000x128xf32, #tpu.memory_space<hbm>>) target(%arg10 : memref<80x128xf32, #tpu.memory_space<vmem>>) offsets(%dma_start3A_182 : memref<80xi32, #tpu.memory_space<vmem>>) semaphore(%arg13 : memref<!tpu.dma_semaphore, #tpu.memory_space<semaphore_mem>>)
      } else {
      }
      %dma_wait3A_169 = arith.constant 0 : i32
      %dma_wait3A_170 = tpu.memref_slice %arg8[%dma_wait3A_169] : memref<20160xi32, #tpu.memory_space<vmem>> -> memref<80xi32, #tpu.memory_space<vmem>>
      %dma_wait3A_171 = arith.constant 0 : i32
      %dma_wait3A_172 = arith.constant 0 : i32
      %dma_wait3A_173 = tpu.memref_slice %arg2[%dma_wait3A_171, %dma_wait3A_172] : memref<10000x128xf32, #tpu.memory_space<hbm>> -> memref<10000x128xf32, #tpu.memory_space<hbm>>
      tpu.wait_indirect_dma semaphore(%arg14 : memref<!tpu.dma_semaphore, #tpu.memory_space<semaphore_mem>>) src(%dma_wait3A_173 : memref<10000x128xf32, #tpu.memory_space<hbm>>) dst(%arg11 : memref<80x128xf32, #tpu.memory_space<vmem>>)
      %add3A_174 = arith.constant 1 : i32
      %add3A_175 = arith.addi %mul3A_149, %add3A_174 : i32
      %mul3A_176 = arith.constant 80 : i32
      %mul3A_177 = arith.muli %add3A_175, %mul3A_176 : i32
      "tpu.region"() ({
        %run_scoped3A = tpu.sem_alloc : memref<!tpu.dma_semaphore, #tpu.memory_space<semaphore_mem>>
        %dma_start3A_178 = tpu.memref_slice %arg9[%mul3A_177] : memref<20160xi32, #tpu.memory_space<vmem>> -> memref<80xi32, #tpu.memory_space<vmem>>
        %dma_start3A_179 = arith.constant 0 : i32
        %dma_start3A_180 = arith.constant 0 : i32
        %dma_start3A_181 = tpu.memref_slice %arg12[%dma_start3A_179, %dma_start3A_180] : memref<5128x128xf32, #tpu.memory_space<vmem_shared>> -> memref<5128x128xf32, #tpu.memory_space<vmem_shared>>
        tpu.enqueue_indirect_dma source(%arg11 : memref<80x128xf32, #tpu.memory_space<vmem>>) target(%dma_start3A_181 : memref<5128x128xf32, #tpu.memory_space<vmem_shared>>) offsets(%dma_start3A_178 : memref<80xi32, #tpu.memory_space<vmem>>) semaphore(%run_scoped3A : memref<!tpu.dma_semaphore, #tpu.memory_space<semaphore_mem>>) {add = true}
        %dma_wait3A_182 = tpu.memref_slice %arg9[%mul3A_177] : memref<20160xi32, #tpu.memory_space<vmem>> -> memref<80xi32, #tpu.memory_space<vmem>>
        %dma_wait3A_183 = arith.constant 0 : i32
        %dma_wait3A_184 = arith.constant 0 : i32
        %dma_wait3A_185 = tpu.memref_slice %arg12[%dma_wait3A_183, %dma_wait3A_184] : memref<5128x128xf32, #tpu.memory_space<vmem_shared>> -> memref<5128x128xf32, #tpu.memory_space<vmem_shared>>
        tpu.wait_indirect_dma semaphore(%run_scoped3A : memref<!tpu.dma_semaphore, #tpu.memory_space<semaphore_mem>>) src(%arg11 : memref<80x128xf32, #tpu.memory_space<vmem>>) dst(%dma_wait3A_185 : memref<5128x128xf32, #tpu.memory_space<vmem_shared>>)
        tpu.yield
      }) : () -> ()
    }
    %while3A_124 = arith.constant 1 : i32
    scf.for %while3A_147 = %while3A_122 to %while3A_118 step %while3A_124  : i32 {
      %mul3A_148 = arith.constant 2 : i32
      %mul3A_149 = arith.muli %mul3A_148, %while3A_147 : i32
      %add3A_150 = arith.constant 1 : i32
      %add3A_151 = arith.addi %mul3A_149, %add3A_150 : i32
      %mul3A_152 = arith.constant 80 : i32
      %mul3A_153 = arith.muli %add3A_151, %mul3A_152 : i32
      %dma_start3A = tpu.memref_slice %arg8[%mul3A_153] : memref<20160xi32, #tpu.memory_space<vmem>> -> memref<80xi32, #tpu.memory_space<vmem>>
      %dma_start3A_154 = arith.constant 0 : i32
      %dma_start3A_155 = arith.constant 0 : i32
      %dma_start3A_156 = tpu.memref_slice %arg2[%dma_start3A_154, %dma_start3A_155] : memref<10000x128xf32, #tpu.memory_space<hbm>> -> memref<10000x128xf32, #tpu.memory_space<hbm>>
      tpu.enqueue_indirect_dma source(%dma_start3A_156 : memref<10000x128xf32, #tpu.memory_space<hbm>>) target(%arg11 : memref<80x128xf32, #tpu.memory_space<vmem>>) offsets(%dma_start3A : memref<80xi32, #tpu.memory_space<vmem>>) semaphore(%arg14 : memref<!tpu.dma_semaphore, #tpu.memory_space<semaphore_mem>>)
      %dma_wait3A = arith.constant 0 : i32
      %dma_wait3A_157 = tpu.memref_slice %arg8[%dma_wait3A] : memref<20160xi32, #tpu.memory_space<vmem>> -> memref<80xi32, #tpu.memory_space<vmem>>
      %dma_wait3A_158 = arith.constant 0 : i32
      %dma_wait3A_159 = arith.constant 0 : i32
      %dma_wait3A_160 = tpu.memref_slice %arg2[%dma_wait3A_158, %dma_wait3A_159] : memref<10000x128xf32, #tpu.memory_space<hbm>> -> memref<10000x128xf32, #tpu.memory_space<hbm>>
      tpu.wait_indirect_dma semaphore(%arg13 : memref<!tpu.dma_semaphore, #tpu.memory_space<semaphore_mem>>) src(%dma_wait3A_160 : memref<10000x128xf32, #tpu.memory_space<hbm>>) dst(%arg10 : memref<80x128xf32, #tpu.memory_space<vmem>>)
      %mul3A_161 = arith.constant 80 : i32
      %mul3A_162 = arith.muli %mul3A_149, %mul3A_161 : i32
      "tpu.region"() ({
        %run_scoped3A = tpu.sem_alloc : memref<!tpu.dma_semaphore, #tpu.memory_space<semaphore_mem>>
        %dma_start3A_178 = tpu.memref_slice %arg9[%mul3A_162] : memref<20160xi32, #tpu.memory_space<vmem>> -> memref<80xi32, #tpu.memory_space<vmem>>
        %dma_start3A_179 = arith.constant 0 : i32
        %dma_start3A_180 = arith.constant 0 : i32
        %dma_start3A_181 = tpu.memref_slice %arg12[%dma_start3A_179, %dma_start3A_180] : memref<5128x128xf32, #tpu.memory_space<vmem_shared>> -> memref<5128x128xf32, #tpu.memory_space<vmem_shared>>
        tpu.enqueue_indirect_dma source(%arg10 : memref<80x128xf32, #tpu.memory_space<vmem>>) target(%dma_start3A_181 : memref<5128x128xf32, #tpu.memory_space<vmem_shared>>) offsets(%dma_start3A_178 : memref<80xi32, #tpu.memory_space<vmem>>) semaphore(%run_scoped3A : memref<!tpu.dma_semaphore, #tpu.memory_space<semaphore_mem>>) {add = true}
        %dma_wait3A_182 = tpu.memref_slice %arg9[%mul3A_162] : memref<20160xi32, #tpu.memory_space<vmem>> -> memref<80xi32, #tpu.memory_space<vmem>>
        %dma_wait3A_183 = arith.constant 0 : i32
        %dma_wait3A_184 = arith.constant 0 : i32
        %dma_wait3A_185 = tpu.memref_slice %arg12[%dma_wait3A_183, %dma_wait3A_184] : memref<5128x128xf32, #tpu.memory_space<vmem_shared>> -> memref<5128x128xf32, #tpu.memory_space<vmem_shared>>
        tpu.wait_indirect_dma semaphore(%run_scoped3A : memref<!tpu.dma_semaphore, #tpu.memory_space<semaphore_mem>>) src(%arg10 : memref<80x128xf32, #tpu.memory_space<vmem>>) dst(%dma_wait3A_185 : memref<5128x128xf32, #tpu.memory_space<vmem_shared>>)
        tpu.yield
      }) : () -> ()
      %add3A_163 = arith.constant 2 : i32
      %add3A_164 = arith.addi %mul3A_149, %add3A_163 : i32
      %lt3A_165 = arith.cmpi slt, %add3A_164, %select_n3A : i32
      %convert_element_type3A_166 = arith.extui %lt3A_165 : i1 to i32
      %cond3A_167 = arith.constant 0 : i32
      %cond3A_168 = arith.cmpi ne, %convert_element_type3A_166, %cond3A_167 : i32
      scf.if %cond3A_168 {
        %add3A_178 = arith.constant 2 : i32
        %add3A_179 = arith.addi %mul3A_149, %add3A_178 : i32
        %mul3A_180 = arith.constant 80 : i32
        %mul3A_181 = arith.muli %add3A_179, %mul3A_180 : i32
        %dma_start3A_182 = tpu.memref_slice %arg8[%mul3A_181] : memref<20160xi32, #tpu.memory_space<vmem>> -> memref<80xi32, #tpu.memory_space<vmem>>
        %dma_start3A_183 = arith.constant 0 : i32
        %dma_start3A_184 = arith.constant 0 : i32
        %dma_start3A_185 = tpu.memref_slice %arg2[%dma_start3A_183, %dma_start3A_184] : memref<10000x128xf32, #tpu.memory_space<hbm>> -> memref<10000x128xf32, #tpu.memory_space<hbm>>
        tpu.enqueue_indirect_dma source(%dma_start3A_185 : memref<10000x128xf32, #tpu.memory_space<hbm>>) target(%arg10 : memref<80x128xf32, #tpu.memory_space<vmem>>) offsets(%dma_start3A_182 : memref<80xi32, #tpu.memory_space<vmem>>) semaphore(%arg13 : memref<!tpu.dma_semaphore, #tpu.memory_space<semaphore_mem>>)
      } else {
      }
      %dma_wait3A_169 = arith.constant 0 : i32
      %dma_wait3A_170 = tpu.memref_slice %arg8[%dma_wait3A_169] : memref<20160xi32, #tpu.memory_space<vmem>> -> memref<80xi32, #tpu.memory_space<vmem>>
      %dma_wait3A_171 = arith.constant 0 : i32
      %dma_wait3A_172 = arith.constant 0 : i32
      %dma_wait3A_173 = tpu.memref_slice %arg2[%dma_wait3A_171, %dma_wait3A_172] : memref<10000x128xf32, #tpu.memory_space<hbm>> -> memref<10000x128xf32, #tpu.memory_space<hbm>>
      tpu.wait_indirect_dma semaphore(%arg14 : memref<!tpu.dma_semaphore, #tpu.memory_space<semaphore_mem>>) src(%dma_wait3A_173 : memref<10000x128xf32, #tpu.memory_space<hbm>>) dst(%arg11 : memref<80x128xf32, #tpu.memory_space<vmem>>)
      %add3A_174 = arith.constant 1 : i32
      %add3A_175 = arith.addi %mul3A_149, %add3A_174 : i32
      %mul3A_176 = arith.constant 80 : i32
      %mul3A_177 = arith.muli %add3A_175, %mul3A_176 : i32
      "tpu.region"() ({
        %run_scoped3A = tpu.sem_alloc : memref<!tpu.dma_semaphore, #tpu.memory_space<semaphore_mem>>
        %dma_start3A_178 = tpu.memref_slice %arg9[%mul3A_177] : memref<20160xi32, #tpu.memory_space<vmem>> -> memref<80xi32, #tpu.memory_space<vmem>>
        %dma_start3A_179 = arith.constant 0 : i32
        %dma_start3A_180 = arith.constant 0 : i32
        %dma_start3A_181 = tpu.memref_slice %arg12[%dma_start3A_179, %dma_start3A_180] : memref<5128x128xf32, #tpu.memory_space<vmem_shared>> -> memref<5128x128xf32, #tpu.memory_space<vmem_shared>>
        tpu.enqueue_indirect_dma source(%arg11 : memref<80x128xf32, #tpu.memory_space<vmem>>) target(%dma_start3A_181 : memref<5128x128xf32, #tpu.memory_space<vmem_shared>>) offsets(%dma_start3A_178 : memref<80xi32, #tpu.memory_space<vmem>>) semaphore(%run_scoped3A : memref<!tpu.dma_semaphore, #tpu.memory_space<semaphore_mem>>) {add = true}
        %dma_wait3A_182 = tpu.memref_slice %arg9[%mul3A_177] : memref<20160xi32, #tpu.memory_space<vmem>> -> memref<80xi32, #tpu.memory_space<vmem>>
        %dma_wait3A_183 = arith.constant 0 : i32
        %dma_wait3A_184 = arith.constant 0 : i32
        %dma_wait3A_185 = tpu.memref_slice %arg12[%dma_wait3A_183, %dma_wait3A_184] : memref<5128x128xf32, #tpu.memory_space<vmem_shared>> -> memref<5128x128xf32, #tpu.memory_space<vmem_shared>>
        tpu.wait_indirect_dma semaphore(%run_scoped3A : memref<!tpu.dma_semaphore, #tpu.memory_space<semaphore_mem>>) src(%arg11 : memref<80x128xf32, #tpu.memory_space<vmem>>) dst(%dma_wait3A_185 : memref<5128x128xf32, #tpu.memory_space<vmem_shared>>)
        tpu.yield
      }) : () -> ()
    }
    %jit3A_125 = arith.constant 2 : i32
    %eq3A_126 = arith.constant 0 : i32
    %eq3A_127 = arith.cmpi eq, %jit3A_125, %eq3A_126 : i32
    %jit3A_128 = arith.constant 1 : i32
    %select_n3A_129 = arith.select %eq3A_127, %jit3A_128, %jit3A_125 : i32
    %rem3A_130 = arith.remsi %select_n3A, %select_n3A_129 : i32
    %ne3A_131 = arith.constant 0 : i32
    %ne3A_132 = arith.cmpi ne, %rem3A_130, %ne3A_131 : i32
    %lt3A = arith.constant 0 : i32
    %lt3A_133 = arith.cmpi slt, %rem3A_130, %lt3A : i32
    %lt3A_134 = arith.constant 0 : i32
    %lt3A_135 = arith.cmpi slt, %select_n3A_129, %lt3A_134 : i32
    %ne3A_136 = arith.xori %lt3A_133, %lt3A_135 : i1
    %and3A_137 = arith.andi %ne3A_136, %ne3A_132 : i1
    %add3A_138 = arith.addi %rem3A_130, %select_n3A_129 : i32
    %select_n3A_139 = arith.select %and3A_137, %add3A_138, %rem3A_130 : i32
    %eq3A_140 = arith.constant 1 : i32
    %eq3A_141 = arith.cmpi eq, %select_n3A_139, %eq3A_140 : i32
    %convert_element_type3A_142 = arith.extui %eq3A_141 : i1 to i32
    %cond3A_143 = arith.constant 0 : i32
    %cond3A_144 = arith.cmpi ne, %convert_element_type3A_142, %cond3A_143 : i32
    scf.if %cond3A_144 {
      %dma_wait3A = arith.constant 0 : i32
      %dma_wait3A_147 = tpu.memref_slice %arg8[%dma_wait3A] : memref<20160xi32, #tpu.memory_space<vmem>> -> memref<80xi32, #tpu.memory_space<vmem>>
      %dma_wait3A_148 = arith.constant 0 : i32
      %dma_wait3A_149 = arith.constant 0 : i32
      %dma_wait3A_150 = tpu.memref_slice %arg2[%dma_wait3A_148, %dma_wait3A_149] : memref<10000x128xf32, #tpu.memory_space<hbm>> -> memref<10000x128xf32, #tpu.memory_space<hbm>>
      tpu.wait_indirect_dma semaphore(%arg13 : memref<!tpu.dma_semaphore, #tpu.memory_space<semaphore_mem>>) src(%dma_wait3A_150 : memref<10000x128xf32, #tpu.memory_space<hbm>>) dst(%arg10 : memref<80x128xf32, #tpu.memory_space<vmem>>)
      %sub3A_151 = arith.constant 1 : i32
      %sub3A_152 = arith.subi %select_n3A, %sub3A_151 : i32
      %mul3A_153 = arith.constant 80 : i32
      %mul3A_154 = arith.muli %sub3A_152, %mul3A_153 : i32
      "tpu.region"() ({
        %run_scoped3A = tpu.sem_alloc : memref<!tpu.dma_semaphore, #tpu.memory_space<semaphore_mem>>
        %dma_start3A = tpu.memref_slice %arg9[%mul3A_154] : memref<20160xi32, #tpu.memory_space<vmem>> -> memref<80xi32, #tpu.memory_space<vmem>>
        %dma_start3A_155 = arith.constant 0 : i32
        %dma_start3A_156 = arith.constant 0 : i32
        %dma_start3A_157 = tpu.memref_slice %arg12[%dma_start3A_155, %dma_start3A_156] : memref<5128x128xf32, #tpu.memory_space<vmem_shared>> -> memref<5128x128xf32, #tpu.memory_space<vmem_shared>>
        tpu.enqueue_indirect_dma source(%arg10 : memref<80x128xf32, #tpu.memory_space<vmem>>) target(%dma_start3A_157 : memref<5128x128xf32, #tpu.memory_space<vmem_shared>>) offsets(%dma_start3A : memref<80xi32, #tpu.memory_space<vmem>>) semaphore(%run_scoped3A : memref<!tpu.dma_semaphore, #tpu.memory_space<semaphore_mem>>) {add = true}
        %dma_wait3A_158 = tpu.memref_slice %arg9[%mul3A_154] : memref<20160xi32, #tpu.memory_space<vmem>> -> memref<80xi32, #tpu.memory_space<vmem>>
        %dma_wait3A_159 = arith.constant 0 : i32
        %dma_wait3A_160 = arith.constant 0 : i32
        %dma_wait3A_161 = tpu.memref_slice %arg12[%dma_wait3A_159, %dma_wait3A_160] : memref<5128x128xf32, #tpu.memory_space<vmem_shared>> -> memref<5128x128xf32, #tpu.memory_space<vmem_shared>>
        tpu.wait_indirect_dma semaphore(%run_scoped3A : memref<!tpu.dma_semaphore, #tpu.memory_space<semaphore_mem>>) src(%arg10 : memref<80x128xf32, #tpu.memory_space<vmem>>) dst(%dma_wait3A_161 : memref<5128x128xf32, #tpu.memory_space<vmem_shared>>)
        tpu.yield
      }) : () -> ()
    } else {
    }
    %barrier3A_145 = arith.constant 0 : index
    tpu.barrier barrier_id(%barrier3A_145)
    %add3A_146 = arith.addi %mul3A_0, %mul3A_77 : i32
    "tpu.region"() ({
      %run_scoped3A = tpu.sem_alloc : memref<!tpu.dma_semaphore, #tpu.memory_space<semaphore_mem>>
      %dma_start3A = arith.constant 0 : i32
      %dma_start3A_147 = tpu.memref_slice %arg5[%add3A_146, %dma_start3A] : memref<10240x128xf32, #tpu.memory_space<hbm>> -> memref<320x128xf32, #tpu.memory_space<hbm>>
      %dma_start3A_148 = arith.constant 0 : i32
      %dma_start3A_149 = tpu.memref_slice %arg12[%mul3A_77, %dma_start3A_148] : memref<5128x128xf32, #tpu.memory_space<vmem_shared>> -> memref<320x128xf32, #tpu.memory_space<vmem_shared>>
      tpu.enqueue_dma source(%dma_start3A_149 : memref<320x128xf32, #tpu.memory_space<vmem_shared>>) target(%dma_start3A_147 : memref<320x128xf32, #tpu.memory_space<hbm>>) target_semaphore(%run_scoped3A : memref<!tpu.dma_semaphore, #tpu.memory_space<semaphore_mem>>)
      %dma_wait3A = arith.constant 0 : i32
      %dma_wait3A_150 = tpu.memref_slice %arg5[%add3A_146, %dma_wait3A] : memref<10240x128xf32, #tpu.memory_space<hbm>> -> memref<320x128xf32, #tpu.memory_space<hbm>>
      %dma_wait3A_151 = arith.constant 0 : i32
      %dma_wait3A_152 = tpu.memref_slice %arg12[%mul3A_77, %dma_wait3A_151] : memref<5128x128xf32, #tpu.memory_space<vmem_shared>> -> memref<320x128xf32, #tpu.memory_space<vmem_shared>>
      tpu.wait_dma2 semaphore(%run_scoped3A : memref<!tpu.dma_semaphore, #tpu.memory_space<semaphore_mem>>) src(%dma_wait3A_152 : memref<320x128xf32, #tpu.memory_space<vmem_shared>>) dst(%dma_wait3A_150 : memref<320x128xf32, #tpu.memory_space<hbm>>)
      tpu.yield
    }) : () -> ()
    return
  }
}

module attributes {stable_mosaic.version = 14 : i64} {
  func.func @body(%arg0: i32, %arg1: memref<1000x128xf32, #tpu.memory_space<vmem>>, %arg2: memref<1x32x1000xf32, #tpu.memory_space<vmem>>, %arg3: memref<1000x128xf32, #tpu.memory_space<vmem>>, %arg4: memref<1000x1xf32, #tpu.memory_space<vmem>>) attributes {dimension_semantics = [#tpu.dimension_semantics<arbitrary>], iteration_bounds = array<i64: 10>, scalar_prefetch = 0 : i64, scratch_operands = 0 : i64, tpu.core_type = #tpu.core_type<tc>, window_params = [{transform_indices = @transform_0, window_bounds = array<i64: 1000, 128>}, {transform_indices = @transform_1, window_bounds = array<i64: 1, 32, 1000>}, {transform_indices = @transform_2, window_bounds = array<i64: 1000, 128>}, {transform_indices = @transform_3, window_bounds = array<i64: 1000, 1>}]} {
    %get3A = arith.constant 0 : index
    %get3A_0 = arith.constant 0 : index
    %get3A_1 = arith.constant 0 : index
    %get3A_2 = vector.load %arg2[%get3A, %get3A_0, %get3A_1] : memref<1x32x1000xf32, #tpu.memory_space<vmem>>, vector<1x32x1000xf32>
    %reduce_sum3A = arith.constant dense<0.000000e+00> : vector<1x1000xf32>
    %reduce_sum3A_3 = vector.multi_reduction <add>, %get3A_2, %reduce_sum3A [1] : vector<1x32x1000xf32> to vector<1x1000xf32>
    %gt3A = arith.constant 0.000000e+00 : f32
    %gt3A_4 = vector.broadcast %gt3A : f32 to vector<1x1000xf32>
    %gt3A_5 = arith.cmpf ogt, %reduce_sum3A_3, %gt3A_4 : vector<1x1000xf32>
    %max3A = arith.constant 1.000000e+00 : f32
    %max3A_6 = vector.broadcast %max3A : f32 to vector<1x1000xf32>
    %max3A_7 = arith.maximumf %reduce_sum3A_3, %max3A_6 : vector<1x1000xf32>
    %rsqrt3A = math.rsqrt %max3A_7 : vector<1x1000xf32>
    %jit3A = arith.constant 0.000000e+00 : f32
    %broadcast_in_dim3A = vector.broadcast %jit3A : f32 to vector<1x1000xf32>
    %select_n3A = arith.select %gt3A_5, %rsqrt3A, %broadcast_in_dim3A : vector<1x1000xi1>, vector<1x1000xf32>
    %transpose3A = tpu.transpose %select_n3A, [1, 0] : vector<1x1000xf32> -> vector<1000x1xf32>
    %get3A_8 = arith.constant 0 : index
    %get3A_9 = arith.constant 0 : index
    %get3A_10 = vector.load %arg1[%get3A_8, %get3A_9] : memref<1000x128xf32, #tpu.memory_space<vmem>>, vector<1000x128xf32>
    %mul3A = vector.broadcast %transpose3A : vector<1000x1xf32> to vector<1000x128xf32>
    %mul3A_11 = arith.mulf %get3A_10, %mul3A : vector<1000x128xf32>
    %swap3A = arith.constant 0 : index
    %swap3A_12 = arith.constant 0 : index
    %swap3A_13 = vector.load %arg3[%swap3A, %swap3A_12] : memref<1000x128xf32, #tpu.memory_space<vmem>>, vector<1000x128xf32>
    tpu.vector_store %arg3[%swap3A, %swap3A_12], %mul3A_11 {strides = array<i32>} : memref<1000x128xf32, #tpu.memory_space<vmem>>, vector<1000x128xf32>,
    %swap3A_14 = arith.constant 0 : index
    %swap3A_15 = arith.constant 0 : index
    %swap3A_16 = vector.load %arg4[%swap3A_14, %swap3A_15] : memref<1000x1xf32, #tpu.memory_space<vmem>>, vector<1000x1xf32>
    tpu.vector_store %arg4[%swap3A_14, %swap3A_15], %transpose3A {strides = array<i32>} : memref<1000x1xf32, #tpu.memory_space<vmem>>, vector<1000x1xf32>,
    return
  }
  func.func @transform_0(%arg0: i32) -> (i32, i32) {
    %c0_i32 = arith.constant 0 : i32
    %c0_i32_0 = arith.constant 0 : i32
    return %arg0, %c0_i32 : i32, i32
  }
  func.func @transform_1(%arg0: i32) -> (i32, i32, i32) {
    %c0_i32 = arith.constant 0 : i32
    %c0_i32_0 = arith.constant 0 : i32
    %c0_i32_1 = arith.constant 0 : i32
    return %arg0, %c0_i32, %c0_i32_0 : i32, i32, i32
  }
  func.func @transform_2(%arg0: i32) -> (i32, i32) {
    %c0_i32 = arith.constant 0 : i32
    %c0_i32_0 = arith.constant 0 : i32
    return %arg0, %c0_i32 : i32, i32
  }
  func.func @transform_3(%arg0: i32) -> (i32, i32) {
    %c0_i32 = arith.constant 0 : i32
    %c0_i32_0 = arith.constant 0 : i32
    return %arg0, %c0_i32 : i32, i32
  }
}

module attributes {stable_mosaic.version = 14 : i64} {
  func.func @body(%arg0: i32, %arg1: memref<1000x128xf32, #tpu.memory_space<vmem>>, %arg2: memref<1000x1xf32, #tpu.memory_space<vmem>>, %arg3: memref<128x128xf32, #tpu.memory_space<vmem>>, %arg4: memref<1x128xf32, #tpu.memory_space<vmem>>, %arg5: memref<128x128xf32, #tpu.memory_space<vmem>>, %arg6: memref<1x128xf32, #tpu.memory_space<vmem>>, %arg7: memref<1000x128xf32, #tpu.memory_space<vmem>>, %arg8: memref<1000x128xf32, #tpu.memory_space<vmem>>) attributes {dimension_semantics = [#tpu.dimension_semantics<arbitrary>], iteration_bounds = array<i64: 10>, scalar_prefetch = 0 : i64, scratch_operands = 0 : i64, tpu.core_type = #tpu.core_type<tc>, window_params = [{transform_indices = @transform_0, window_bounds = array<i64: 1000, 128>}, {transform_indices = @transform_1, window_bounds = array<i64: 1000, 1>}, {pipeline_mode = #tpu.pipeline_mode<synchronous>, transform_indices = @transform_2, window_bounds = array<i64: 128, 128>}, {pipeline_mode = #tpu.pipeline_mode<synchronous>, transform_indices = @transform_3, window_bounds = array<i64: 1, 128>}, {pipeline_mode = #tpu.pipeline_mode<synchronous>, transform_indices = @transform_4, window_bounds = array<i64: 128, 128>}, {pipeline_mode = #tpu.pipeline_mode<synchronous>, transform_indices = @transform_5, window_bounds = array<i64: 1, 128>}, {transform_indices = @transform_6, window_bounds = array<i64: 1000, 128>}, {transform_indices = @transform_7, window_bounds = array<i64: 1000, 128>}]} {
    %get3A = arith.constant 0 : index
    %get3A_0 = arith.constant 0 : index
    %get3A_1 = vector.load %arg2[%get3A, %get3A_0] : memref<1000x1xf32, #tpu.memory_space<vmem>>, vector<1000x1xf32>
    %get3A_2 = arith.constant 0 : index
    %get3A_3 = arith.constant 0 : index
    %get3A_4 = vector.load %arg1[%get3A_2, %get3A_3] : memref<1000x128xf32, #tpu.memory_space<vmem>>, vector<1000x128xf32>
    %mul3A = vector.broadcast %get3A_1 : vector<1000x1xf32> to vector<1000x128xf32>
    %mul3A_5 = arith.mulf %get3A_4, %mul3A : vector<1000x128xf32>
    %get3A_6 = arith.constant 0 : index
    %get3A_7 = arith.constant 0 : index
    %get3A_8 = vector.load %arg3[%get3A_6, %get3A_7] : memref<128x128xf32, #tpu.memory_space<vmem>>, vector<128x128xf32>
    %dot_general3A = arith.constant dense<0.000000e+00> : vector<1000x128xf32>
    %dot_general3A_9 = tpu.matmul %mul3A_5, %get3A_8, %dot_general3A {dimension_numbers = #tpu.dot_dimension_numbers<[1], [0], [0], [1], [0, 0, 1, 1], [], []>, transpose_lhs_hint = false} : vector<1000x128xf32>, vector<128x128xf32>, vector<1000x128xf32> -> vector<1000x128xf32>
    %get3A_10 = arith.constant 0 : index
    %get3A_11 = arith.constant 0 : index
    %get3A_12 = vector.load %arg4[%get3A_10, %get3A_11] : memref<1x128xf32, #tpu.memory_space<vmem>>, vector<1x128xf32>
    %add3A = vector.broadcast %get3A_12 : vector<1x128xf32> to vector<1000x128xf32>
    %add3A_13 = arith.addf %dot_general3A_9, %add3A : vector<1000x128xf32>
    %max3A = arith.constant 0.000000e+00 : f32
    %max3A_14 = vector.broadcast %max3A : f32 to vector<1000x128xf32>
    %max3A_15 = arith.maximumf %add3A_13, %max3A_14 : vector<1000x128xf32>
    %get3A_16 = arith.constant 0 : index
    %get3A_17 = arith.constant 0 : index
    %get3A_18 = vector.load %arg5[%get3A_16, %get3A_17] : memref<128x128xf32, #tpu.memory_space<vmem>>, vector<128x128xf32>
    %dot_general3A_19 = arith.constant dense<0.000000e+00> : vector<1000x128xf32>
    %dot_general3A_20 = tpu.matmul %mul3A_5, %get3A_18, %dot_general3A_19 {dimension_numbers = #tpu.dot_dimension_numbers<[1], [0], [0], [1], [0, 0, 1, 1], [], []>, transpose_lhs_hint = false} : vector<1000x128xf32>, vector<128x128xf32>, vector<1000x128xf32> -> vector<1000x128xf32>
    %get3A_21 = arith.constant 0 : index
    %get3A_22 = arith.constant 0 : index
    %get3A_23 = vector.load %arg6[%get3A_21, %get3A_22] : memref<1x128xf32, #tpu.memory_space<vmem>>, vector<1x128xf32>
    %add3A_24 = vector.broadcast %get3A_23 : vector<1x128xf32> to vector<1000x128xf32>
    %add3A_25 = arith.addf %dot_general3A_20, %add3A_24 : vector<1000x128xf32>
    %max3A_26 = arith.constant 0.000000e+00 : f32
    %max3A_27 = vector.broadcast %max3A_26 : f32 to vector<1000x128xf32>
    %max3A_28 = arith.maximumf %add3A_25, %max3A_27 : vector<1000x128xf32>
    %mul3A_29 = vector.broadcast %get3A_1 : vector<1000x1xf32> to vector<1000x128xf32>
    %mul3A_30 = arith.mulf %max3A_15, %mul3A_29 : vector<1000x128xf32>
    %swap3A = arith.constant 0 : index
    %swap3A_31 = arith.constant 0 : index
    %swap3A_32 = vector.load %arg7[%swap3A, %swap3A_31] : memref<1000x128xf32, #tpu.memory_space<vmem>>, vector<1000x128xf32>
    tpu.vector_store %arg7[%swap3A, %swap3A_31], %mul3A_30 {strides = array<i32>} : memref<1000x128xf32, #tpu.memory_space<vmem>>, vector<1000x128xf32>,
    %mul3A_33 = vector.broadcast %get3A_1 : vector<1000x1xf32> to vector<1000x128xf32>
    %mul3A_34 = arith.mulf %max3A_28, %mul3A_33 : vector<1000x128xf32>
    %swap3A_35 = arith.constant 0 : index
    %swap3A_36 = arith.constant 0 : index
    %swap3A_37 = vector.load %arg8[%swap3A_35, %swap3A_36] : memref<1000x128xf32, #tpu.memory_space<vmem>>, vector<1000x128xf32>
    tpu.vector_store %arg8[%swap3A_35, %swap3A_36], %mul3A_34 {strides = array<i32>} : memref<1000x128xf32, #tpu.memory_space<vmem>>, vector<1000x128xf32>,
    return
  }
  func.func @transform_0(%arg0: i32) -> (i32, i32) {
    %c0_i32 = arith.constant 0 : i32
    %c0_i32_0 = arith.constant 0 : i32
    return %arg0, %c0_i32 : i32, i32
  }
  func.func @transform_1(%arg0: i32) -> (i32, i32) {
    %c0_i32 = arith.constant 0 : i32
    %c0_i32_0 = arith.constant 0 : i32
    return %arg0, %c0_i32 : i32, i32
  }
  func.func @transform_2(%arg0: i32) -> (i32, i32) {
    %c0_i32 = arith.constant 0 : i32
    %c0_i32_0 = arith.constant 0 : i32
    %c0_i32_1 = arith.constant 0 : i32
    return %c0_i32, %c0_i32_0 : i32, i32
  }
  func.func @transform_3(%arg0: i32) -> (i32, i32) {
    %c0_i32 = arith.constant 0 : i32
    %c0_i32_0 = arith.constant 0 : i32
    %c0_i32_1 = arith.constant 0 : i32
    return %c0_i32, %c0_i32_0 : i32, i32
  }
  func.func @transform_4(%arg0: i32) -> (i32, i32) {
    %c0_i32 = arith.constant 0 : i32
    %c0_i32_0 = arith.constant 0 : i32
    %c0_i32_1 = arith.constant 0 : i32
    return %c0_i32, %c0_i32_0 : i32, i32
  }
  func.func @transform_5(%arg0: i32) -> (i32, i32) {
    %c0_i32 = arith.constant 0 : i32
    %c0_i32_0 = arith.constant 0 : i32
    %c0_i32_1 = arith.constant 0 : i32
    return %c0_i32, %c0_i32_0 : i32, i32
  }
  func.func @transform_6(%arg0: i32) -> (i32, i32) {
    %c0_i32 = arith.constant 0 : i32
    %c0_i32_0 = arith.constant 0 : i32
    return %arg0, %c0_i32 : i32, i32
  }
  func.func @transform_7(%arg0: i32) -> (i32, i32) {
    %c0_i32 = arith.constant 0 : i32
    %c0_i32_0 = arith.constant 0 : i32
    return %arg0, %c0_i32 : i32, i32
  }
}

module attributes {stable_mosaic.version = 14 : i64} {
  func.func @body(%arg0: i32, %arg1: memref<1000x128xf32, #tpu.memory_space<vmem>>, %arg2: memref<1000x128xf32, #tpu.memory_space<vmem>>, %arg3: memref<1000x1xf32, #tpu.memory_space<vmem>>, %arg4: memref<128x64xf32, #tpu.memory_space<vmem>>, %arg5: memref<1x64xf32, #tpu.memory_space<vmem>>, %arg6: memref<128x64xf32, #tpu.memory_space<vmem>>, %arg7: memref<1x64xf32, #tpu.memory_space<vmem>>, %arg8: memref<1000x64xf32, #tpu.memory_space<vmem>>, %arg9: memref<1000x64xf32, #tpu.memory_space<vmem>>) attributes {dimension_semantics = [#tpu.dimension_semantics<arbitrary>], iteration_bounds = array<i64: 10>, scalar_prefetch = 0 : i64, scratch_operands = 0 : i64, tpu.core_type = #tpu.core_type<tc>, window_params = [{transform_indices = @transform_0, window_bounds = array<i64: 1000, 128>}, {transform_indices = @transform_1, window_bounds = array<i64: 1000, 128>}, {transform_indices = @transform_2, window_bounds = array<i64: 1000, 1>}, {pipeline_mode = #tpu.pipeline_mode<synchronous>, transform_indices = @transform_3, window_bounds = array<i64: 128, 64>}, {pipeline_mode = #tpu.pipeline_mode<synchronous>, transform_indices = @transform_4, window_bounds = array<i64: 1, 64>}, {pipeline_mode = #tpu.pipeline_mode<synchronous>, transform_indices = @transform_5, window_bounds = array<i64: 128, 64>}, {pipeline_mode = #tpu.pipeline_mode<synchronous>, transform_indices = @transform_6, window_bounds = array<i64: 1, 64>}, {transform_indices = @transform_7, window_bounds = array<i64: 1000, 64>}, {transform_indices = @transform_8, window_bounds = array<i64: 1000, 64>}]} {
    %get3A = arith.constant 0 : index
    %get3A_0 = arith.constant 0 : index
    %get3A_1 = vector.load %arg3[%get3A, %get3A_0] : memref<1000x1xf32, #tpu.memory_space<vmem>>, vector<1000x1xf32>
    %get3A_2 = arith.constant 0 : index
    %get3A_3 = arith.constant 0 : index
    %get3A_4 = vector.load %arg1[%get3A_2, %get3A_3] : memref<1000x128xf32, #tpu.memory_space<vmem>>, vector<1000x128xf32>
    %mul3A = vector.broadcast %get3A_1 : vector<1000x1xf32> to vector<1000x128xf32>
    %mul3A_5 = arith.mulf %get3A_4, %mul3A : vector<1000x128xf32>
    %get3A_6 = arith.constant 0 : index
    %get3A_7 = arith.constant 0 : index
    %get3A_8 = vector.load %arg4[%get3A_6, %get3A_7] : memref<128x64xf32, #tpu.memory_space<vmem>>, vector<128x64xf32>
    %dot_general3A = arith.constant dense<0.000000e+00> : vector<1000x64xf32>
    %dot_general3A_9 = tpu.matmul %mul3A_5, %get3A_8, %dot_general3A {dimension_numbers = #tpu.dot_dimension_numbers<[1], [0], [0], [1], [0, 0, 1, 1], [], []>, transpose_lhs_hint = false} : vector<1000x128xf32>, vector<128x64xf32>, vector<1000x64xf32> -> vector<1000x64xf32>
    %get3A_10 = arith.constant 0 : index
    %get3A_11 = arith.constant 0 : index
    %get3A_12 = vector.load %arg5[%get3A_10, %get3A_11] : memref<1x64xf32, #tpu.memory_space<vmem>>, vector<1x64xf32>
    %add3A = vector.broadcast %get3A_12 : vector<1x64xf32> to vector<1000x64xf32>
    %add3A_13 = arith.addf %dot_general3A_9, %add3A : vector<1000x64xf32>
    %reduce_max3A = arith.constant dense<0xFF800000> : vector<1000xf32>
    %reduce_max3A_14 = vector.multi_reduction <maximumf>, %add3A_13, %reduce_max3A [1] : vector<1000x64xf32> to vector<1000xf32>
    %broadcast_in_dim3A = vector.shape_cast %reduce_max3A_14 : vector<1000xf32> to vector<1000x1xf32>
    %sub3A = vector.broadcast %broadcast_in_dim3A : vector<1000x1xf32> to vector<1000x64xf32>
    %sub3A_15 = arith.subf %add3A_13, %sub3A : vector<1000x64xf32>
    %exp3A = math.exp %sub3A_15 : vector<1000x64xf32>
    %reduce_sum3A = arith.constant dense<0.000000e+00> : vector<1000xf32>
    %reduce_sum3A_16 = vector.multi_reduction <add>, %exp3A, %reduce_sum3A [1] : vector<1000x64xf32> to vector<1000xf32>
    %broadcast_in_dim3A_17 = vector.shape_cast %reduce_sum3A_16 : vector<1000xf32> to vector<1000x1xf32>
    %log3A = math.log %broadcast_in_dim3A_17 : vector<1000x1xf32>
    %add3A_18 = arith.addf %log3A, %broadcast_in_dim3A : vector<1000x1xf32>
    %sub3A_19 = vector.broadcast %add3A_18 : vector<1000x1xf32> to vector<1000x64xf32>
    %sub3A_20 = arith.subf %add3A_13, %sub3A_19 : vector<1000x64xf32>
    %swap3A = arith.constant 0 : index
    %swap3A_21 = arith.constant 0 : index
    %swap3A_22 = vector.load %arg8[%swap3A, %swap3A_21] : memref<1000x64xf32, #tpu.memory_space<vmem>>, vector<1000x64xf32>
    tpu.vector_store %arg8[%swap3A, %swap3A_21], %sub3A_20 {strides = array<i32>} : memref<1000x64xf32, #tpu.memory_space<vmem>>, vector<1000x64xf32>,
    %get3A_23 = arith.constant 0 : index
    %get3A_24 = arith.constant 0 : index
    %get3A_25 = vector.load %arg2[%get3A_23, %get3A_24] : memref<1000x128xf32, #tpu.memory_space<vmem>>, vector<1000x128xf32>
    %mul3A_26 = vector.broadcast %get3A_1 : vector<1000x1xf32> to vector<1000x128xf32>
    %mul3A_27 = arith.mulf %get3A_25, %mul3A_26 : vector<1000x128xf32>
    %get3A_28 = arith.constant 0 : index
    %get3A_29 = arith.constant 0 : index
    %get3A_30 = vector.load %arg6[%get3A_28, %get3A_29] : memref<128x64xf32, #tpu.memory_space<vmem>>, vector<128x64xf32>
    %dot_general3A_31 = arith.constant dense<0.000000e+00> : vector<1000x64xf32>
    %dot_general3A_32 = tpu.matmul %mul3A_27, %get3A_30, %dot_general3A_31 {dimension_numbers = #tpu.dot_dimension_numbers<[1], [0], [0], [1], [0, 0, 1, 1], [], []>, transpose_lhs_hint = false} : vector<1000x128xf32>, vector<128x64xf32>, vector<1000x64xf32> -> vector<1000x64xf32>
    %get3A_33 = arith.constant 0 : index
    %get3A_34 = arith.constant 0 : index
    %get3A_35 = vector.load %arg7[%get3A_33, %get3A_34] : memref<1x64xf32, #tpu.memory_space<vmem>>, vector<1x64xf32>
    %add3A_36 = vector.broadcast %get3A_35 : vector<1x64xf32> to vector<1000x64xf32>
    %add3A_37 = arith.addf %dot_general3A_32, %add3A_36 : vector<1000x64xf32>
    %reduce_max3A_38 = arith.constant dense<0xFF800000> : vector<1000xf32>
    %reduce_max3A_39 = vector.multi_reduction <maximumf>, %add3A_37, %reduce_max3A_38 [1] : vector<1000x64xf32> to vector<1000xf32>
    %broadcast_in_dim3A_40 = vector.shape_cast %reduce_max3A_39 : vector<1000xf32> to vector<1000x1xf32>
    %sub3A_41 = vector.broadcast %broadcast_in_dim3A_40 : vector<1000x1xf32> to vector<1000x64xf32>
    %sub3A_42 = arith.subf %add3A_37, %sub3A_41 : vector<1000x64xf32>
    %exp3A_43 = math.exp %sub3A_42 : vector<1000x64xf32>
    %reduce_sum3A_44 = arith.constant dense<0.000000e+00> : vector<1000xf32>
    %reduce_sum3A_45 = vector.multi_reduction <add>, %exp3A_43, %reduce_sum3A_44 [1] : vector<1000x64xf32> to vector<1000xf32>
    %broadcast_in_dim3A_46 = vector.shape_cast %reduce_sum3A_45 : vector<1000xf32> to vector<1000x1xf32>
    %log3A_47 = math.log %broadcast_in_dim3A_46 : vector<1000x1xf32>
    %add3A_48 = arith.addf %log3A_47, %broadcast_in_dim3A_40 : vector<1000x1xf32>
    %sub3A_49 = vector.broadcast %add3A_48 : vector<1000x1xf32> to vector<1000x64xf32>
    %sub3A_50 = arith.subf %add3A_37, %sub3A_49 : vector<1000x64xf32>
    %swap3A_51 = arith.constant 0 : index
    %swap3A_52 = arith.constant 0 : index
    %swap3A_53 = vector.load %arg9[%swap3A_51, %swap3A_52] : memref<1000x64xf32, #tpu.memory_space<vmem>>, vector<1000x64xf32>
    tpu.vector_store %arg9[%swap3A_51, %swap3A_52], %sub3A_50 {strides = array<i32>} : memref<1000x64xf32, #tpu.memory_space<vmem>>, vector<1000x64xf32>,
    return
  }
  func.func @transform_0(%arg0: i32) -> (i32, i32) {
    %c0_i32 = arith.constant 0 : i32
    %c0_i32_0 = arith.constant 0 : i32
    return %arg0, %c0_i32 : i32, i32
  }
  func.func @transform_1(%arg0: i32) -> (i32, i32) {
    %c0_i32 = arith.constant 0 : i32
    %c0_i32_0 = arith.constant 0 : i32
    return %arg0, %c0_i32 : i32, i32
  }
  func.func @transform_2(%arg0: i32) -> (i32, i32) {
    %c0_i32 = arith.constant 0 : i32
    %c0_i32_0 = arith.constant 0 : i32
    return %arg0, %c0_i32 : i32, i32
  }
  func.func @transform_3(%arg0: i32) -> (i32, i32) {
    %c0_i32 = arith.constant 0 : i32
    %c0_i32_0 = arith.constant 0 : i32
    %c0_i32_1 = arith.constant 0 : i32
    return %c0_i32, %c0_i32_0 : i32, i32
  }
  func.func @transform_4(%arg0: i32) -> (i32, i32) {
    %c0_i32 = arith.constant 0 : i32
    %c0_i32_0 = arith.constant 0 : i32
    %c0_i32_1 = arith.constant 0 : i32
    return %c0_i32, %c0_i32_0 : i32, i32
  }
  func.func @transform_5(%arg0: i32) -> (i32, i32) {
    %c0_i32 = arith.constant 0 : i32
    %c0_i32_0 = arith.constant 0 : i32
    %c0_i32_1 = arith.constant 0 : i32
    return %c0_i32, %c0_i32_0 : i32, i32
  }
  func.func @transform_6(%arg0: i32) -> (i32, i32) {
    %c0_i32 = arith.constant 0 : i32
    %c0_i32_0 = arith.constant 0 : i32
    %c0_i32_1 = arith.constant 0 : i32
    return %c0_i32, %c0_i32_0 : i32, i32
  }
  func.func @transform_7(%arg0: i32) -> (i32, i32) {
    %c0_i32 = arith.constant 0 : i32
    %c0_i32_0 = arith.constant 0 : i32
    return %arg0, %c0_i32 : i32, i32
  }
  func.func @transform_8(%arg0: i32) -> (i32, i32) {
    %c0_i32 = arith.constant 0 : i32
    %c0_i32_0 = arith.constant 0 : i32
    return %arg0, %c0_i32 : i32, i32
  }
}

</mosaic_0001>

<sc_bundles>
// kernel: kernel.12.cloned.1.call-start
scs
__scs_entry_jumppad:
0x0: {  	(pc) =	sbr.rel $0x88, $3  }
0x1: {  	(tag) =	ssettag $0x0;
	lr =	simm.s32 $0x1  }
0x2: {  	[smem:$0x3F97] =	sst lr;
	_ =	strace $0xD0000000  }
0x3: {  	_ = 	snop  }
0x4: {  	_ = 	snop  }
0x5: {  	_ = 	snop  }
0x6: {  	_ = 	snop  }
0x7: {  	_ = 	snop  }
__scs_overlays_trampoline_lowered:
0x8: {  	[smem:$0x3FA6] =	sst s0  }
0x9: {  	[smem:$0x3FA7] =	sst s1  }
0xa: {  	[smem:$0x3FA8] =	sst s2  }
0xb: {  	[smem:$0x3FA9] =	sst s3  }
0xc: {  	[smem:$0x3FAA] =	sst s4  }
0xd: {  	[smem:$0x3FAB] =	sst s5  }
0xe: {  	[smem:$0x3FAC] =	sst s6  }
0xf: {  	[smem:$0x3FAD] =	sst s7  }
0x10: {  	[smem:$0x3FAE] =	sst s8  }
0x11: {  	[smem:$0x3FAF] =	sst s9;
	s0 =	simm.s32 @!p0 $0x0  }
0x12: {  	s1 =	sld [smem:$0x3F95];
	s0 =	simm.s32 @p0 $0x1  }
0x13: {  	[smem:$0x3FB0] =	sst s0;
	s0 =	simm.s32 @!p1 $0x0  }
0x14: {  	s2 =	sld [smem:$0x3F94];
	s0 =	simm.s32 @p1 $0x1  }
0x15: {  	[smem:$0x3FB1] =	sst s0;
	s0 =	simm.s32 @!p2 $0x0  }
0x16: {  	s3 =	sld [smem:$0x3FDB];
	s0 =	simm.s32 @p2 $0x1  }
0x17: {  	s4 =	simm.s32 $0x1BF5;
	[smem:$0x3FB3] =	sst s0  }
0x18: {  	s0 =	sld [smem:$0x3F96];
	_ =	swait.ge [sflag:s4], $0x0  }
0x19: {  	s7 =	sld [smem:$0x3F97]  }
0x1a: {  	s8 =	sadd.s32 $0xFFFFE003, lr  }
0x1b: {  	s9 =	sadd.s32 $0xFFFFFEF7, lr;
	s5 =	simm.s32 $0xFFFFFFFF;
	p2 =	slt.u32 s8, $0xFFFFF086  }
0x1c: {  	p1 =	slt.u32 s9, $0xF7A;
	s5 =	simm.s32 @!p2 $0x0  }
0x1d: {  	s5 =	simm.s32 @p1 $0x1;
	p0 =	seq.s32 s7, s2  }
0x1e: {  	s7 =	smul.u32 @!p0 $0xF7A, s2;
	p2 =	seq.s32 @!p0 s5, $0x0  }
0x1f: {  	s9 =	smul.u32 $0xF7A, s1;
	s8 =	simm.s32 @!p0 $0x1BF5;
	p2 =	por !p2, p0  }
0x20: {  	[sflag:s8] =	ssyncset.s32 @!p0 $0xFFFFF086;
	s6 =	sadd.s32 @!p0 s3, s7;
	s7 =	simm.s32 @!p0 $0x108  }
0x21: {  	s3 =	sadd.s32 s3, s9;
	s6 =	sadd.s32 @!p0 $0x88, s6;
	s7 =	simm.s32 @p2 $0x1082  }
0x22: {  	[simem:s7], [sflag:s8] =	dma.local @!p0 [hbm:s6], $0xF7A  }
0x23: {  	s9 =	sor.u32 $0xD0000000, s2;
	s6 =	simm.s32 $0x108;
	_ =	swait.ge @!p0 [sflag:s8], $0x0  }
0x24: {  	s3 =	sadd.s32 $0x88, s3;
	s6 =	simm.s32 @!p1 $0x1082;
	[sflag:s4] =	ssyncset.s32 $0xFFFFF086  }
0x25: {  	[simem:s6], [sflag:s4] =	dma.local [hbm:s3], $0xF7A  }
0x26: {  	[smem:$0x3F97] =	sst s1;
	(tag) =	ssettag s2;
	_ =	strace s9  }
0x27: {  	s1 =	sld [smem:$0x3FA7]  }
0x28: {  	s2 =	sld [smem:$0x3FA8]  }
0x29: {  	s4 =	sld [smem:$0x3FAA]  }
0x2a: {  	p0 =	seq.s32 s5, $0x0;
	s5 =	sld [smem:$0x3FAB]  }
0x2b: {  	s6 =	sld [smem:$0x3FAC]  }
0x2c: {  	s7 =	sld [smem:$0x3FAD]  }
0x2d: {  	s3 =	simm.s32 $0x108;
	s8 =	sld [smem:$0x3FAE]  }
0x2e: {  	s3 =	simm.s32 @!p0 $0x1082;
	s9 =	sld [smem:$0x3FAF]  }
0x2f: {  	lr =	sadd.s32 s0, s3;
	s0 =	sld [smem:$0x3FA6]  }
0x30: {  	s3 =	sld [smem:$0x3FA9]  }
0x31: {  	[smem:$0x3FB2] =	sst s10  }
0x32: {  	s10 =	sld [smem:$0x3FB0];
	_ =	sdelay $0x3  }
0x33: {  	p0 =	seq.s32 s10, $0x1;
	s10 =	sld [smem:$0x3FB2];
	_ =	sdelay $0x3  }
0x34: {  	[smem:$0x3FB2] =	sst s10  }
0x35: {  	s10 =	sld [smem:$0x3FB1];
	_ =	sdelay $0x3  }
0x36: {  	p1 =	seq.s32 s10, $0x1;
	s10 =	sld [smem:$0x3FB2];
	_ =	sdelay $0x3  }
0x37: {  	[smem:$0x3FB2] =	sst s10  }
0x38: {  	s10 =	sld [smem:$0x3FB3]  }
0x39: {  	_ = 	snop;
	(pc) =	sbr.ind lr, $3  }
0x3a: {  	_ = 	snop  }
0x3b: {  	_ = 	snop  }
0x3c: {  	p2 =	seq.s32 s10, $0x1;
	s10 =	sld [smem:$0x3FB2]  }
0x3d: {  	_ =	shalt  }
0x3e: {  	_ =	shalt  }
0x3f: {  	_ =	shalt  }
0x40: {  	_ =	shalt  }
0x41: {  	_ =	shalt  }
0x42: {  	_ =	shalt  }
0x43: {  	_ =	shalt  }
0x44: {  	_ =	shalt  }
0x45: {  	_ =	shalt  }
0x46: {  	_ =	shalt  }
0x47: {  	_ =	shalt  }
0x48: {  	_ =	shalt  }
0x49: {  	_ =	shalt  }
0x4a: {  	_ =	shalt  }
0x4b: {  	_ =	shalt  }
0x4c: {  	_ =	shalt  }
0x4d: {  	_ =	shalt  }
0x4e: {  	_ =	shalt  }
0x4f: {  	_ =	shalt  }
0x50: {  	_ =	shalt  }
0x51: {  	_ =	shalt  }
0x52: {  	_ =	shalt  }
0x53: {  	_ =	shalt  }
0x54: {  	_ =	shalt  }
0x55: {  	_ =	shalt  }
0x56: {  	_ =	shalt  }
0x57: {  	_ =	shalt  }
0x58: {  	_ =	shalt  }
0x59: {  	_ =	shalt  }
0x5a: {  	_ =	shalt  }
0x5b: {  	_ =	shalt  }
0x5c: {  	_ =	shalt  }
0x5d: {  	_ =	shalt  }
0x5e: {  	_ =	shalt  }
0x5f: {  	_ =	shalt  }
0x60: {  	_ =	shalt  }
0x61: {  	_ =	shalt  }
0x62: {  	_ =	shalt  }
0x63: {  	_ =	shalt  }
0x64: {  	_ =	shalt  }
0x65: {  	_ =	shalt  }
0x66: {  	_ =	shalt  }
0x67: {  	_ =	shalt  }
0x68: {  	_ =	shalt  }
0x69: {  	_ =	shalt  }
0x6a: {  	_ =	shalt  }
0x6b: {  	_ =	shalt  }
0x6c: {  	_ =	shalt  }
0x6d: {  	_ =	shalt  }
0x6e: {  	_ =	shalt  }
0x6f: {  	_ =	shalt  }
0x70: {  	_ =	shalt  }
0x71: {  	_ =	shalt  }
0x72: {  	_ =	shalt  }
0x73: {  	_ =	shalt  }
0x74: {  	_ =	shalt  }
0x75: {  	_ =	shalt  }
0x76: {  	_ =	shalt  }
0x77: {  	_ =	shalt  }
0x78: {  	_ =	shalt  }
0x79: {  	_ =	shalt  }
0x7a: {  	_ =	shalt  }
0x7b: {  	_ =	shalt  }
0x7c: {  	_ =	shalt  }
0x7d: {  	_ =	shalt  }
0x7e: {  	_ =	shalt  }
0x7f: {  	_ =	shalt  }
0x80: {  	_ =	shalt  }
0x81: {  	_ =	shalt  }
0x82: {  	_ =	shalt  }
0x83: {  	_ =	shalt  }
0x84: {  	_ =	shalt  }
0x85: {  	_ =	shalt  }
0x86: {  	_ =	shalt  }
0x87: {  	_ =	shalt  }
.Lfunc_end0:
.L_simem_size_0:
called_computation.1_lowered:
.L_overlay_start_0:
0x88: {  	s2 =	sld [smem:$0x3FD9]  }
0x89: {  	s3 =	sld [smem:$0x3FFE];
	_ =	sdelay $0x1  }
0x8a: {  	s1 =	srdreg.scid  }
0x8b: {  	s0 =	sand.u32 $0x1, s1  }
0x8c: {  	s14 =	sshll.u32 s0, $0xA;
	s2 =	sadd.s32 s3, s2  }
0x8d: {  	s2 =	sadd.s32 s2, s14  }
0x8e: {  	[smem:$0x3FBE] =	sst s2  }
0x8f: {  	_ = 	snop  }
0x90: {  	s2 =	sld [smem:$0x3FD0];
	_ =	sdelay $0x2  }
0x91: {  	s15 =	simm.s32 $0xB;
	s4 =	simm.s32 $0x10  }
0x92: {  	[smem:s4], [sflag:s15] =	dma.local [hbm:s2], $0x1  }
0x93: {  	_ =	swait.eq [sflag:s15], $0x1  }
0x94: {  	[sflag:s15] =	ssyncset.done $0x0  }
0x95: {  	s16 =	sld [smem:$0x10];
	[sflag:s15] =	ssyncadd.s32 $0xFFFFFFFF  }
0x96: {  	s17 =	sld [smem:$0x11];
	(tm) =	ssettm $0x1  }
0x97: {  	s18 =	sld [smem:$0x3FFB];
	_ =	sdelay $0x3  }
0x98: {  	_ =	strace s18  }
0x99: {  	s4 =	sld [smem:$0x3FFC];
	_ =	sdelay $0x3  }
0x9a: {  	_ =	strace s4  }
0x9b: {  	s4 =	sld [smem:$0x3FFD];
	_ =	sdelay $0x3  }
0x9c: {  	_ =	strace s4  }
0x9d: {  	_ =	strace $0x8FFFFFFF  }
0x9e: {  	s19 =	sld [smem:$0x3FDB];
	_ =	sdelay $0x1  }
0x9f: {  	s5 =	simm.s32 $_scs_section_size  }
0xa0: {  	s6 =	simm.s32 $_size__tile_overlayer_lowered;
	s7 =	simm.s32 $_tile_overlayer_lowered  }
0xa1: {  	s22 =	simm.s32 $0x1BFF;
	s21 =	sshll.u32 s7, $0x1;
	s4 =	sadd.s32 s5, s19  }
0xa2: {  	s8 =	simm.s32 $0x0;
	s20 =	sshll.u32 s6, $0x1;
	s6 =	sadd.s32 s21, s4  }
0xa3: {  	[timem:s8], [sflag:s22] =	dma.local [hbm:s6], s20  }
0xa4: {  	_ =	swait.ge [sflag:s22], s20  }
0xa5: {  	s5 =	ssub.s32 $0x0, s20;
	[sflag:s22] =	ssyncset.done $0x0  }
0xa6: {  	[sflag:s22] =	ssyncadd.s32 s5;
	_ =	sdelay $0x1  }
0xa7: {  	s23 =	simm.s32 $0x1B8B  }
0xa8: {  	_ =	swait.ge [sflag:s23], $0x1  }
0xa9: {  	[sflag:s23] =	ssyncset.done $0x0  }
0xaa: {  	s25 =	simm.s32 $0x1B8E;
	s24 =	sld [smem:$0x3FFE];
	[sflag:s23] =	ssyncadd.s32 $0xFFFFFFFF  }
0xab: {  	s26 =	simm.s32 $execute0_lowered;
	[smem:$0x3FD2] =	sst s25  }
0xac: {  	s6 =	sshll.u32 s26, $0x1;
	_ =	strace $0x80000049;
	[dreg:$0x1] =	wrdreg $0xFFFFFFFF  }
0xad: {  	s28 =	simm.s32 $_size_execute0_lowered;
	s4 =	sadd.s32 s4, s6;
	[dreg:$0x0] =	wrdreg $0x0  }
0xae: {  	s6 =	sshll.u32 s28, $0x1;
	[dreg:$0x2] =	wrdreg s4  }
0xaf: {  	[dreg:$0x3] =	wrdreg s6  }
0xb0: {  	[dreg:$0x4] =	wrdreg $0xC0  }
0xb1: {  	_ =	task [dreg:s8], $0x5FFFF  }
0xb2: {  	[dreg:$0x1] =	wrdreg $0xFFFFFFFF  }
0xb3: {  	[dreg:$0x0] =	wrdreg $0x60  }
0xb4: {  	[dreg:$0x2] =	wrdreg s24  }
0xb5: {  	[dreg:$0x3] =	wrdreg s17  }
0xb6: {  	[dreg:$0x4] =	wrdreg s16  }
0xb7: {  	[dreg:$0x5] =	wrdreg $0xFE000  }
0xb8: {  	[dreg:$0x6] =	wrdreg $0x9  }
0xb9: {  	_ =	task.clear_ibuf [dreg:s8], $0x7FFFF;
	_ =	strace $0x90000049  }
0xba: {  	s29 =	simm.s32 $0x9;
	_ =	strace $0x8000004B  }
0xbb: {  	_ =	swait.ge [sflag:s29], $0x1  }
0xbc: {  	[sflag:s29] =	ssyncadd.s32 $0xFFFFFFFF  }
0xbd: {  	_ =	strace $0x9000004B  }
0xbe: {  	_ =	sfence  }
0xbf: {  	s30 =	sld [smem:$0x0];
	_ =	sdelay $0x2  }
0xc0: {  	s31 =	sshll.u32 s1, $0xD;
	s1 =	sshrl.u32 s1, $0x2  }
0xc1: {  	s3 =	sand.u32 $0x4000, s31;
	s1 =	sadd.s32 s1, s30  }
0xc2: {  	s0 =	sor.u32 s3, s0;
	s1 =	sshll.u32 s1, $0x11  }
0xc3: {  	s0 =	sor.u32 s1, s0  }
0xc4: {  	s0 =	sadd.s32 $0x8F2B, s0  }
0xc5: {  	[sflag:s0] =	ssyncadd.remote.s32 $0x1  }
0xc6: {  	_ =	sfence.sel $0xFFFF  }
0xc7: {  	[dreg:$0x0] =	wrdreg $0xFFFFFFFF;
	(pc) =	sbr.abs _section_cstart, $3  }
0xc8: {  	[dreg:$0x1] =	wrdreg $0xFFFFFFFF  }
0xc9: {  	_ =	task.clear_ibuf [dreg:s8], $0x2FFFF;
	_ =	strace $0x9FFFFFFF  }
0xca: {  	(tm) =	ssettm $0x7FFFFFFF  }
0xcb: {  	_ =	shalt  }
tec
execute0_lowered:
.L_overlay_start_1:
0x0: {  	(tag) =	ssettag $0x1  }
0x1: {  	s7 =	rddreg [dreg:$0x0]  }
0x2: {  	s0 =	rddreg [dreg:$0x1]  }
0x3: {  	s1 =	rddreg [dreg:$0x2];
	s2 =	srdreg.scid  }
0x4: {  	s3 =	rddreg [dreg:$0x3];
	s4 =	stileid.u32;
	s5 =	simm.s32 $0x0  }
0x5: {  	s15 =	simm.s32 $0x80;
	s16 =	simm.s32 $0x400;
	s17 =	simm.s32 $0x3  }
0x6: {  	s18 =	simm.s32 $0x800;
	s20 =	simm.s32 $0xAE00;
	s21 =	simm.s32 $0x50  }
0x7: {  	s22 =	simm.s32 $0xD600;
	s23 =	simm.s32 $0x2;
	s9 =	smul.u32 $0x140, s4  }
0x8: {  	s8 =	sand.u32 $0x1, s2;
	[smem:$0x7FF] =	sst s5;
	s10 =	smul.u32 $0x28000, s4  }
0x9: {  	s6 =	sadd.s32 $0x3200, s7;
	s12 =	sadd.s32 $0xA0000, s3;
	s19 =	smul.u32 $0x1400, s8  }
0xa: {  	p0 =	sne.s32 s4, $0x0;
	_ =	strace $0x8000004A;
	s8 =	ssub.s32 $0x2, s8  }
.Ltmp0:
0xb: {  	s31 =	sshrl.u32 s8, $0x1;
	s9 =	sadd.s32 s9, s19;
	(pc) =	sbr.rel .LBB2_1-.Ltmp0, $4  }
0xc: {  	s10 =	sshrl.u32 s10, $0x2;
	s14 =	ssub.s32 s8, s31;
	s9 =	sshll.u32 s9, $0x4  }
0xd: {  	s8 =	smul.u32 $0xA, s4;
	s13 =	sadd.s32 s9, s7;
	s7 =	sadd.s32 s10, s3  }
0xe: {  	v0 =	vmov s19;
	s19 =	simm.s32 $0x1;
	s14 =	smax.u32 s14, $0x1;
	s9 =	sadd.s32 $0x2800, s7  }
0xf: {  	v1 =	vimm.s32 $0x0;
	v2 =	vimm.s32 $0x1400;
	v3 =	vimm.f32 $0.0e+00;
	s10 =	sadd.s32 $0x5000, s7;
	s11 =	sadd.s32 $0x7800, s7;
	s13 =	sadd.s32 $0x51600, s13  }
.LBB2_10:
0x10: {  	[sflag:s17] =	ssyncset.done $0x0  }
0x11: {  	[sflag:s17] =	ssyncadd.s32 $0xFFFFD800  }
.LBB2_11:
0x12: {  	s2 =	sand.u32 $0x1, s24  }
0x13: {  	p1 =	seq.s32 s2, $0x0  }
0x14: {  	s2 =	simm.s32 @!p1 $0x1  }
0x15: {  	s24 =	smul.u32 @!p1 $0x140, s24;
	_ =	swait.ge @!p1 [sflag:s2], $0x2800  }
0x16: {  	[sflag:s2] =	ssyncset.done @!p1 $0x0  }
0x17: {  	[sflag:s2] =	ssyncadd.s32 @!p1 $0xFFFFD800;
	s2 =	sshra.s32 @!p1 s24, $0x2  }
0x18: {  	s25 =	simm.s32 @!p1 $0xAE00;
	s24 =	simm.s32 @!p1 $0x50;
	s2 =	sadd.s32 @!p1 $0x5EB0, s2  }
0x19: {  	[spmem:s3] =	stream.indirect.scatter.add.f32 @!p1 [tilespmem:s25], [sflag:$0x3], $0x80, s2, s24, $0xb8;
	[tilespmem:$0x19E40] =	vst v63  }
0x1a: {  	s2 =	simm.s32 @!p1 $0x3  }
0x1b: {  	_ =	swait.ge @!p1 [sflag:s2], $0x2800  }
0x1c: {  	s30 =	sshll.u32 s4, $0x6;
	s5 =	sadd.s32 $0x1, s5;
	[sflag:s2] =	ssyncset.done @!p1 $0x0  }
0x1d: {  	s31 =	sshrl.u32 s7, $0x3;
	[sflag:s2] =	ssyncadd.s32 @!p1 $0xFFFFD800;
	p1 =	sne.s32 s5, s14  }
.Ltmp1:
0x1e: {  	s2 =	sor.u32 $0x1C03, s30;
	[bflag:$0x0] =	sbarrier.arrive $0xFFFF;
	(pc) =	sbr.rel @!p1 .LBB2_12-.Ltmp1, $4  }
0x1f: {  	[hbm:s13], [sflag:s2] =	dma.local [spmem:s31], $0x1400  }
0x20: {  	_ =	swait.ge [sflag:s17], $0x1400  }
0x21: {  	[sflag:s17] =	ssyncset.done $0x0  }
0x22: {  	[sflag:s17] =	ssyncadd.s32 $0xFFFFEC00  }
.LBB2_1:
0x23: {  	s24 =	simm.s32 $0x0;
	s25 =	simm.s32 $0x0  }
.LBB2_2:
0x24: {  	s26 =	sadd.s32 s8, s25  }
0x25: {  	s28 =	sshll.u32 s26, $0x8;
	s26 =	sshll.u32 s26, $0x4  }
0x26: {  	s28 =	sand.u32 $0x1F800, s28;
	s26 =	sand.u32 $0x70, s26  }
0x27: {  	s26 =	sor.u32 s26, s28  }
0x28: {  	s29 =	simm.s32 $0x0;
	s28 =	sadd.s32 s0, s26  }
0x29: {  	[tilespmem:s29], [sflag:$0x3] =	stream.strided.gather [hbm4b:s28+s15], $0x800, s16, s15, $0x38;
	[tilespmem:$0x19E40] =	vst v63  }
0x2a: {  	_ =	swait.ge [sflag:s17], $0x800  }
0x2b: {  	[sflag:s17] =	ssyncset.done $0x0  }
0x2c: {  	s26 =	sadd.s32 s1, s26;
	[sflag:s17] =	ssyncadd.s32 $0xFFFFF800  }
0x2d: {  	[tilespmem:s18], [sflag:$0x3] =	stream.strided.gather [hbm4b:s26+s15], $0x800, s16, s15, $0x38;
	[tilespmem:$0x19E40] =	vst v63  }
0x2e: {  	_ =	swait.ge [sflag:s17], $0x800  }
0x2f: {  	[sflag:s17] =	ssyncset.done $0x0  }
0x30: {  	s31 =	simm.s32 $0x0;
	[sflag:s17] =	ssyncadd.s32 $0xFFFFF800  }
0x31: {  	v4 =	vld [tilespmem:s31+$0x800];
	_ =	sdelay $0x4  }
0x32: {  	v4 =	vsub.s32 v4, v0  }
0x33: {  	vm0 =	vlt.u32 v4, $0x1400  }
0x34: {  	v5 =	vsel vm0, $0x1, v1  }
0x35: {  	(xrf0) =	vadd.scan.msk.s32 $0xffff, v5;
	_ =	sdelay $0x1  }
0x36: {  	v5 =	vld [tilespmem:s31+$0x0];
	_ =	sdelay $0x3  }
0x37: {  	v6, _, _ =	vpop (xrf0)  }
0x38: {  	[tilespmem:s24+$0x1000] =	vst.msk vm0, v5;
	(v2sf) =	vpush v6, $0xF  }
0x39: {  	s28 =	simm.s32 $0x10;
	s26 =	simm.s32 $0x80;
	[tilespmem:s24+$0x5F00] =	vst.msk vm0, v4  }
.LBB2_3:
0x3a: {  	p1 =	sne.s32 s26, $0x1F00;
	v4 =	vld [tilespmem:s28+$0x800];
	_ =	sdelay $0x4  }
0x3b: {  	v4 =	vsub.s32 v4, v0  }
0x3c: {  	vm0 =	vlt.u32 v4, $0x1400  }
0x3d: {  	v5 =	vsel vm0, $0x1, v1  }
0x3e: {  	(xrf0) =	vadd.scan.msk.s32 $0xffff, v5;
	_ =	sdelay $0x1  }
0x3f: {  	v5 =	vld [tilespmem:s28+$0x0];
	_ =	sdelay $0x1  }
.Ltmp2:
0x40: {  	(pc) =	sbr.rel @p1 .LBB2_3-.Ltmp2, $4  }
0x41: {  	s28 =	spop (v2sf)  }
0x42: {  	v6, _, _ =	vpop (xrf0);
	s24 =	sadd.s32 s24, s28  }
0x43: {  	[tilespmem:s24+$0x1000] =	vst.msk vm0, v5;
	(v2sf) =	vpush v6, $0xF  }
0x44: {  	s28 =	sshra.s32 s26, $0x2;
	s26 =	sadd.s32 $0x40, s26;
	[tilespmem:s24+$0x5F00] =	vst.msk vm0, v4  }
0x45: {  	v4 =	vld [tilespmem:s28+$0x800];
	_ =	sdelay $0x4  }
0x46: {  	v4 =	vsub.s32 v4, v0  }
0x47: {  	vm0 =	vlt.u32 v4, $0x1400  }
0x48: {  	v5 =	vsel vm0, $0x1, v1  }
0x49: {  	(xrf0) =	vadd.scan.msk.s32 $0xffff, v5;
	_ =	sdelay $0x5  }
0x4a: {  	v5, _, _ =	vpop (xrf0)  }
0x4b: {  	(v2sf) =	vpush v5, $0xF;
	_ =	sdelay $0x9  }
0x4c: {  	s25 =	sadd.s32 $0x1, s25;
	v5 =	vld [tilespmem:s28+$0x0]  }
0x4d: {  	p1 =	sne.s32 s25, $0xA  }
.Ltmp3:
0x4e: {  	_ = 	snop;
	(pc) =	sbr.rel @p1 .LBB2_2-.Ltmp3, $4  }
0x4f: {  	s26 =	spop (v2sf)  }
0x50: {  	s24 =	sadd.s32 s24, s26  }
0x51: {  	[tilespmem:s24+$0x1000] =	vst.msk vm0, v5;
	s31 =	spop (v2sf)  }
0x52: {  	[tilespmem:s24+$0x5F00] =	vst.msk vm0, v4;
	s24 =	sadd.s32 s24, s31  }
0x53: {  	[tilespmem:s24+$0x1000] =	vst v1  }
0x54: {  	[tilespmem:s24+$0x5F00] =	vst v2  }
0x55: {  	[tilespmem:s24+$0x1010] =	vst v1  }
0x56: {  	[tilespmem:s24+$0x5F10] =	vst v2  }
0x57: {  	[tilespmem:s24+$0x1020] =	vst v1  }
0x58: {  	[tilespmem:s24+$0x5F20] =	vst v2  }
0x59: {  	[tilespmem:s24+$0x1030] =	vst v1  }
0x5a: {  	[tilespmem:s24+$0x5F30] =	vst v2  }
0x5b: {  	[tilespmem:s24+$0x1040] =	vst v1  }
0x5c: {  	[tilespmem:s24+$0x5F40] =	vst v2;
	s25 =	simm.s32 $0x0;
	s26 =	simm.s32 $0x200  }
.LBB2_6:
0x5d: {  	p1 =	sne.s32 s26, $0x9E00;
	[tilespmem:s25+$0xAE70] =	vst v3  }
0x5e: {  	[tilespmem:s25+$0xAE00] =	vst v3  }
0x5f: {  	[tilespmem:s25+$0xAE10] =	vst v3  }
.Ltmp4:
0x60: {  	[tilespmem:s25+$0xAE20] =	vst v3;
	(pc) =	sbr.rel @p1 .LBB2_6-.Ltmp4, $4  }
0x61: {  	[tilespmem:s25+$0xAE30] =	vst v3  }
0x62: {  	[tilespmem:s25+$0xAE40] =	vst v3  }
0x63: {  	[tilespmem:s25+$0xAE50] =	vst v3  }
0x64: {  	[tilespmem:s25+$0xAE60] =	vst v3;
	s25 =	sshra.s32 s26, $0x2;
	s26 =	sadd.s32 $0x200, s26  }
0x65: {  	[tilespmem:s25+$0xAE70] =	vst v3  }
0x66: {  	[tilespmem:s25+$0xAE00] =	vst v3  }
0x67: {  	[tilespmem:s25+$0xAE10] =	vst v3  }
0x68: {  	[tilespmem:s25+$0xAE20] =	vst v3  }
0x69: {  	[tilespmem:s25+$0xAE30] =	vst v3  }
0x6a: {  	[tilespmem:s25+$0xAE40] =	vst v3  }
0x6b: {  	[tilespmem:s25+$0xAE50] =	vst v3  }
0x6c: {  	[tilespmem:s25+$0xAE60] =	vst v3  }
0x6d: {  	[spmem:s7] =	stream.linear.scatter [tilespmem:s20], [sflag:$0x3], $0x2800, $0x38;
	[tilespmem:$0x19E40] =	vst v63  }
0x6e: {  	_ =	swait.ge [sflag:s17], $0x2800  }
0x6f: {  	s2 =	sadd.s32 $0x4F, s24;
	[sflag:s17] =	ssyncset.done $0x0  }
0x70: {  	s26 =	smulhi.u32 $0x66666667, s2;
	s28 =	sshra.s32 s2, $0x1F;
	[sflag:s17] =	ssyncadd.s32 $0xFFFFD800  }
0x71: {  	[spmem:s9] =	stream.linear.scatter [tilespmem:s20], [sflag:$0x3], $0x2800, $0x38;
	[tilespmem:$0x19E40] =	vst v63  }
0x72: {  	s28 =	smul.u32 $0x66666667, s28;
	_ =	swait.ge [sflag:s17], $0x2800  }
0x73: {  	[sflag:s17] =	ssyncset.done $0x0  }
0x74: {  	s26 =	sadd.s32 s28, s26;
	[sflag:s17] =	ssyncadd.s32 $0xFFFFD800  }
0x75: {  	[spmem:s10] =	stream.linear.scatter [tilespmem:s20], [sflag:$0x3], $0x2800, $0x38;
	[tilespmem:$0x19E40] =	vst v63  }
0x76: {  	s28 =	sshrl.u32 s26, $0x1F;
	s26 =	sshra.s32 s26, $0x5;
	_ =	swait.ge [sflag:s17], $0x2800  }
0x77: {  	s26 =	sadd.s32 s28, s26;
	[sflag:s17] =	ssyncset.done $0x0  }
0x78: {  	s28 =	smul.u32 $0xFFFFFFB0, s26;
	[sflag:s17] =	ssyncadd.s32 $0xFFFFD800  }
0x79: {  	[spmem:s11] =	stream.linear.scatter [tilespmem:s20], [sflag:$0x3], $0x2800, $0x38;
	[tilespmem:$0x19E40] =	vst v63  }
0x7a: {  	s25 =	ssub.s32 $0xFFFFFFB1, s24;
	s24 =	simm.s32 @!p0 $0xAE00;
	_ =	swait.ge [sflag:s17], $0x2800  }
0x7b: {  	p1 =	slt.s32 s2, $0x1;
	p2 =	sne.s32 s28, s25;
	[sflag:s17] =	ssyncset.done $0x0  }
0x7c: {  	s25 =	simm.s32 @!p0 $0x3;
	p1 =	por !p1, !p2;
	[sflag:s17] =	ssyncadd.s32 $0xFFFFD800  }
0x7d: {  	[spmem:s12] =	stream.linear.scatter @!p0 [tilespmem:s24], [sflag:$0x3], $0x400, $0x38;
	[tilespmem:$0x19E40] =	vst v63  }
0x7e: {  	p1 =	por !p1, !p1;
	s24 =	simm.s32 $0x1;
	_ =	swait.ge @!p0 [sflag:s25], $0x400  }
0x7f: {  	s24 =	simm.s32 @!p1 $0x0;
	[sflag:s25] =	ssyncset.done @!p0 $0x0  }
0x80: {  	s24 =	ssub.s32 s26, s24;
	[sflag:s25] =	ssyncadd.s32 @!p0 $0xFFFFFC00  }
0x81: {  	p1 =	slt.s32 s24, $0x1;
	[bflag:$0x0] =	sbarrier.arrive $0xFFFF  }
0x82: {  	s25 =	simm.s32 @!p1 $0x50;
	s26 =	simm.s32 @!p1 $0x1000;
	s28 =	simm.s32 @!p1 $0xAE00  }
0x83: {  	[tilespmem:s28], [sflag:$0x1] =	stream.indirect.gather @!p1 [hbm4b:s6+s25], $0x80, s26, s25, $0xb8;
	[tilespmem:$0x19E40] =	vst v63  }
0x84: {  	s29 =	sshrl.u32 s24, $0x1F;
	p1 =	sgt.s32 s24, $0x0;
	s26 =	simm.s32 $0x1  }
0x85: {  	s30 =	sshra.s32 s24, $0x1F;
	s25 =	sadd.s32 s29, s24;
	s26 =	simm.s32 @!p1 $0x0  }
0x86: {  	s31 =	sand.u32 $0xFFFFFFFE, s25;
	s26 =	sadd.s32 s26, s30  }
0x87: {  	p6 =	sne.s32 s24, s31;
	p5 =	sne.s32 s26, $0x1  }
0x88: {  	p1 =	por !p6, !p5  }
0x89: {  	s26 =	simm.s32 $0x1;
	p1 =	por !p1, !p1  }
0x8a: {  	s25 =	sshra.s32 s25, $0x1;
	s26 =	simm.s32 @!p1 $0x0  }
0x8b: {  	s26 =	ssub.s32 s25, s26  }
0x8c: {  	p1 =	slt.s32 s26, $0x1  }
.Ltmp5:
0x8d: {  	_ = 	snop;
	(pc) =	sbr.rel @p1 .LBB2_11-.Ltmp5, $1  }
0x8e: {  	_ =	sdelay $0x3  }
0x8f: {  	s25 =	simm.s32 $0x1050  }
0x90: {  	[tilespmem:s22], [sflag:$0x2] =	stream.indirect.gather [hbm4b:s6+s21], $0x80, s25, s21, $0xb8;
	[tilespmem:$0x19E40] =	vst v63  }
0x91: {  	_ =	swait.ge [sflag:s19], $0x2800  }
0x92: {  	[sflag:s19] =	ssyncset.done $0x0  }
0x93: {  	s25 =	simm.s32 $0x5F00;
	[sflag:s19] =	ssyncadd.s32 $0xFFFFD800  }
0x94: {  	[spmem:s3] =	stream.indirect.scatter.add.f32 [tilespmem:s20], [sflag:$0x3], $0x80, s25, s21, $0xb8;
	[tilespmem:$0x19E40] =	vst v63  }
0x95: {  	p1 =	sle.s32 s24, $0x2;
	_ =	swait.ge [sflag:s17], $0x2800  }
0x96: {  	s26 =	sadd.s32 $0xFFFFFFFF, s26;
	s28 =	simm.s32 @!p1 $0x10A0;
	[sflag:s17] =	ssyncset.done $0x0  }
0x97: {  	s29 =	simm.s32 @!p1 $0x50;
	s30 =	simm.s32 @!p1 $0xAE00;
	[sflag:s17] =	ssyncadd.s32 $0xFFFFD800  }
0x98: {  	[tilespmem:s30], [sflag:$0x1] =	stream.indirect.gather @!p1 [hbm4b:s6+s29], $0x80, s28, s29, $0xb8;
	[tilespmem:$0x19E40] =	vst v63  }
0x99: {  	p1 =	sne.s32 s26, $0x0  }
.Ltmp6:
0x9a: {  	_ =	swait.ge [sflag:s23], $0x2800;
	(pc) =	sbr.rel @!p1 .LBB2_10-.Ltmp6, $4  }
0x9b: {  	[sflag:s23] =	ssyncset.done $0x0  }
0x9c: {  	s28 =	simm.s32 $0x5F50;
	[sflag:s23] =	ssyncadd.s32 $0xFFFFD800  }
0x9d: {  	[spmem:s3] =	stream.indirect.scatter.add.f32 [tilespmem:s22], [sflag:$0x3], $0x80, s28, s21, $0xb8;
	[tilespmem:$0x19E40] =	vst v63  }
0x9e: {  	s29 =	simm.s32 $0x4;
	s28 =	simm.s32 $0x10F0;
	_ =	swait.ge [sflag:s17], $0x2800  }
.LBB2_9:
0x9f: {  	s26 =	sadd.s32 $0xFFFFFFFF, s26;
	[sflag:s17] =	ssyncset.done $0x0;
	s25 =	sadd.s32 $0xA0, s25  }
0xa0: {  	p1 =	sne.s32 s26, $0x0;
	[sflag:s17] =	ssyncadd.s32 $0xFFFFD800  }
0xa1: {  	[tilespmem:s22], [sflag:$0x2] =	stream.indirect.gather [hbm4b:s6+s21], $0x80, s28, s21, $0xb8;
	[tilespmem:$0x19E40] =	vst v63  }
0xa2: {  	_ =	swait.ge [sflag:s19], $0x2800  }
0xa3: {  	[sflag:s19] =	ssyncset.done $0x0  }
0xa4: {  	[sflag:s19] =	ssyncadd.s32 $0xFFFFD800  }
0xa5: {  	[spmem:s3] =	stream.indirect.scatter.add.f32 [tilespmem:s20], [sflag:$0x3], $0x80, s25, s21, $0xb8;
	[tilespmem:$0x19E40] =	vst v63  }
0xa6: {  	p2 =	sge.s32 s29, s24;
	_ =	swait.ge [sflag:s17], $0x2800  }
0xa7: {  	s30 =	sadd.s32 @!p2 $0x50, s28;
	s31 =	simm.s32 @!p2 $0x50;
	[sflag:s17] =	ssyncset.done $0x0  }
0xa8: {  	s2 =	simm.s32 @!p2 $0xAE00;
	[sflag:s17] =	ssyncadd.s32 $0xFFFFD800  }
0xa9: {  	[tilespmem:s2], [sflag:$0x1] =	stream.indirect.gather @!p2 [hbm4b:s6+s31], $0x80, s30, s31, $0xb8;
	[tilespmem:$0x19E40] =	vst v63  }
.Ltmp7:
0xaa: {  	_ =	swait.ge [sflag:s23], $0x2800;
	(pc) =	sbr.rel @p1 .LBB2_9-.Ltmp7, $4  }
0xab: {  	s2 =	sadd.s32 $0x50, s25;
	[sflag:s23] =	ssyncset.done $0x0  }
0xac: {  	[sflag:s23] =	ssyncadd.s32 $0xFFFFD800  }
0xad: {  	[spmem:s3] =	stream.indirect.scatter.add.f32 [tilespmem:s22], [sflag:$0x3], $0x80, s2, s21, $0xb8;
	[tilespmem:$0x19E40] =	vst v63  }
0xae: {  	s29 =	sadd.s32 $0x2, s29;
	s28 =	sadd.s32 $0xA0, s28;
	_ =	swait.ge [sflag:s17], $0x2800  }
.Ltmp8:
0xaf: {  	_ = 	snop;
	(pc) =	sbr.rel .LBB2_10-.Ltmp8, $1  }
0xb0: {  	_ =	sdelay $0x3  }
.LBB2_12:
0xb1: {  	_ =	sfence.sel $0x180000  }
0xb2: {  	[bflag:$0x0] =	sbarrier.arrive $0xFFFF  }
0xb3: {  	_ =	strace $0x9000004A  }
0xb4: {  	[bflag:$0x2] =	sbarrier.arrive $0xFFFF  }
0xb5: {  	s0 =	rddreg [dreg:$0x4]  }
0xb6: {  	s0 =	sadd.s32 @!p0 $0x100000, s0  }
0xb7: {  	[sflag:s0] =	ssyncadd.tile.s32 @!p0 $0x1;
	_ =	shalt  }
.Lfunc_end2:
_tile_overlayer_lowered:
.L_overlay_start_2:
0xb8: {  	(tag) =	ssettag $0x2  }
0xb9: {  	s0 =	rddreg [dreg:$0x0];
	s2 =	stileid.u32  }
0xba: {  	s1 =	rddreg [dreg:$0x1];
	p0 =	sne.s32 s2, $0x0  }
0xbb: {  	s3 =	rddreg [dreg:$0x2];
	[bflag:$0x3] =	sbarrier.arrive $0xFFFF;
	s2 =	simm.s32 @!p0 $0x1C03  }
0xbc: {  	[timem:s3], [sflag:s2] =	dma.local @!p0 [hbm:s0], s1  }
0xbd: {  	s0 =	simm.s32 @!p0 $0x3  }
0xbe: {  	_ =	swait.ge @!p0 [sflag:s0], s1  }
0xbf: {  	s1 =	ssub.s32 @!p0 $0x0, s1;
	[sflag:s0] =	ssyncset.done @!p0 $0x0  }
0xc0: {  	[sflag:s0] =	ssyncadd.s32 @!p0 s1  }
0xc1: {  	[bflag:$0x3] =	sbarrier.arrive $0xFFFF  }
0xc2: {  	_ =	shalt  }

// kernel: kernel.15.cloned.1.call-start
scs
__scs_entry_jumppad:
0x0: {  	(pc) =	sbr.rel $0x88, $3  }
0x1: {  	(tag) =	ssettag $0x0;
	lr =	simm.s32 $0x1  }
0x2: {  	[smem:$0x3F97] =	sst lr;
	_ =	strace $0xD0000000  }
0x3: {  	_ = 	snop  }
0x4: {  	_ = 	snop  }
0x5: {  	_ = 	snop  }
0x6: {  	_ = 	snop  }
0x7: {  	_ = 	snop  }
__scs_overlays_trampoline_lowered:
0x8: {  	[smem:$0x3FA6] =	sst s0  }
0x9: {  	[smem:$0x3FA7] =	sst s1  }
0xa: {  	[smem:$0x3FA8] =	sst s2  }
0xb: {  	[smem:$0x3FA9] =	sst s3  }
0xc: {  	[smem:$0x3FAA] =	sst s4  }
0xd: {  	[smem:$0x3FAB] =	sst s5  }
0xe: {  	[smem:$0x3FAC] =	sst s6  }
0xf: {  	[smem:$0x3FAD] =	sst s7  }
0x10: {  	[smem:$0x3FAE] =	sst s8  }
0x11: {  	[smem:$0x3FAF] =	sst s9;
	s0 =	simm.s32 @!p0 $0x0  }
0x12: {  	s1 =	sld [smem:$0x3F95];
	s0 =	simm.s32 @p0 $0x1  }
0x13: {  	[smem:$0x3FB0] =	sst s0;
	s0 =	simm.s32 @!p1 $0x0  }
0x14: {  	s2 =	sld [smem:$0x3F94];
	s0 =	simm.s32 @p1 $0x1  }
0x15: {  	[smem:$0x3FB1] =	sst s0;
	s0 =	simm.s32 @!p2 $0x0  }
0x16: {  	s3 =	sld [smem:$0x3FDB];
	s0 =	simm.s32 @p2 $0x1  }
0x17: {  	s4 =	simm.s32 $0x1BF5;
	[smem:$0x3FB3] =	sst s0  }
0x18: {  	s0 =	sld [smem:$0x3F96];
	_ =	swait.ge [sflag:s4], $0x0  }
0x19: {  	s7 =	sld [smem:$0x3F97]  }
0x1a: {  	s8 =	sadd.s32 $0xFFFFE003, lr  }
0x1b: {  	s9 =	sadd.s32 $0xFFFFFEF7, lr;
	s5 =	simm.s32 $0xFFFFFFFF;
	p2 =	slt.u32 s8, $0xFFFFF086  }
0x1c: {  	p1 =	slt.u32 s9, $0xF7A;
	s5 =	simm.s32 @!p2 $0x0  }
0x1d: {  	s5 =	simm.s32 @p1 $0x1;
	p0 =	seq.s32 s7, s2  }
0x1e: {  	s7 =	smul.u32 @!p0 $0xF7A, s2;
	p2 =	seq.s32 @!p0 s5, $0x0  }
0x1f: {  	s9 =	smul.u32 $0xF7A, s1;
	s8 =	simm.s32 @!p0 $0x1BF5;
	p2 =	por !p2, p0  }
0x20: {  	[sflag:s8] =	ssyncset.s32 @!p0 $0xFFFFF086;
	s6 =	sadd.s32 @!p0 s3, s7;
	s7 =	simm.s32 @!p0 $0x108  }
0x21: {  	s3 =	sadd.s32 s3, s9;
	s6 =	sadd.s32 @!p0 $0x88, s6;
	s7 =	simm.s32 @p2 $0x1082  }
0x22: {  	[simem:s7], [sflag:s8] =	dma.local @!p0 [hbm:s6], $0xF7A  }
0x23: {  	s9 =	sor.u32 $0xD0000000, s2;
	s6 =	simm.s32 $0x108;
	_ =	swait.ge @!p0 [sflag:s8], $0x0  }
0x24: {  	s3 =	sadd.s32 $0x88, s3;
	s6 =	simm.s32 @!p1 $0x1082;
	[sflag:s4] =	ssyncset.s32 $0xFFFFF086  }
0x25: {  	[simem:s6], [sflag:s4] =	dma.local [hbm:s3], $0xF7A  }
0x26: {  	[smem:$0x3F97] =	sst s1;
	(tag) =	ssettag s2;
	_ =	strace s9  }
0x27: {  	s1 =	sld [smem:$0x3FA7]  }
0x28: {  	s2 =	sld [smem:$0x3FA8]  }
0x29: {  	s4 =	sld [smem:$0x3FAA]  }
0x2a: {  	p0 =	seq.s32 s5, $0x0;
	s5 =	sld [smem:$0x3FAB]  }
0x2b: {  	s6 =	sld [smem:$0x3FAC]  }
0x2c: {  	s7 =	sld [smem:$0x3FAD]  }
0x2d: {  	s3 =	simm.s32 $0x108;
	s8 =	sld [smem:$0x3FAE]  }
0x2e: {  	s3 =	simm.s32 @!p0 $0x1082;
	s9 =	sld [smem:$0x3FAF]  }
0x2f: {  	lr =	sadd.s32 s0, s3;
	s0 =	sld [smem:$0x3FA6]  }
0x30: {  	s3 =	sld [smem:$0x3FA9]  }
0x31: {  	[smem:$0x3FB2] =	sst s10  }
0x32: {  	s10 =	sld [smem:$0x3FB0];
	_ =	sdelay $0x3  }
0x33: {  	p0 =	seq.s32 s10, $0x1;
	s10 =	sld [smem:$0x3FB2];
	_ =	sdelay $0x3  }
0x34: {  	[smem:$0x3FB2] =	sst s10  }
0x35: {  	s10 =	sld [smem:$0x3FB1];
	_ =	sdelay $0x3  }
0x36: {  	p1 =	seq.s32 s10, $0x1;
	s10 =	sld [smem:$0x3FB2];
	_ =	sdelay $0x3  }
0x37: {  	[smem:$0x3FB2] =	sst s10  }
0x38: {  	s10 =	sld [smem:$0x3FB3]  }
0x39: {  	_ = 	snop;
	(pc) =	sbr.ind lr, $3  }
0x3a: {  	_ = 	snop  }
0x3b: {  	_ = 	snop  }
0x3c: {  	p2 =	seq.s32 s10, $0x1;
	s10 =	sld [smem:$0x3FB2]  }
0x3d: {  	_ =	shalt  }
0x3e: {  	_ =	shalt  }
0x3f: {  	_ =	shalt  }
0x40: {  	_ =	shalt  }
0x41: {  	_ =	shalt  }
0x42: {  	_ =	shalt  }
0x43: {  	_ =	shalt  }
0x44: {  	_ =	shalt  }
0x45: {  	_ =	shalt  }
0x46: {  	_ =	shalt  }
0x47: {  	_ =	shalt  }
0x48: {  	_ =	shalt  }
0x49: {  	_ =	shalt  }
0x4a: {  	_ =	shalt  }
0x4b: {  	_ =	shalt  }
0x4c: {  	_ =	shalt  }
0x4d: {  	_ =	shalt  }
0x4e: {  	_ =	shalt  }
0x4f: {  	_ =	shalt  }
0x50: {  	_ =	shalt  }
0x51: {  	_ =	shalt  }
0x52: {  	_ =	shalt  }
0x53: {  	_ =	shalt  }
0x54: {  	_ =	shalt  }
0x55: {  	_ =	shalt  }
0x56: {  	_ =	shalt  }
0x57: {  	_ =	shalt  }
0x58: {  	_ =	shalt  }
0x59: {  	_ =	shalt  }
0x5a: {  	_ =	shalt  }
0x5b: {  	_ =	shalt  }
0x5c: {  	_ =	shalt  }
0x5d: {  	_ =	shalt  }
0x5e: {  	_ =	shalt  }
0x5f: {  	_ =	shalt  }
0x60: {  	_ =	shalt  }
0x61: {  	_ =	shalt  }
0x62: {  	_ =	shalt  }
0x63: {  	_ =	shalt  }
0x64: {  	_ =	shalt  }
0x65: {  	_ =	shalt  }
0x66: {  	_ =	shalt  }
0x67: {  	_ =	shalt  }
0x68: {  	_ =	shalt  }
0x69: {  	_ =	shalt  }
0x6a: {  	_ =	shalt  }
0x6b: {  	_ =	shalt  }
0x6c: {  	_ =	shalt  }
0x6d: {  	_ =	shalt  }
0x6e: {  	_ =	shalt  }
0x6f: {  	_ =	shalt  }
0x70: {  	_ =	shalt  }
0x71: {  	_ =	shalt  }
0x72: {  	_ =	shalt  }
0x73: {  	_ =	shalt  }
0x74: {  	_ =	shalt  }
0x75: {  	_ =	shalt  }
0x76: {  	_ =	shalt  }
0x77: {  	_ =	shalt  }
0x78: {  	_ =	shalt  }
0x79: {  	_ =	shalt  }
0x7a: {  	_ =	shalt  }
0x7b: {  	_ =	shalt  }
0x7c: {  	_ =	shalt  }
0x7d: {  	_ =	shalt  }
0x7e: {  	_ =	shalt  }
0x7f: {  	_ =	shalt  }
0x80: {  	_ =	shalt  }
0x81: {  	_ =	shalt  }
0x82: {  	_ =	shalt  }
0x83: {  	_ =	shalt  }
0x84: {  	_ =	shalt  }
0x85: {  	_ =	shalt  }
0x86: {  	_ =	shalt  }
0x87: {  	_ =	shalt  }
.Lfunc_end0:
.L_simem_size_0:
called_computation.2_lowered:
.L_overlay_start_0:
0x88: {  	s2 =	sld [smem:$0x3FD9]  }
0x89: {  	s3 =	sld [smem:$0x3FFE];
	_ =	sdelay $0x1  }
0x8a: {  	s1 =	srdreg.scid  }
0x8b: {  	s0 =	sand.u32 $0x1, s1  }
0x8c: {  	s14 =	sshll.u32 s0, $0xA;
	s2 =	sadd.s32 s3, s2  }
0x8d: {  	s2 =	sadd.s32 s2, s14  }
0x8e: {  	[smem:$0x3FBE] =	sst s2  }
0x8f: {  	_ = 	snop  }
0x90: {  	s2 =	sld [smem:$0x3FD0];
	_ =	sdelay $0x2  }
0x91: {  	s15 =	simm.s32 $0xB;
	s4 =	simm.s32 $0x10  }
0x92: {  	[smem:s4], [sflag:s15] =	dma.local [hbm:s2], $0x1  }
0x93: {  	_ =	swait.eq [sflag:s15], $0x1  }
0x94: {  	[sflag:s15] =	ssyncset.done $0x0  }
0x95: {  	s16 =	sld [smem:$0x10];
	[sflag:s15] =	ssyncadd.s32 $0xFFFFFFFF  }
0x96: {  	s17 =	sld [smem:$0x11];
	(tm) =	ssettm $0x1  }
0x97: {  	s18 =	sld [smem:$0x3FFB];
	_ =	sdelay $0x3  }
0x98: {  	_ =	strace s18  }
0x99: {  	s4 =	sld [smem:$0x3FFC];
	_ =	sdelay $0x3  }
0x9a: {  	_ =	strace s4  }
0x9b: {  	s4 =	sld [smem:$0x3FFD];
	_ =	sdelay $0x3  }
0x9c: {  	_ =	strace s4  }
0x9d: {  	_ =	strace $0x8FFFFFFF  }
0x9e: {  	s19 =	sld [smem:$0x3FDB];
	_ =	sdelay $0x1  }
0x9f: {  	s5 =	simm.s32 $_scs_section_size  }
0xa0: {  	s6 =	simm.s32 $_size__tile_overlayer_lowered;
	s7 =	simm.s32 $_tile_overlayer_lowered  }
0xa1: {  	s22 =	simm.s32 $0x1BFF;
	s21 =	sshll.u32 s7, $0x1;
	s4 =	sadd.s32 s5, s19  }
0xa2: {  	s8 =	simm.s32 $0x0;
	s20 =	sshll.u32 s6, $0x1;
	s6 =	sadd.s32 s21, s4  }
0xa3: {  	[timem:s8], [sflag:s22] =	dma.local [hbm:s6], s20  }
0xa4: {  	_ =	swait.ge [sflag:s22], s20  }
0xa5: {  	s5 =	ssub.s32 $0x0, s20;
	[sflag:s22] =	ssyncset.done $0x0  }
0xa6: {  	[sflag:s22] =	ssyncadd.s32 s5;
	_ =	sdelay $0x1  }
0xa7: {  	s23 =	simm.s32 $0x1B8B  }
0xa8: {  	_ =	swait.ge [sflag:s23], $0x1  }
0xa9: {  	[sflag:s23] =	ssyncset.done $0x0  }
0xaa: {  	s25 =	simm.s32 $0x1B8E;
	s24 =	sld [smem:$0x3FFE];
	[sflag:s23] =	ssyncadd.s32 $0xFFFFFFFF  }
0xab: {  	s26 =	simm.s32 $execute0_lowered;
	[smem:$0x3FD2] =	sst s25  }
0xac: {  	s6 =	sshll.u32 s26, $0x1;
	_ =	strace $0x8000004C;
	[dreg:$0x1] =	wrdreg $0xFFFFFFFF  }
0xad: {  	s28 =	simm.s32 $_size_execute0_lowered;
	s4 =	sadd.s32 s4, s6;
	[dreg:$0x0] =	wrdreg $0x0  }
0xae: {  	s6 =	sshll.u32 s28, $0x1;
	[dreg:$0x2] =	wrdreg s4  }
0xaf: {  	[dreg:$0x3] =	wrdreg s6  }
0xb0: {  	[dreg:$0x4] =	wrdreg $0xC0  }
0xb1: {  	_ =	task [dreg:s8], $0x5FFFF  }
0xb2: {  	[dreg:$0x1] =	wrdreg $0xFFFFFFFF  }
0xb3: {  	[dreg:$0x0] =	wrdreg $0x60  }
0xb4: {  	[dreg:$0x2] =	wrdreg s24  }
0xb5: {  	[dreg:$0x3] =	wrdreg s17  }
0xb6: {  	[dreg:$0x4] =	wrdreg s16  }
0xb7: {  	[dreg:$0x5] =	wrdreg $0xFE000  }
0xb8: {  	[dreg:$0x6] =	wrdreg $0x9  }
0xb9: {  	_ =	task.clear_ibuf [dreg:s8], $0x7FFFF;
	_ =	strace $0x9000004C  }
0xba: {  	s29 =	simm.s32 $0x9;
	_ =	strace $0x8000004E  }
0xbb: {  	_ =	swait.ge [sflag:s29], $0x1  }
0xbc: {  	[sflag:s29] =	ssyncadd.s32 $0xFFFFFFFF  }
0xbd: {  	_ =	strace $0x9000004E  }
0xbe: {  	_ =	sfence  }
0xbf: {  	s30 =	sld [smem:$0x0];
	_ =	sdelay $0x2  }
0xc0: {  	s31 =	sshll.u32 s1, $0xD;
	s1 =	sshrl.u32 s1, $0x2  }
0xc1: {  	s3 =	sand.u32 $0x4000, s31;
	s1 =	sadd.s32 s1, s30  }
0xc2: {  	s0 =	sor.u32 s3, s0;
	s1 =	sshll.u32 s1, $0x11  }
0xc3: {  	s0 =	sor.u32 s1, s0  }
0xc4: {  	s0 =	sadd.s32 $0x8F2B, s0  }
0xc5: {  	[sflag:s0] =	ssyncadd.remote.s32 $0x1  }
0xc6: {  	_ =	sfence.sel $0xFFFF  }
0xc7: {  	[dreg:$0x0] =	wrdreg $0xFFFFFFFF;
	(pc) =	sbr.abs _section_cstart, $3  }
0xc8: {  	[dreg:$0x1] =	wrdreg $0xFFFFFFFF  }
0xc9: {  	_ =	task.clear_ibuf [dreg:s8], $0x2FFFF;
	_ =	strace $0x9FFFFFFF  }
0xca: {  	(tm) =	ssettm $0x7FFFFFFF  }
0xcb: {  	_ =	shalt  }
tec
execute0_lowered:
.L_overlay_start_1:
0x0: {  	(tag) =	ssettag $0x1  }
0x1: {  	s7 =	rddreg [dreg:$0x0]  }
0x2: {  	s0 =	rddreg [dreg:$0x1]  }
0x3: {  	s1 =	rddreg [dreg:$0x2];
	s2 =	srdreg.scid  }
0x4: {  	s3 =	rddreg [dreg:$0x3];
	s4 =	stileid.u32;
	s5 =	simm.s32 $0x0  }
0x5: {  	s15 =	simm.s32 $0x80;
	s16 =	simm.s32 $0x400;
	s17 =	simm.s32 $0x3  }
0x6: {  	s18 =	simm.s32 $0x800;
	s20 =	simm.s32 $0xAE00;
	s21 =	simm.s32 $0x50  }
0x7: {  	s22 =	simm.s32 $0xD600;
	s23 =	simm.s32 $0x2;
	s9 =	smul.u32 $0x140, s4  }
0x8: {  	s8 =	sand.u32 $0x1, s2;
	[smem:$0x7FF] =	sst s5;
	s10 =	smul.u32 $0x28000, s4  }
0x9: {  	s6 =	sadd.s32 $0x3200, s7;
	s12 =	sadd.s32 $0xA0000, s3;
	s19 =	smul.u32 $0x1400, s8  }
0xa: {  	p0 =	sne.s32 s4, $0x0;
	_ =	strace $0x8000004D;
	s8 =	ssub.s32 $0x2, s8  }
.Ltmp0:
0xb: {  	s31 =	sshrl.u32 s8, $0x1;
	s9 =	sadd.s32 s9, s19;
	(pc) =	sbr.rel .LBB2_1-.Ltmp0, $4  }
0xc: {  	s10 =	sshrl.u32 s10, $0x2;
	s14 =	ssub.s32 s8, s31;
	s9 =	sshll.u32 s9, $0x4  }
0xd: {  	s8 =	smul.u32 $0xA, s4;
	s13 =	sadd.s32 s9, s7;
	s7 =	sadd.s32 s10, s3  }
0xe: {  	v0 =	vmov s19;
	s19 =	simm.s32 $0x1;
	s14 =	smax.u32 s14, $0x1;
	s9 =	sadd.s32 $0x2800, s7  }
0xf: {  	v1 =	vimm.s32 $0x0;
	v2 =	vimm.s32 $0x1400;
	v3 =	vimm.f32 $0.0e+00;
	s10 =	sadd.s32 $0x5000, s7;
	s11 =	sadd.s32 $0x7800, s7;
	s13 =	sadd.s32 $0x78800, s13  }
.LBB2_10:
0x10: {  	[sflag:s17] =	ssyncset.done $0x0  }
0x11: {  	[sflag:s17] =	ssyncadd.s32 $0xFFFFD800  }
.LBB2_11:
0x12: {  	s2 =	sand.u32 $0x1, s24  }
0x13: {  	p1 =	seq.s32 s2, $0x0  }
0x14: {  	s2 =	simm.s32 @!p1 $0x1  }
0x15: {  	s24 =	smul.u32 @!p1 $0x140, s24;
	_ =	swait.ge @!p1 [sflag:s2], $0x2800  }
0x16: {  	[sflag:s2] =	ssyncset.done @!p1 $0x0  }
0x17: {  	[sflag:s2] =	ssyncadd.s32 @!p1 $0xFFFFD800;
	s2 =	sshra.s32 @!p1 s24, $0x2  }
0x18: {  	s25 =	simm.s32 @!p1 $0xAE00;
	s24 =	simm.s32 @!p1 $0x50;
	s2 =	sadd.s32 @!p1 $0x5EB0, s2  }
0x19: {  	[spmem:s3] =	stream.indirect.scatter.add.f32 @!p1 [tilespmem:s25], [sflag:$0x3], $0x80, s2, s24, $0xb8;
	[tilespmem:$0x19E40] =	vst v63  }
0x1a: {  	s2 =	simm.s32 @!p1 $0x3  }
0x1b: {  	_ =	swait.ge @!p1 [sflag:s2], $0x2800  }
0x1c: {  	s30 =	sshll.u32 s4, $0x6;
	s5 =	sadd.s32 $0x1, s5;
	[sflag:s2] =	ssyncset.done @!p1 $0x0  }
0x1d: {  	s31 =	sshrl.u32 s7, $0x3;
	[sflag:s2] =	ssyncadd.s32 @!p1 $0xFFFFD800;
	p1 =	sne.s32 s5, s14  }
.Ltmp1:
0x1e: {  	s2 =	sor.u32 $0x1C03, s30;
	[bflag:$0x0] =	sbarrier.arrive $0xFFFF;
	(pc) =	sbr.rel @!p1 .LBB2_12-.Ltmp1, $4  }
0x1f: {  	[hbm:s13], [sflag:s2] =	dma.local [spmem:s31], $0x1400  }
0x20: {  	_ =	swait.ge [sflag:s17], $0x1400  }
0x21: {  	[sflag:s17] =	ssyncset.done $0x0  }
0x22: {  	[sflag:s17] =	ssyncadd.s32 $0xFFFFEC00  }
.LBB2_1:
0x23: {  	s24 =	simm.s32 $0x0;
	s25 =	simm.s32 $0x0  }
.LBB2_2:
0x24: {  	s26 =	sadd.s32 s8, s25  }
0x25: {  	s28 =	sshll.u32 s26, $0x8;
	s26 =	sshll.u32 s26, $0x4  }
0x26: {  	s28 =	sand.u32 $0x1F800, s28;
	s26 =	sand.u32 $0x70, s26  }
0x27: {  	s26 =	sor.u32 s26, s28  }
0x28: {  	s29 =	simm.s32 $0x0;
	s28 =	sadd.s32 s0, s26  }
0x29: {  	[tilespmem:s29], [sflag:$0x3] =	stream.strided.gather [hbm4b:s28+s15], $0x800, s16, s15, $0x38;
	[tilespmem:$0x19E40] =	vst v63  }
0x2a: {  	_ =	swait.ge [sflag:s17], $0x800  }
0x2b: {  	[sflag:s17] =	ssyncset.done $0x0  }
0x2c: {  	s26 =	sadd.s32 s1, s26;
	[sflag:s17] =	ssyncadd.s32 $0xFFFFF800  }
0x2d: {  	[tilespmem:s18], [sflag:$0x3] =	stream.strided.gather [hbm4b:s26+s15], $0x800, s16, s15, $0x38;
	[tilespmem:$0x19E40] =	vst v63  }
0x2e: {  	_ =	swait.ge [sflag:s17], $0x800  }
0x2f: {  	[sflag:s17] =	ssyncset.done $0x0  }
0x30: {  	s31 =	simm.s32 $0x0;
	[sflag:s17] =	ssyncadd.s32 $0xFFFFF800  }
0x31: {  	v4 =	vld [tilespmem:s31+$0x800];
	_ =	sdelay $0x4  }
0x32: {  	v4 =	vsub.s32 v4, v0  }
0x33: {  	vm0 =	vlt.u32 v4, $0x1400  }
0x34: {  	v5 =	vsel vm0, $0x1, v1  }
0x35: {  	(xrf0) =	vadd.scan.msk.s32 $0xffff, v5;
	_ =	sdelay $0x1  }
0x36: {  	v5 =	vld [tilespmem:s31+$0x0];
	_ =	sdelay $0x3  }
0x37: {  	v6, _, _ =	vpop (xrf0)  }
0x38: {  	[tilespmem:s24+$0x1000] =	vst.msk vm0, v5;
	(v2sf) =	vpush v6, $0xF  }
0x39: {  	s28 =	simm.s32 $0x10;
	s26 =	simm.s32 $0x80;
	[tilespmem:s24+$0x5F00] =	vst.msk vm0, v4  }
.LBB2_3:
0x3a: {  	p1 =	sne.s32 s26, $0x1F00;
	v4 =	vld [tilespmem:s28+$0x800];
	_ =	sdelay $0x4  }
0x3b: {  	v4 =	vsub.s32 v4, v0  }
0x3c: {  	vm0 =	vlt.u32 v4, $0x1400  }
0x3d: {  	v5 =	vsel vm0, $0x1, v1  }
0x3e: {  	(xrf0) =	vadd.scan.msk.s32 $0xffff, v5;
	_ =	sdelay $0x1  }
0x3f: {  	v5 =	vld [tilespmem:s28+$0x0];
	_ =	sdelay $0x1  }
.Ltmp2:
0x40: {  	(pc) =	sbr.rel @p1 .LBB2_3-.Ltmp2, $4  }
0x41: {  	s28 =	spop (v2sf)  }
0x42: {  	v6, _, _ =	vpop (xrf0);
	s24 =	sadd.s32 s24, s28  }
0x43: {  	[tilespmem:s24+$0x1000] =	vst.msk vm0, v5;
	(v2sf) =	vpush v6, $0xF  }
0x44: {  	s28 =	sshra.s32 s26, $0x2;
	s26 =	sadd.s32 $0x40, s26;
	[tilespmem:s24+$0x5F00] =	vst.msk vm0, v4  }
0x45: {  	v4 =	vld [tilespmem:s28+$0x800];
	_ =	sdelay $0x4  }
0x46: {  	v4 =	vsub.s32 v4, v0  }
0x47: {  	vm0 =	vlt.u32 v4, $0x1400  }
0x48: {  	v5 =	vsel vm0, $0x1, v1  }
0x49: {  	(xrf0) =	vadd.scan.msk.s32 $0xffff, v5;
	_ =	sdelay $0x5  }
0x4a: {  	v5, _, _ =	vpop (xrf0)  }
0x4b: {  	(v2sf) =	vpush v5, $0xF;
	_ =	sdelay $0x9  }
0x4c: {  	s25 =	sadd.s32 $0x1, s25;
	v5 =	vld [tilespmem:s28+$0x0]  }
0x4d: {  	p1 =	sne.s32 s25, $0xA  }
.Ltmp3:
0x4e: {  	_ = 	snop;
	(pc) =	sbr.rel @p1 .LBB2_2-.Ltmp3, $4  }
0x4f: {  	s26 =	spop (v2sf)  }
0x50: {  	s24 =	sadd.s32 s24, s26  }
0x51: {  	[tilespmem:s24+$0x1000] =	vst.msk vm0, v5;
	s31 =	spop (v2sf)  }
0x52: {  	[tilespmem:s24+$0x5F00] =	vst.msk vm0, v4;
	s24 =	sadd.s32 s24, s31  }
0x53: {  	[tilespmem:s24+$0x1000] =	vst v1  }
0x54: {  	[tilespmem:s24+$0x5F00] =	vst v2  }
0x55: {  	[tilespmem:s24+$0x1010] =	vst v1  }
0x56: {  	[tilespmem:s24+$0x5F10] =	vst v2  }
0x57: {  	[tilespmem:s24+$0x1020] =	vst v1  }
0x58: {  	[tilespmem:s24+$0x5F20] =	vst v2  }
0x59: {  	[tilespmem:s24+$0x1030] =	vst v1  }
0x5a: {  	[tilespmem:s24+$0x5F30] =	vst v2  }
0x5b: {  	[tilespmem:s24+$0x1040] =	vst v1  }
0x5c: {  	[tilespmem:s24+$0x5F40] =	vst v2;
	s25 =	simm.s32 $0x0;
	s26 =	simm.s32 $0x200  }
.LBB2_6:
0x5d: {  	p1 =	sne.s32 s26, $0x9E00;
	[tilespmem:s25+$0xAE70] =	vst v3  }
0x5e: {  	[tilespmem:s25+$0xAE00] =	vst v3  }
0x5f: {  	[tilespmem:s25+$0xAE10] =	vst v3  }
.Ltmp4:
0x60: {  	[tilespmem:s25+$0xAE20] =	vst v3;
	(pc) =	sbr.rel @p1 .LBB2_6-.Ltmp4, $4  }
0x61: {  	[tilespmem:s25+$0xAE30] =	vst v3  }
0x62: {  	[tilespmem:s25+$0xAE40] =	vst v3  }
0x63: {  	[tilespmem:s25+$0xAE50] =	vst v3  }
0x64: {  	[tilespmem:s25+$0xAE60] =	vst v3;
	s25 =	sshra.s32 s26, $0x2;
	s26 =	sadd.s32 $0x200, s26  }
0x65: {  	[tilespmem:s25+$0xAE70] =	vst v3  }
0x66: {  	[tilespmem:s25+$0xAE00] =	vst v3  }
0x67: {  	[tilespmem:s25+$0xAE10] =	vst v3  }
0x68: {  	[tilespmem:s25+$0xAE20] =	vst v3  }
0x69: {  	[tilespmem:s25+$0xAE30] =	vst v3  }
0x6a: {  	[tilespmem:s25+$0xAE40] =	vst v3  }
0x6b: {  	[tilespmem:s25+$0xAE50] =	vst v3  }
0x6c: {  	[tilespmem:s25+$0xAE60] =	vst v3  }
0x6d: {  	[spmem:s7] =	stream.linear.scatter [tilespmem:s20], [sflag:$0x3], $0x2800, $0x38;
	[tilespmem:$0x19E40] =	vst v63  }
0x6e: {  	_ =	swait.ge [sflag:s17], $0x2800  }
0x6f: {  	s2 =	sadd.s32 $0x4F, s24;
	[sflag:s17] =	ssyncset.done $0x0  }
0x70: {  	s26 =	smulhi.u32 $0x66666667, s2;
	s28 =	sshra.s32 s2, $0x1F;
	[sflag:s17] =	ssyncadd.s32 $0xFFFFD800  }
0x71: {  	[spmem:s9] =	stream.linear.scatter [tilespmem:s20], [sflag:$0x3], $0x2800, $0x38;
	[tilespmem:$0x19E40] =	vst v63  }
0x72: {  	s28 =	smul.u32 $0x66666667, s28;
	_ =	swait.ge [sflag:s17], $0x2800  }
0x73: {  	[sflag:s17] =	ssyncset.done $0x0  }
0x74: {  	s26 =	sadd.s32 s28, s26;
	[sflag:s17] =	ssyncadd.s32 $0xFFFFD800  }
0x75: {  	[spmem:s10] =	stream.linear.scatter [tilespmem:s20], [sflag:$0x3], $0x2800, $0x38;
	[tilespmem:$0x19E40] =	vst v63  }
0x76: {  	s28 =	sshrl.u32 s26, $0x1F;
	s26 =	sshra.s32 s26, $0x5;
	_ =	swait.ge [sflag:s17], $0x2800  }
0x77: {  	s26 =	sadd.s32 s28, s26;
	[sflag:s17] =	ssyncset.done $0x0  }
0x78: {  	s28 =	smul.u32 $0xFFFFFFB0, s26;
	[sflag:s17] =	ssyncadd.s32 $0xFFFFD800  }
0x79: {  	[spmem:s11] =	stream.linear.scatter [tilespmem:s20], [sflag:$0x3], $0x2800, $0x38;
	[tilespmem:$0x19E40] =	vst v63  }
0x7a: {  	s25 =	ssub.s32 $0xFFFFFFB1, s24;
	s24 =	simm.s32 @!p0 $0xAE00;
	_ =	swait.ge [sflag:s17], $0x2800  }
0x7b: {  	p1 =	slt.s32 s2, $0x1;
	p2 =	sne.s32 s28, s25;
	[sflag:s17] =	ssyncset.done $0x0  }
0x7c: {  	s25 =	simm.s32 @!p0 $0x3;
	p1 =	por !p1, !p2;
	[sflag:s17] =	ssyncadd.s32 $0xFFFFD800  }
0x7d: {  	[spmem:s12] =	stream.linear.scatter @!p0 [tilespmem:s24], [sflag:$0x3], $0x400, $0x38;
	[tilespmem:$0x19E40] =	vst v63  }
0x7e: {  	p1 =	por !p1, !p1;
	s24 =	simm.s32 $0x1;
	_ =	swait.ge @!p0 [sflag:s25], $0x400  }
0x7f: {  	s24 =	simm.s32 @!p1 $0x0;
	[sflag:s25] =	ssyncset.done @!p0 $0x0  }
0x80: {  	s24 =	ssub.s32 s26, s24;
	[sflag:s25] =	ssyncadd.s32 @!p0 $0xFFFFFC00  }
0x81: {  	p1 =	slt.s32 s24, $0x1;
	[bflag:$0x0] =	sbarrier.arrive $0xFFFF  }
0x82: {  	s25 =	simm.s32 @!p1 $0x50;
	s26 =	simm.s32 @!p1 $0x1000;
	s28 =	simm.s32 @!p1 $0xAE00  }
0x83: {  	[tilespmem:s28], [sflag:$0x1] =	stream.indirect.gather @!p1 [hbm4b:s6+s25], $0x80, s26, s25, $0xb8;
	[tilespmem:$0x19E40] =	vst v63  }
0x84: {  	s29 =	sshrl.u32 s24, $0x1F;
	p1 =	sgt.s32 s24, $0x0;
	s26 =	simm.s32 $0x1  }
0x85: {  	s30 =	sshra.s32 s24, $0x1F;
	s25 =	sadd.s32 s29, s24;
	s26 =	simm.s32 @!p1 $0x0  }
0x86: {  	s31 =	sand.u32 $0xFFFFFFFE, s25;
	s26 =	sadd.s32 s26, s30  }
0x87: {  	p6 =	sne.s32 s24, s31;
	p5 =	sne.s32 s26, $0x1  }
0x88: {  	p1 =	por !p6, !p5  }
0x89: {  	s26 =	simm.s32 $0x1;
	p1 =	por !p1, !p1  }
0x8a: {  	s25 =	sshra.s32 s25, $0x1;
	s26 =	simm.s32 @!p1 $0x0  }
0x8b: {  	s26 =	ssub.s32 s25, s26  }
0x8c: {  	p1 =	slt.s32 s26, $0x1  }
.Ltmp5:
0x8d: {  	_ = 	snop;
	(pc) =	sbr.rel @p1 .LBB2_11-.Ltmp5, $1  }
0x8e: {  	_ =	sdelay $0x3  }
0x8f: {  	s25 =	simm.s32 $0x1050  }
0x90: {  	[tilespmem:s22], [sflag:$0x2] =	stream.indirect.gather [hbm4b:s6+s21], $0x80, s25, s21, $0xb8;
	[tilespmem:$0x19E40] =	vst v63  }
0x91: {  	_ =	swait.ge [sflag:s19], $0x2800  }
0x92: {  	[sflag:s19] =	ssyncset.done $0x0  }
0x93: {  	s25 =	simm.s32 $0x5F00;
	[sflag:s19] =	ssyncadd.s32 $0xFFFFD800  }
0x94: {  	[spmem:s3] =	stream.indirect.scatter.add.f32 [tilespmem:s20], [sflag:$0x3], $0x80, s25, s21, $0xb8;
	[tilespmem:$0x19E40] =	vst v63  }
0x95: {  	p1 =	sle.s32 s24, $0x2;
	_ =	swait.ge [sflag:s17], $0x2800  }
0x96: {  	s26 =	sadd.s32 $0xFFFFFFFF, s26;
	s28 =	simm.s32 @!p1 $0x10A0;
	[sflag:s17] =	ssyncset.done $0x0  }
0x97: {  	s29 =	simm.s32 @!p1 $0x50;
	s30 =	simm.s32 @!p1 $0xAE00;
	[sflag:s17] =	ssyncadd.s32 $0xFFFFD800  }
0x98: {  	[tilespmem:s30], [sflag:$0x1] =	stream.indirect.gather @!p1 [hbm4b:s6+s29], $0x80, s28, s29, $0xb8;
	[tilespmem:$0x19E40] =	vst v63  }
0x99: {  	p1 =	sne.s32 s26, $0x0  }
.Ltmp6:
0x9a: {  	_ =	swait.ge [sflag:s23], $0x2800;
	(pc) =	sbr.rel @!p1 .LBB2_10-.Ltmp6, $4  }
0x9b: {  	[sflag:s23] =	ssyncset.done $0x0  }
0x9c: {  	s28 =	simm.s32 $0x5F50;
	[sflag:s23] =	ssyncadd.s32 $0xFFFFD800  }
0x9d: {  	[spmem:s3] =	stream.indirect.scatter.add.f32 [tilespmem:s22], [sflag:$0x3], $0x80, s28, s21, $0xb8;
	[tilespmem:$0x19E40] =	vst v63  }
0x9e: {  	s29 =	simm.s32 $0x4;
	s28 =	simm.s32 $0x10F0;
	_ =	swait.ge [sflag:s17], $0x2800  }
.LBB2_9:
0x9f: {  	s26 =	sadd.s32 $0xFFFFFFFF, s26;
	[sflag:s17] =	ssyncset.done $0x0;
	s25 =	sadd.s32 $0xA0, s25  }
0xa0: {  	p1 =	sne.s32 s26, $0x0;
	[sflag:s17] =	ssyncadd.s32 $0xFFFFD800  }
0xa1: {  	[tilespmem:s22], [sflag:$0x2] =	stream.indirect.gather [hbm4b:s6+s21], $0x80, s28, s21, $0xb8;
	[tilespmem:$0x19E40] =	vst v63  }
0xa2: {  	_ =	swait.ge [sflag:s19], $0x2800  }
0xa3: {  	[sflag:s19] =	ssyncset.done $0x0  }
0xa4: {  	[sflag:s19] =	ssyncadd.s32 $0xFFFFD800  }
0xa5: {  	[spmem:s3] =	stream.indirect.scatter.add.f32 [tilespmem:s20], [sflag:$0x3], $0x80, s25, s21, $0xb8;
	[tilespmem:$0x19E40] =	vst v63  }
0xa6: {  	p2 =	sge.s32 s29, s24;
	_ =	swait.ge [sflag:s17], $0x2800  }
0xa7: {  	s30 =	sadd.s32 @!p2 $0x50, s28;
	s31 =	simm.s32 @!p2 $0x50;
	[sflag:s17] =	ssyncset.done $0x0  }
0xa8: {  	s2 =	simm.s32 @!p2 $0xAE00;
	[sflag:s17] =	ssyncadd.s32 $0xFFFFD800  }
0xa9: {  	[tilespmem:s2], [sflag:$0x1] =	stream.indirect.gather @!p2 [hbm4b:s6+s31], $0x80, s30, s31, $0xb8;
	[tilespmem:$0x19E40] =	vst v63  }
.Ltmp7:
0xaa: {  	_ =	swait.ge [sflag:s23], $0x2800;
	(pc) =	sbr.rel @p1 .LBB2_9-.Ltmp7, $4  }
0xab: {  	s2 =	sadd.s32 $0x50, s25;
	[sflag:s23] =	ssyncset.done $0x0  }
0xac: {  	[sflag:s23] =	ssyncadd.s32 $0xFFFFD800  }
0xad: {  	[spmem:s3] =	stream.indirect.scatter.add.f32 [tilespmem:s22], [sflag:$0x3], $0x80, s2, s21, $0xb8;
	[tilespmem:$0x19E40] =	vst v63  }
0xae: {  	s29 =	sadd.s32 $0x2, s29;
	s28 =	sadd.s32 $0xA0, s28;
	_ =	swait.ge [sflag:s17], $0x2800  }
.Ltmp8:
0xaf: {  	_ = 	snop;
	(pc) =	sbr.rel .LBB2_10-.Ltmp8, $1  }
0xb0: {  	_ =	sdelay $0x3  }
.LBB2_12:
0xb1: {  	_ =	sfence.sel $0x180000  }
0xb2: {  	[bflag:$0x0] =	sbarrier.arrive $0xFFFF  }
0xb3: {  	_ =	strace $0x9000004D  }
0xb4: {  	[bflag:$0x2] =	sbarrier.arrive $0xFFFF  }
0xb5: {  	s0 =	rddreg [dreg:$0x4]  }
0xb6: {  	s0 =	sadd.s32 @!p0 $0x100000, s0  }
0xb7: {  	[sflag:s0] =	ssyncadd.tile.s32 @!p0 $0x1;
	_ =	shalt  }
.Lfunc_end2:
_tile_overlayer_lowered:
.L_overlay_start_2:
0xb8: {  	(tag) =	ssettag $0x2  }
0xb9: {  	s0 =	rddreg [dreg:$0x0];
	s2 =	stileid.u32  }
0xba: {  	s1 =	rddreg [dreg:$0x1];
	p0 =	sne.s32 s2, $0x0  }
0xbb: {  	s3 =	rddreg [dreg:$0x2];
	[bflag:$0x3] =	sbarrier.arrive $0xFFFF;
	s2 =	simm.s32 @!p0 $0x1C03  }
0xbc: {  	[timem:s3], [sflag:s2] =	dma.local @!p0 [hbm:s0], s1  }
0xbd: {  	s0 =	simm.s32 @!p0 $0x3  }
0xbe: {  	_ =	swait.ge @!p0 [sflag:s0], s1  }
0xbf: {  	s1 =	ssub.s32 @!p0 $0x0, s1;
	[sflag:s0] =	ssyncset.done @!p0 $0x0  }
0xc0: {  	[sflag:s0] =	ssyncadd.s32 @!p0 s1  }
0xc1: {  	[bflag:$0x3] =	sbarrier.arrive $0xFFFF  }
0xc2: {  	_ =	shalt  }

// kernel: kernel.18.cloned.1.call-start
scs
__scs_entry_jumppad:
0x0: {  	(pc) =	sbr.rel $0x88, $3  }
0x1: {  	(tag) =	ssettag $0x0;
	lr =	simm.s32 $0x1  }
0x2: {  	[smem:$0x3F97] =	sst lr;
	_ =	strace $0xD0000000  }
0x3: {  	_ = 	snop  }
0x4: {  	_ = 	snop  }
0x5: {  	_ = 	snop  }
0x6: {  	_ = 	snop  }
0x7: {  	_ = 	snop  }
__scs_overlays_trampoline_lowered:
0x8: {  	[smem:$0x3FA6] =	sst s0  }
0x9: {  	[smem:$0x3FA7] =	sst s1  }
0xa: {  	[smem:$0x3FA8] =	sst s2  }
0xb: {  	[smem:$0x3FA9] =	sst s3  }
0xc: {  	[smem:$0x3FAA] =	sst s4  }
0xd: {  	[smem:$0x3FAB] =	sst s5  }
0xe: {  	[smem:$0x3FAC] =	sst s6  }
0xf: {  	[smem:$0x3FAD] =	sst s7  }
0x10: {  	[smem:$0x3FAE] =	sst s8  }
0x11: {  	[smem:$0x3FAF] =	sst s9;
	s0 =	simm.s32 @!p0 $0x0  }
0x12: {  	s1 =	sld [smem:$0x3F95];
	s0 =	simm.s32 @p0 $0x1  }
0x13: {  	[smem:$0x3FB0] =	sst s0;
	s0 =	simm.s32 @!p1 $0x0  }
0x14: {  	s2 =	sld [smem:$0x3F94];
	s0 =	simm.s32 @p1 $0x1  }
0x15: {  	[smem:$0x3FB1] =	sst s0;
	s0 =	simm.s32 @!p2 $0x0  }
0x16: {  	s3 =	sld [smem:$0x3FDB];
	s0 =	simm.s32 @p2 $0x1  }
0x17: {  	s4 =	simm.s32 $0x1BF5;
	[smem:$0x3FB3] =	sst s0  }
0x18: {  	s0 =	sld [smem:$0x3F96];
	_ =	swait.ge [sflag:s4], $0x0  }
0x19: {  	s7 =	sld [smem:$0x3F97]  }
0x1a: {  	s8 =	sadd.s32 $0xFFFFE003, lr  }
0x1b: {  	s9 =	sadd.s32 $0xFFFFFEF7, lr;
	s5 =	simm.s32 $0xFFFFFFFF;
	p2 =	slt.u32 s8, $0xFFFFF086  }
0x1c: {  	p1 =	slt.u32 s9, $0xF7A;
	s5 =	simm.s32 @!p2 $0x0  }
0x1d: {  	s5 =	simm.s32 @p1 $0x1;
	p0 =	seq.s32 s7, s2  }
0x1e: {  	s7 =	smul.u32 @!p0 $0xF7A, s2;
	p2 =	seq.s32 @!p0 s5, $0x0  }
0x1f: {  	s9 =	smul.u32 $0xF7A, s1;
	s8 =	simm.s32 @!p0 $0x1BF5;
	p2 =	por !p2, p0  }
0x20: {  	[sflag:s8] =	ssyncset.s32 @!p0 $0xFFFFF086;
	s6 =	sadd.s32 @!p0 s3, s7;
	s7 =	simm.s32 @!p0 $0x108  }
0x21: {  	s3 =	sadd.s32 s3, s9;
	s6 =	sadd.s32 @!p0 $0x88, s6;
	s7 =	simm.s32 @p2 $0x1082  }
0x22: {  	[simem:s7], [sflag:s8] =	dma.local @!p0 [hbm:s6], $0xF7A  }
0x23: {  	s9 =	sor.u32 $0xD0000000, s2;
	s6 =	simm.s32 $0x108;
	_ =	swait.ge @!p0 [sflag:s8], $0x0  }
0x24: {  	s3 =	sadd.s32 $0x88, s3;
	s6 =	simm.s32 @!p1 $0x1082;
	[sflag:s4] =	ssyncset.s32 $0xFFFFF086  }
0x25: {  	[simem:s6], [sflag:s4] =	dma.local [hbm:s3], $0xF7A  }
0x26: {  	[smem:$0x3F97] =	sst s1;
	(tag) =	ssettag s2;
	_ =	strace s9  }
0x27: {  	s1 =	sld [smem:$0x3FA7]  }
0x28: {  	s2 =	sld [smem:$0x3FA8]  }
0x29: {  	s4 =	sld [smem:$0x3FAA]  }
0x2a: {  	p0 =	seq.s32 s5, $0x0;
	s5 =	sld [smem:$0x3FAB]  }
0x2b: {  	s6 =	sld [smem:$0x3FAC]  }
0x2c: {  	s7 =	sld [smem:$0x3FAD]  }
0x2d: {  	s3 =	simm.s32 $0x108;
	s8 =	sld [smem:$0x3FAE]  }
0x2e: {  	s3 =	simm.s32 @!p0 $0x1082;
	s9 =	sld [smem:$0x3FAF]  }
0x2f: {  	lr =	sadd.s32 s0, s3;
	s0 =	sld [smem:$0x3FA6]  }
0x30: {  	s3 =	sld [smem:$0x3FA9]  }
0x31: {  	[smem:$0x3FB2] =	sst s10  }
0x32: {  	s10 =	sld [smem:$0x3FB0];
	_ =	sdelay $0x3  }
0x33: {  	p0 =	seq.s32 s10, $0x1;
	s10 =	sld [smem:$0x3FB2];
	_ =	sdelay $0x3  }
0x34: {  	[smem:$0x3FB2] =	sst s10  }
0x35: {  	s10 =	sld [smem:$0x3FB1];
	_ =	sdelay $0x3  }
0x36: {  	p1 =	seq.s32 s10, $0x1;
	s10 =	sld [smem:$0x3FB2];
	_ =	sdelay $0x3  }
0x37: {  	[smem:$0x3FB2] =	sst s10  }
0x38: {  	s10 =	sld [smem:$0x3FB3]  }
0x39: {  	_ = 	snop;
	(pc) =	sbr.ind lr, $3  }
0x3a: {  	_ = 	snop  }
0x3b: {  	_ = 	snop  }
0x3c: {  	p2 =	seq.s32 s10, $0x1;
	s10 =	sld [smem:$0x3FB2]  }
0x3d: {  	_ =	shalt  }
0x3e: {  	_ =	shalt  }
0x3f: {  	_ =	shalt  }
0x40: {  	_ =	shalt  }
0x41: {  	_ =	shalt  }
0x42: {  	_ =	shalt  }
0x43: {  	_ =	shalt  }
0x44: {  	_ =	shalt  }
0x45: {  	_ =	shalt  }
0x46: {  	_ =	shalt  }
0x47: {  	_ =	shalt  }
0x48: {  	_ =	shalt  }
0x49: {  	_ =	shalt  }
0x4a: {  	_ =	shalt  }
0x4b: {  	_ =	shalt  }
0x4c: {  	_ =	shalt  }
0x4d: {  	_ =	shalt  }
0x4e: {  	_ =	shalt  }
0x4f: {  	_ =	shalt  }
0x50: {  	_ =	shalt  }
0x51: {  	_ =	shalt  }
0x52: {  	_ =	shalt  }
0x53: {  	_ =	shalt  }
0x54: {  	_ =	shalt  }
0x55: {  	_ =	shalt  }
0x56: {  	_ =	shalt  }
0x57: {  	_ =	shalt  }
0x58: {  	_ =	shalt  }
0x59: {  	_ =	shalt  }
0x5a: {  	_ =	shalt  }
0x5b: {  	_ =	shalt  }
0x5c: {  	_ =	shalt  }
0x5d: {  	_ =	shalt  }
0x5e: {  	_ =	shalt  }
0x5f: {  	_ =	shalt  }
0x60: {  	_ =	shalt  }
0x61: {  	_ =	shalt  }
0x62: {  	_ =	shalt  }
0x63: {  	_ =	shalt  }
0x64: {  	_ =	shalt  }
0x65: {  	_ =	shalt  }
0x66: {  	_ =	shalt  }
0x67: {  	_ =	shalt  }
0x68: {  	_ =	shalt  }
0x69: {  	_ =	shalt  }
0x6a: {  	_ =	shalt  }
0x6b: {  	_ =	shalt  }
0x6c: {  	_ =	shalt  }
0x6d: {  	_ =	shalt  }
0x6e: {  	_ =	shalt  }
0x6f: {  	_ =	shalt  }
0x70: {  	_ =	shalt  }
0x71: {  	_ =	shalt  }
0x72: {  	_ =	shalt  }
0x73: {  	_ =	shalt  }
0x74: {  	_ =	shalt  }
0x75: {  	_ =	shalt  }
0x76: {  	_ =	shalt  }
0x77: {  	_ =	shalt  }
0x78: {  	_ =	shalt  }
0x79: {  	_ =	shalt  }
0x7a: {  	_ =	shalt  }
0x7b: {  	_ =	shalt  }
0x7c: {  	_ =	shalt  }
0x7d: {  	_ =	shalt  }
0x7e: {  	_ =	shalt  }
0x7f: {  	_ =	shalt  }
0x80: {  	_ =	shalt  }
0x81: {  	_ =	shalt  }
0x82: {  	_ =	shalt  }
0x83: {  	_ =	shalt  }
0x84: {  	_ =	shalt  }
0x85: {  	_ =	shalt  }
0x86: {  	_ =	shalt  }
0x87: {  	_ =	shalt  }
.Lfunc_end0:
.L_simem_size_0:
called_computation.3_lowered:
.L_overlay_start_0:
0x88: {  	s2 =	sld [smem:$0x3FD9]  }
0x89: {  	s3 =	sld [smem:$0x3FFE];
	_ =	sdelay $0x1  }
0x8a: {  	s1 =	srdreg.scid  }
0x8b: {  	s0 =	sand.u32 $0x1, s1  }
0x8c: {  	s15 =	sshll.u32 s0, $0xA;
	s2 =	sadd.s32 s3, s2  }
0x8d: {  	s2 =	sadd.s32 s2, s15  }
0x8e: {  	[smem:$0x3FBE] =	sst s2  }
0x8f: {  	_ = 	snop  }
0x90: {  	s2 =	sld [smem:$0x3FD0];
	_ =	sdelay $0x2  }
0x91: {  	s4 =	simm.s32 $0xB;
	s16 =	simm.s32 $0x10  }
0x92: {  	[smem:s16], [sflag:s4] =	dma.local [hbm:s2], $0x1  }
0x93: {  	_ =	swait.eq [sflag:s4], $0x1  }
0x94: {  	[sflag:s4] =	ssyncset.done $0x0  }
0x95: {  	s17 =	sld [smem:$0x10];
	[sflag:s4] =	ssyncadd.s32 $0xFFFFFFFF  }
0x96: {  	s18 =	sld [smem:$0x11];
	(tm) =	ssettm $0x1  }
0x97: {  	s19 =	sld [smem:$0x3FFB];
	_ =	sdelay $0x3  }
0x98: {  	_ =	strace s19  }
0x99: {  	s2 =	sld [smem:$0x3FFC];
	_ =	sdelay $0x3  }
0x9a: {  	_ =	strace s2  }
0x9b: {  	s2 =	sld [smem:$0x3FFD];
	_ =	sdelay $0x3  }
0x9c: {  	_ =	strace s2  }
0x9d: {  	_ =	strace $0x8FFFFFFF  }
0x9e: {  	s20 =	sld [smem:$0x3FDB];
	_ =	sdelay $0x1  }
0x9f: {  	s5 =	simm.s32 $_scs_section_size  }
0xa0: {  	s6 =	simm.s32 $_size__tile_overlayer_lowered;
	s7 =	simm.s32 $_tile_overlayer_lowered  }
0xa1: {  	s8 =	simm.s32 $0x1BFF;
	s21 =	sshll.u32 s7, $0x1;
	s5 =	sadd.s32 s5, s20  }
0xa2: {  	s22 =	simm.s32 $0x0;
	s6 =	sshll.u32 s6, $0x1;
	s7 =	sadd.s32 s21, s5  }
0xa3: {  	[timem:s22], [sflag:s8] =	dma.local [hbm:s7], s6  }
0xa4: {  	_ =	swait.ge [sflag:s8], s6  }
0xa5: {  	s6 =	ssub.s32 $0x0, s6;
	[sflag:s8] =	ssyncset.done $0x0  }
0xa6: {  	[sflag:s8] =	ssyncadd.s32 s6;
	_ =	sdelay $0x1  }
0xa7: {  	s23 =	simm.s32 $0x1B8B  }
0xa8: {  	_ =	swait.ge [sflag:s23], $0x1  }
0xa9: {  	[sflag:s23] =	ssyncset.done $0x0  }
0xaa: {  	[sflag:s23] =	ssyncadd.s32 $0xFFFFFFFF  }
0xab: {  	s6 =	sld [smem:$0x0]  }
0xac: {  	s7 =	sand.u32 $0xFFFFFFFE, s1  }
0xad: {  	p0 =	sne.s32 s1, s7  }
0xae: {  	s7 =	sshll.u32 @p0 s7, $0xE  }
0xaf: {  	s7 =	sadd.s32 @p0 $0x11B8D, s7;
	s8 =	sshll.u32 @p0 s6, $0x11  }
0xb0: {  	s7 =	sor.u32 @p0 s8, s7  }
0xb1: {  	[sflag:s7] =	ssyncadd.remote.s32 @p0 $0x1;
	_ =	sdelay $0x1  }
0xb2: {  	s7 =	simm.s32 @p0 $0x1B8D  }
0xb3: {  	_ =	swait.eq @p0 [sflag:s7], $0x1  }
0xb4: {  	[sflag:s7] =	ssyncadd.s32 @p0 $0xFFFFFFFF  }
0xb5: {  	s8 =	sshll.u32 @!p0 s1, $0xE  }
0xb6: {  	s8 =	sor.u32 @!p0 $0x4000, s8;
	s7 =	simm.s32 @!p0 $0x1B8D  }
0xb7: {  	s6 =	sshll.u32 @!p0 s6, $0x11;
	s8 =	sadd.s32 @!p0 $0x11B8D, s8;
	_ =	swait.eq @!p0 [sflag:s7], $0x1  }
0xb8: {  	s6 =	sor.u32 @!p0 s6, s8;
	[sflag:s7] =	ssyncadd.s32 @!p0 $0xFFFFFFFF  }
0xb9: {  	s25 =	simm.s32 $0x1B8E;
	s24 =	sld [smem:$0x3FFE];
	[sflag:s6] =	ssyncadd.remote.s32 @!p0 $0x1  }
0xba: {  	s26 =	simm.s32 $execute0_lowered;
	[smem:$0x3FD2] =	sst s25  }
0xbb: {  	s7 =	sshll.u32 s26, $0x1;
	_ =	strace $0x8000004F;
	[dreg:$0x1] =	wrdreg $0xFFFFFFFF  }
0xbc: {  	s28 =	simm.s32 $_size_execute0_lowered;
	s5 =	sadd.s32 s5, s7;
	[dreg:$0x0] =	wrdreg $0x0  }
0xbd: {  	s7 =	sshll.u32 s28, $0x1;
	[dreg:$0x2] =	wrdreg s5  }
0xbe: {  	[dreg:$0x3] =	wrdreg s7  }
0xbf: {  	[dreg:$0x4] =	wrdreg $0xC0  }
0xc0: {  	_ =	task [dreg:s22], $0x5FFFF  }
0xc1: {  	[dreg:$0x1] =	wrdreg $0xFFFFFFFF  }
0xc2: {  	[dreg:$0x0] =	wrdreg $0x60  }
0xc3: {  	[dreg:$0x2] =	wrdreg s24  }
0xc4: {  	[dreg:$0x3] =	wrdreg s18  }
0xc5: {  	[dreg:$0x4] =	wrdreg s17  }
0xc6: {  	[dreg:$0x5] =	wrdreg $0xFE000  }
0xc7: {  	[dreg:$0x6] =	wrdreg $0xA  }
0xc8: {  	_ =	task.clear_ibuf [dreg:s22], $0x7FFFF;
	_ =	strace $0x9000004F  }
0xc9: {  	s29 =	simm.s32 $0xA;
	_ =	strace $0x80000051  }
0xca: {  	_ =	swait.ge [sflag:s29], $0x1  }
0xcb: {  	[sflag:s29] =	ssyncadd.s32 $0xFFFFFFFF  }
0xcc: {  	_ =	strace $0x90000051  }
0xcd: {  	_ =	sfence  }
0xce: {  	s30 =	sld [smem:$0x0];
	_ =	sdelay $0x2  }
0xcf: {  	s31 =	sshll.u32 s1, $0xD;
	s1 =	sshrl.u32 s1, $0x2  }
0xd0: {  	s4 =	sand.u32 $0x4000, s31;
	s1 =	sadd.s32 s1, s30  }
0xd1: {  	s0 =	sor.u32 s4, s0;
	s1 =	sshll.u32 s1, $0x11  }
0xd2: {  	s0 =	sor.u32 s1, s0  }
0xd3: {  	s0 =	sadd.s32 $0x8F2B, s0  }
0xd4: {  	[sflag:s0] =	ssyncadd.remote.s32 $0x1  }
0xd5: {  	_ =	sfence.sel $0xFFFF  }
0xd6: {  	[dreg:$0x0] =	wrdreg $0xFFFFFFFF;
	(pc) =	sbr.abs _section_cstart, $3  }
0xd7: {  	[dreg:$0x1] =	wrdreg $0xFFFFFFFF  }
0xd8: {  	_ =	task.clear_ibuf [dreg:s22], $0x2FFFF;
	_ =	strace $0x9FFFFFFF  }
0xd9: {  	(tm) =	ssettm $0x7FFFFFFF  }
tec
execute0_lowered:
.L_overlay_start_1:
0x0: {  	(tag) =	ssettag $0x1  }
0x1: {  	s7 =	rddreg [dreg:$0x0]  }
0x2: {  	s0 =	rddreg [dreg:$0x1]  }
0x3: {  	s1 =	rddreg [dreg:$0x2];
	s2 =	srdreg.scid  }
0x4: {  	s3 =	rddreg [dreg:$0x3];
	s4 =	stileid.u32;
	s5 =	simm.s32 $0x0  }
0x5: {  	s15 =	simm.s32 $0x80;
	s16 =	simm.s32 $0x400;
	s17 =	simm.s32 $0x3  }
0x6: {  	s18 =	simm.s32 $0x800;
	s20 =	simm.s32 $0xAE00;
	s21 =	simm.s32 $0x50  }
0x7: {  	s22 =	simm.s32 $0xD600;
	s23 =	simm.s32 $0x2;
	s9 =	smul.u32 $0x140, s4  }
0x8: {  	s8 =	sand.u32 $0x1, s2;
	[smem:$0x7FF] =	sst s5;
	s10 =	smul.u32 $0x28000, s4  }
0x9: {  	s6 =	sadd.s32 $0x51600, s7;
	s12 =	sadd.s32 $0xA0000, s3;
	s19 =	smul.u32 $0x1400, s8  }
0xa: {  	p0 =	sne.s32 s4, $0x0;
	_ =	strace $0x80000050;
	s8 =	ssub.s32 $0x2, s8  }
.Ltmp0:
0xb: {  	s31 =	sshrl.u32 s8, $0x1;
	s9 =	sadd.s32 s9, s19;
	(pc) =	sbr.rel .LBB2_1-.Ltmp0, $4  }
0xc: {  	s10 =	sshrl.u32 s10, $0x2;
	s14 =	ssub.s32 s8, s31;
	s9 =	sshll.u32 s9, $0x4  }
0xd: {  	s8 =	smul.u32 $0xA, s4;
	s13 =	sadd.s32 s9, s7;
	s7 =	sadd.s32 s10, s3  }
0xe: {  	v0 =	vmov s19;
	s19 =	simm.s32 $0x1;
	s14 =	smax.u32 s14, $0x1;
	s9 =	sadd.s32 $0x2800, s7  }
0xf: {  	v1 =	vimm.s32 $0x0;
	v2 =	vimm.s32 $0x1400;
	v3 =	vimm.f32 $0.0e+00;
	s10 =	sadd.s32 $0x5000, s7;
	s11 =	sadd.s32 $0x7800, s7;
	s13 =	sadd.s32 $0xA0800, s13  }
.LBB2_10:
0x10: {  	[sflag:s17] =	ssyncset.done $0x0  }
0x11: {  	[sflag:s17] =	ssyncadd.s32 $0xFFFFD800  }
.LBB2_11:
0x12: {  	s2 =	sand.u32 $0x1, s24  }
0x13: {  	p1 =	seq.s32 s2, $0x0  }
0x14: {  	s2 =	simm.s32 @!p1 $0x1  }
0x15: {  	s24 =	smul.u32 @!p1 $0x140, s24;
	_ =	swait.ge @!p1 [sflag:s2], $0x2800  }
0x16: {  	[sflag:s2] =	ssyncset.done @!p1 $0x0  }
0x17: {  	[sflag:s2] =	ssyncadd.s32 @!p1 $0xFFFFD800;
	s2 =	sshra.s32 @!p1 s24, $0x2  }
0x18: {  	s25 =	simm.s32 @!p1 $0xAE00;
	s24 =	simm.s32 @!p1 $0x50;
	s2 =	sadd.s32 @!p1 $0x5EB0, s2  }
0x19: {  	[spmem:s3] =	stream.indirect.scatter.add.f32 @!p1 [tilespmem:s25], [sflag:$0x3], $0x80, s2, s24, $0xb8;
	[tilespmem:$0x19E40] =	vst v63  }
0x1a: {  	s2 =	simm.s32 @!p1 $0x3  }
0x1b: {  	_ =	swait.ge @!p1 [sflag:s2], $0x2800  }
0x1c: {  	s30 =	sshll.u32 s4, $0x6;
	s5 =	sadd.s32 $0x1, s5;
	[sflag:s2] =	ssyncset.done @!p1 $0x0  }
0x1d: {  	s31 =	sshrl.u32 s7, $0x3;
	[sflag:s2] =	ssyncadd.s32 @!p1 $0xFFFFD800;
	p1 =	sne.s32 s5, s14  }
.Ltmp1:
0x1e: {  	s2 =	sor.u32 $0x1C03, s30;
	[bflag:$0x0] =	sbarrier.arrive $0xFFFF;
	(pc) =	sbr.rel @!p1 .LBB2_12-.Ltmp1, $4  }
0x1f: {  	[hbm:s13], [sflag:s2] =	dma.local [spmem:s31], $0x1400  }
0x20: {  	_ =	swait.ge [sflag:s17], $0x1400  }
0x21: {  	[sflag:s17] =	ssyncset.done $0x0  }
0x22: {  	[sflag:s17] =	ssyncadd.s32 $0xFFFFEC00  }
.LBB2_1:
0x23: {  	s24 =	simm.s32 $0x0;
	s25 =	simm.s32 $0x0  }
.LBB2_2:
0x24: {  	s26 =	sadd.s32 s8, s25  }
0x25: {  	s28 =	sshll.u32 s26, $0x8;
	s26 =	sshll.u32 s26, $0x4  }
0x26: {  	s28 =	sand.u32 $0x1F800, s28;
	s26 =	sand.u32 $0x70, s26  }
0x27: {  	s26 =	sor.u32 s26, s28  }
0x28: {  	s29 =	simm.s32 $0x0;
	s28 =	sadd.s32 s0, s26  }
0x29: {  	[tilespmem:s29], [sflag:$0x3] =	stream.strided.gather [hbm4b:s28+s15], $0x800, s16, s15, $0x38;
	[tilespmem:$0x19E40] =	vst v63  }
0x2a: {  	_ =	swait.ge [sflag:s17], $0x800  }
0x2b: {  	[sflag:s17] =	ssyncset.done $0x0  }
0x2c: {  	s26 =	sadd.s32 s1, s26;
	[sflag:s17] =	ssyncadd.s32 $0xFFFFF800  }
0x2d: {  	[tilespmem:s18], [sflag:$0x3] =	stream.strided.gather [hbm4b:s26+s15], $0x800, s16, s15, $0x38;
	[tilespmem:$0x19E40] =	vst v63  }
0x2e: {  	_ =	swait.ge [sflag:s17], $0x800  }
0x2f: {  	[sflag:s17] =	ssyncset.done $0x0  }
0x30: {  	s31 =	simm.s32 $0x0;
	[sflag:s17] =	ssyncadd.s32 $0xFFFFF800  }
0x31: {  	v4 =	vld [tilespmem:s31+$0x800];
	_ =	sdelay $0x4  }
0x32: {  	v4 =	vsub.s32 v4, v0  }
0x33: {  	vm0 =	vlt.u32 v4, $0x1400  }
0x34: {  	v5 =	vsel vm0, $0x1, v1  }
0x35: {  	(xrf0) =	vadd.scan.msk.s32 $0xffff, v5;
	_ =	sdelay $0x1  }
0x36: {  	v5 =	vld [tilespmem:s31+$0x0];
	_ =	sdelay $0x3  }
0x37: {  	v6, _, _ =	vpop (xrf0)  }
0x38: {  	[tilespmem:s24+$0x1000] =	vst.msk vm0, v5;
	(v2sf) =	vpush v6, $0xF  }
0x39: {  	s28 =	simm.s32 $0x10;
	s26 =	simm.s32 $0x80;
	[tilespmem:s24+$0x5F00] =	vst.msk vm0, v4  }
.LBB2_3:
0x3a: {  	p1 =	sne.s32 s26, $0x1F00;
	v4 =	vld [tilespmem:s28+$0x800];
	_ =	sdelay $0x4  }
0x3b: {  	v4 =	vsub.s32 v4, v0  }
0x3c: {  	vm0 =	vlt.u32 v4, $0x1400  }
0x3d: {  	v5 =	vsel vm0, $0x1, v1  }
0x3e: {  	(xrf0) =	vadd.scan.msk.s32 $0xffff, v5;
	_ =	sdelay $0x1  }
0x3f: {  	v5 =	vld [tilespmem:s28+$0x0];
	_ =	sdelay $0x1  }
.Ltmp2:
0x40: {  	(pc) =	sbr.rel @p1 .LBB2_3-.Ltmp2, $4  }
0x41: {  	s28 =	spop (v2sf)  }
0x42: {  	v6, _, _ =	vpop (xrf0);
	s24 =	sadd.s32 s24, s28  }
0x43: {  	[tilespmem:s24+$0x1000] =	vst.msk vm0, v5;
	(v2sf) =	vpush v6, $0xF  }
0x44: {  	s28 =	sshra.s32 s26, $0x2;
	s26 =	sadd.s32 $0x40, s26;
	[tilespmem:s24+$0x5F00] =	vst.msk vm0, v4  }
0x45: {  	v4 =	vld [tilespmem:s28+$0x800];
	_ =	sdelay $0x4  }
0x46: {  	v4 =	vsub.s32 v4, v0  }
0x47: {  	vm0 =	vlt.u32 v4, $0x1400  }
0x48: {  	v5 =	vsel vm0, $0x1, v1  }
0x49: {  	(xrf0) =	vadd.scan.msk.s32 $0xffff, v5;
	_ =	sdelay $0x5  }
0x4a: {  	v5, _, _ =	vpop (xrf0)  }
0x4b: {  	(v2sf) =	vpush v5, $0xF;
	_ =	sdelay $0x9  }
0x4c: {  	s25 =	sadd.s32 $0x1, s25;
	v5 =	vld [tilespmem:s28+$0x0]  }
0x4d: {  	p1 =	sne.s32 s25, $0xA  }
.Ltmp3:
0x4e: {  	_ = 	snop;
	(pc) =	sbr.rel @p1 .LBB2_2-.Ltmp3, $4  }
0x4f: {  	s26 =	spop (v2sf)  }
0x50: {  	s24 =	sadd.s32 s24, s26  }
0x51: {  	[tilespmem:s24+$0x1000] =	vst.msk vm0, v5;
	s31 =	spop (v2sf)  }
0x52: {  	[tilespmem:s24+$0x5F00] =	vst.msk vm0, v4;
	s24 =	sadd.s32 s24, s31  }
0x53: {  	[tilespmem:s24+$0x1000] =	vst v1  }
0x54: {  	[tilespmem:s24+$0x5F00] =	vst v2  }
0x55: {  	[tilespmem:s24+$0x1010] =	vst v1  }
0x56: {  	[tilespmem:s24+$0x5F10] =	vst v2  }
0x57: {  	[tilespmem:s24+$0x1020] =	vst v1  }
0x58: {  	[tilespmem:s24+$0x5F20] =	vst v2  }
0x59: {  	[tilespmem:s24+$0x1030] =	vst v1  }
0x5a: {  	[tilespmem:s24+$0x5F30] =	vst v2  }
0x5b: {  	[tilespmem:s24+$0x1040] =	vst v1  }
0x5c: {  	[tilespmem:s24+$0x5F40] =	vst v2;
	s25 =	simm.s32 $0x0;
	s26 =	simm.s32 $0x200  }
.LBB2_6:
0x5d: {  	p1 =	sne.s32 s26, $0x9E00;
	[tilespmem:s25+$0xAE70] =	vst v3  }
0x5e: {  	[tilespmem:s25+$0xAE00] =	vst v3  }
0x5f: {  	[tilespmem:s25+$0xAE10] =	vst v3  }
.Ltmp4:
0x60: {  	[tilespmem:s25+$0xAE20] =	vst v3;
	(pc) =	sbr.rel @p1 .LBB2_6-.Ltmp4, $4  }
0x61: {  	[tilespmem:s25+$0xAE30] =	vst v3  }
0x62: {  	[tilespmem:s25+$0xAE40] =	vst v3  }
0x63: {  	[tilespmem:s25+$0xAE50] =	vst v3  }
0x64: {  	[tilespmem:s25+$0xAE60] =	vst v3;
	s25 =	sshra.s32 s26, $0x2;
	s26 =	sadd.s32 $0x200, s26  }
0x65: {  	[tilespmem:s25+$0xAE70] =	vst v3  }
0x66: {  	[tilespmem:s25+$0xAE00] =	vst v3  }
0x67: {  	[tilespmem:s25+$0xAE10] =	vst v3  }
0x68: {  	[tilespmem:s25+$0xAE20] =	vst v3  }
0x69: {  	[tilespmem:s25+$0xAE30] =	vst v3  }
0x6a: {  	[tilespmem:s25+$0xAE40] =	vst v3  }
0x6b: {  	[tilespmem:s25+$0xAE50] =	vst v3  }
0x6c: {  	[tilespmem:s25+$0xAE60] =	vst v3  }
0x6d: {  	[spmem:s7] =	stream.linear.scatter [tilespmem:s20], [sflag:$0x3], $0x2800, $0x38;
	[tilespmem:$0x19E40] =	vst v63  }
0x6e: {  	_ =	swait.ge [sflag:s17], $0x2800  }
0x6f: {  	s2 =	sadd.s32 $0x4F, s24;
	[sflag:s17] =	ssyncset.done $0x0  }
0x70: {  	s26 =	smulhi.u32 $0x66666667, s2;
	s28 =	sshra.s32 s2, $0x1F;
	[sflag:s17] =	ssyncadd.s32 $0xFFFFD800  }
0x71: {  	[spmem:s9] =	stream.linear.scatter [tilespmem:s20], [sflag:$0x3], $0x2800, $0x38;
	[tilespmem:$0x19E40] =	vst v63  }
0x72: {  	s28 =	smul.u32 $0x66666667, s28;
	_ =	swait.ge [sflag:s17], $0x2800  }
0x73: {  	[sflag:s17] =	ssyncset.done $0x0  }
0x74: {  	s26 =	sadd.s32 s28, s26;
	[sflag:s17] =	ssyncadd.s32 $0xFFFFD800  }
0x75: {  	[spmem:s10] =	stream.linear.scatter [tilespmem:s20], [sflag:$0x3], $0x2800, $0x38;
	[tilespmem:$0x19E40] =	vst v63  }
0x76: {  	s28 =	sshrl.u32 s26, $0x1F;
	s26 =	sshra.s32 s26, $0x5;
	_ =	swait.ge [sflag:s17], $0x2800  }
0x77: {  	s26 =	sadd.s32 s28, s26;
	[sflag:s17] =	ssyncset.done $0x0  }
0x78: {  	s28 =	smul.u32 $0xFFFFFFB0, s26;
	[sflag:s17] =	ssyncadd.s32 $0xFFFFD800  }
0x79: {  	[spmem:s11] =	stream.linear.scatter [tilespmem:s20], [sflag:$0x3], $0x2800, $0x38;
	[tilespmem:$0x19E40] =	vst v63  }
0x7a: {  	s25 =	ssub.s32 $0xFFFFFFB1, s24;
	s24 =	simm.s32 @!p0 $0xAE00;
	_ =	swait.ge [sflag:s17], $0x2800  }
0x7b: {  	p1 =	slt.s32 s2, $0x1;
	p2 =	sne.s32 s28, s25;
	[sflag:s17] =	ssyncset.done $0x0  }
0x7c: {  	s25 =	simm.s32 @!p0 $0x3;
	p1 =	por !p1, !p2;
	[sflag:s17] =	ssyncadd.s32 $0xFFFFD800  }
0x7d: {  	[spmem:s12] =	stream.linear.scatter @!p0 [tilespmem:s24], [sflag:$0x3], $0x400, $0x38;
	[tilespmem:$0x19E40] =	vst v63  }
0x7e: {  	p1 =	por !p1, !p1;
	s24 =	simm.s32 $0x1;
	_ =	swait.ge @!p0 [sflag:s25], $0x400  }
0x7f: {  	s24 =	simm.s32 @!p1 $0x0;
	[sflag:s25] =	ssyncset.done @!p0 $0x0  }
0x80: {  	s24 =	ssub.s32 s26, s24;
	[sflag:s25] =	ssyncadd.s32 @!p0 $0xFFFFFC00  }
0x81: {  	p1 =	slt.s32 s24, $0x1;
	[bflag:$0x0] =	sbarrier.arrive $0xFFFF  }
0x82: {  	s25 =	simm.s32 @!p1 $0x50;
	s26 =	simm.s32 @!p1 $0x1000;
	s28 =	simm.s32 @!p1 $0xAE00  }
0x83: {  	[tilespmem:s28], [sflag:$0x1] =	stream.indirect.gather @!p1 [hbm4b:s6+s25], $0x80, s26, s25, $0xb8;
	[tilespmem:$0x19E40] =	vst v63  }
0x84: {  	s29 =	sshrl.u32 s24, $0x1F;
	p1 =	sgt.s32 s24, $0x0;
	s26 =	simm.s32 $0x1  }
0x85: {  	s30 =	sshra.s32 s24, $0x1F;
	s25 =	sadd.s32 s29, s24;
	s26 =	simm.s32 @!p1 $0x0  }
0x86: {  	s31 =	sand.u32 $0xFFFFFFFE, s25;
	s26 =	sadd.s32 s26, s30  }
0x87: {  	p6 =	sne.s32 s24, s31;
	p5 =	sne.s32 s26, $0x1  }
0x88: {  	p1 =	por !p6, !p5  }
0x89: {  	s26 =	simm.s32 $0x1;
	p1 =	por !p1, !p1  }
0x8a: {  	s25 =	sshra.s32 s25, $0x1;
	s26 =	simm.s32 @!p1 $0x0  }
0x8b: {  	s26 =	ssub.s32 s25, s26  }
0x8c: {  	p1 =	slt.s32 s26, $0x1  }
.Ltmp5:
0x8d: {  	_ = 	snop;
	(pc) =	sbr.rel @p1 .LBB2_11-.Ltmp5, $1  }
0x8e: {  	_ =	sdelay $0x3  }
0x8f: {  	s25 =	simm.s32 $0x1050  }
0x90: {  	[tilespmem:s22], [sflag:$0x2] =	stream.indirect.gather [hbm4b:s6+s21], $0x80, s25, s21, $0xb8;
	[tilespmem:$0x19E40] =	vst v63  }
0x91: {  	_ =	swait.ge [sflag:s19], $0x2800  }
0x92: {  	[sflag:s19] =	ssyncset.done $0x0  }
0x93: {  	s25 =	simm.s32 $0x5F00;
	[sflag:s19] =	ssyncadd.s32 $0xFFFFD800  }
0x94: {  	[spmem:s3] =	stream.indirect.scatter.add.f32 [tilespmem:s20], [sflag:$0x3], $0x80, s25, s21, $0xb8;
	[tilespmem:$0x19E40] =	vst v63  }
0x95: {  	p1 =	sle.s32 s24, $0x2;
	_ =	swait.ge [sflag:s17], $0x2800  }
0x96: {  	s26 =	sadd.s32 $0xFFFFFFFF, s26;
	s28 =	simm.s32 @!p1 $0x10A0;
	[sflag:s17] =	ssyncset.done $0x0  }
0x97: {  	s29 =	simm.s32 @!p1 $0x50;
	s30 =	simm.s32 @!p1 $0xAE00;
	[sflag:s17] =	ssyncadd.s32 $0xFFFFD800  }
0x98: {  	[tilespmem:s30], [sflag:$0x1] =	stream.indirect.gather @!p1 [hbm4b:s6+s29], $0x80, s28, s29, $0xb8;
	[tilespmem:$0x19E40] =	vst v63  }
0x99: {  	p1 =	sne.s32 s26, $0x0  }
.Ltmp6:
0x9a: {  	_ =	swait.ge [sflag:s23], $0x2800;
	(pc) =	sbr.rel @!p1 .LBB2_10-.Ltmp6, $4  }
0x9b: {  	[sflag:s23] =	ssyncset.done $0x0  }
0x9c: {  	s28 =	simm.s32 $0x5F50;
	[sflag:s23] =	ssyncadd.s32 $0xFFFFD800  }
0x9d: {  	[spmem:s3] =	stream.indirect.scatter.add.f32 [tilespmem:s22], [sflag:$0x3], $0x80, s28, s21, $0xb8;
	[tilespmem:$0x19E40] =	vst v63  }
0x9e: {  	s29 =	simm.s32 $0x4;
	s28 =	simm.s32 $0x10F0;
	_ =	swait.ge [sflag:s17], $0x2800  }
.LBB2_9:
0x9f: {  	s26 =	sadd.s32 $0xFFFFFFFF, s26;
	[sflag:s17] =	ssyncset.done $0x0;
	s25 =	sadd.s32 $0xA0, s25  }
0xa0: {  	p1 =	sne.s32 s26, $0x0;
	[sflag:s17] =	ssyncadd.s32 $0xFFFFD800  }
0xa1: {  	[tilespmem:s22], [sflag:$0x2] =	stream.indirect.gather [hbm4b:s6+s21], $0x80, s28, s21, $0xb8;
	[tilespmem:$0x19E40] =	vst v63  }
0xa2: {  	_ =	swait.ge [sflag:s19], $0x2800  }
0xa3: {  	[sflag:s19] =	ssyncset.done $0x0  }
0xa4: {  	[sflag:s19] =	ssyncadd.s32 $0xFFFFD800  }
0xa5: {  	[spmem:s3] =	stream.indirect.scatter.add.f32 [tilespmem:s20], [sflag:$0x3], $0x80, s25, s21, $0xb8;
	[tilespmem:$0x19E40] =	vst v63  }
0xa6: {  	p2 =	sge.s32 s29, s24;
	_ =	swait.ge [sflag:s17], $0x2800  }
0xa7: {  	s30 =	sadd.s32 @!p2 $0x50, s28;
	s31 =	simm.s32 @!p2 $0x50;
	[sflag:s17] =	ssyncset.done $0x0  }
0xa8: {  	s2 =	simm.s32 @!p2 $0xAE00;
	[sflag:s17] =	ssyncadd.s32 $0xFFFFD800  }
0xa9: {  	[tilespmem:s2], [sflag:$0x1] =	stream.indirect.gather @!p2 [hbm4b:s6+s31], $0x80, s30, s31, $0xb8;
	[tilespmem:$0x19E40] =	vst v63  }
.Ltmp7:
0xaa: {  	_ =	swait.ge [sflag:s23], $0x2800;
	(pc) =	sbr.rel @p1 .LBB2_9-.Ltmp7, $4  }
0xab: {  	s2 =	sadd.s32 $0x50, s25;
	[sflag:s23] =	ssyncset.done $0x0  }
0xac: {  	[sflag:s23] =	ssyncadd.s32 $0xFFFFD800  }
0xad: {  	[spmem:s3] =	stream.indirect.scatter.add.f32 [tilespmem:s22], [sflag:$0x3], $0x80, s2, s21, $0xb8;
	[tilespmem:$0x19E40] =	vst v63  }
0xae: {  	s29 =	sadd.s32 $0x2, s29;
	s28 =	sadd.s32 $0xA0, s28;
	_ =	swait.ge [sflag:s17], $0x2800  }
.Ltmp8:
0xaf: {  	_ = 	snop;
	(pc) =	sbr.rel .LBB2_10-.Ltmp8, $1  }
0xb0: {  	_ =	sdelay $0x3  }
.LBB2_12:
0xb1: {  	_ =	sfence.sel $0x180000  }
0xb2: {  	[bflag:$0x0] =	sbarrier.arrive $0xFFFF  }
0xb3: {  	_ =	strace $0x90000050  }
0xb4: {  	[bflag:$0x2] =	sbarrier.arrive $0xFFFF  }
0xb5: {  	s0 =	rddreg [dreg:$0x4]  }
0xb6: {  	s0 =	sadd.s32 @!p0 $0x100000, s0  }
0xb7: {  	[sflag:s0] =	ssyncadd.tile.s32 @!p0 $0x1;
	_ =	shalt  }
.Lfunc_end2:
_tile_overlayer_lowered:
.L_overlay_start_2:
0xb8: {  	(tag) =	ssettag $0x2  }
0xb9: {  	s0 =	rddreg [dreg:$0x0];
	s2 =	stileid.u32  }
0xba: {  	s1 =	rddreg [dreg:$0x1];
	p0 =	sne.s32 s2, $0x0  }
0xbb: {  	s3 =	rddreg [dreg:$0x2];
	[bflag:$0x3] =	sbarrier.arrive $0xFFFF;
	s2 =	simm.s32 @!p0 $0x1C03  }
0xbc: {  	[timem:s3], [sflag:s2] =	dma.local @!p0 [hbm:s0], s1  }
0xbd: {  	s0 =	simm.s32 @!p0 $0x3  }
0xbe: {  	_ =	swait.ge @!p0 [sflag:s0], s1  }
0xbf: {  	s1 =	ssub.s32 @!p0 $0x0, s1;
	[sflag:s0] =	ssyncset.done @!p0 $0x0  }
0xc0: {  	[sflag:s0] =	ssyncadd.s32 @!p0 s1  }
0xc1: {  	[bflag:$0x3] =	sbarrier.arrive $0xFFFF  }
0xc2: {  	_ =	shalt  }

// kernel: kernel.9.cloned.1.call-start
scs
__scs_entry_jumppad:
0x0: {  	(pc) =	sbr.rel $0x88, $3  }
0x1: {  	(tag) =	ssettag $0x0;
	lr =	simm.s32 $0x1  }
0x2: {  	[smem:$0x3F97] =	sst lr;
	_ =	strace $0xD0000000  }
0x3: {  	_ = 	snop  }
0x4: {  	_ = 	snop  }
0x5: {  	_ = 	snop  }
0x6: {  	_ = 	snop  }
0x7: {  	_ = 	snop  }
__scs_overlays_trampoline_lowered:
0x8: {  	[smem:$0x3FA6] =	sst s0  }
0x9: {  	[smem:$0x3FA7] =	sst s1  }
0xa: {  	[smem:$0x3FA8] =	sst s2  }
0xb: {  	[smem:$0x3FA9] =	sst s3  }
0xc: {  	[smem:$0x3FAA] =	sst s4  }
0xd: {  	[smem:$0x3FAB] =	sst s5  }
0xe: {  	[smem:$0x3FAC] =	sst s6  }
0xf: {  	[smem:$0x3FAD] =	sst s7  }
0x10: {  	[smem:$0x3FAE] =	sst s8  }
0x11: {  	[smem:$0x3FAF] =	sst s9;
	s0 =	simm.s32 @!p0 $0x0  }
0x12: {  	s1 =	sld [smem:$0x3F95];
	s0 =	simm.s32 @p0 $0x1  }
0x13: {  	[smem:$0x3FB0] =	sst s0;
	s0 =	simm.s32 @!p1 $0x0  }
0x14: {  	s2 =	sld [smem:$0x3F94];
	s0 =	simm.s32 @p1 $0x1  }
0x15: {  	[smem:$0x3FB1] =	sst s0;
	s0 =	simm.s32 @!p2 $0x0  }
0x16: {  	s3 =	sld [smem:$0x3FDB];
	s0 =	simm.s32 @p2 $0x1  }
0x17: {  	s4 =	simm.s32 $0x1BF5;
	[smem:$0x3FB3] =	sst s0  }
0x18: {  	s0 =	sld [smem:$0x3F96];
	_ =	swait.ge [sflag:s4], $0x0  }
0x19: {  	s7 =	sld [smem:$0x3F97]  }
0x1a: {  	s8 =	sadd.s32 $0xFFFFE003, lr  }
0x1b: {  	s9 =	sadd.s32 $0xFFFFFEF7, lr;
	s5 =	simm.s32 $0xFFFFFFFF;
	p2 =	slt.u32 s8, $0xFFFFF086  }
0x1c: {  	p1 =	slt.u32 s9, $0xF7A;
	s5 =	simm.s32 @!p2 $0x0  }
0x1d: {  	s5 =	simm.s32 @p1 $0x1;
	p0 =	seq.s32 s7, s2  }
0x1e: {  	s7 =	smul.u32 @!p0 $0xF7A, s2;
	p2 =	seq.s32 @!p0 s5, $0x0  }
0x1f: {  	s9 =	smul.u32 $0xF7A, s1;
	s8 =	simm.s32 @!p0 $0x1BF5;
	p2 =	por !p2, p0  }
0x20: {  	[sflag:s8] =	ssyncset.s32 @!p0 $0xFFFFF086;
	s6 =	sadd.s32 @!p0 s3, s7;
	s7 =	simm.s32 @!p0 $0x108  }
0x21: {  	s3 =	sadd.s32 s3, s9;
	s6 =	sadd.s32 @!p0 $0x88, s6;
	s7 =	simm.s32 @p2 $0x1082  }
0x22: {  	[simem:s7], [sflag:s8] =	dma.local @!p0 [hbm:s6], $0xF7A  }
0x23: {  	s9 =	sor.u32 $0xD0000000, s2;
	s6 =	simm.s32 $0x108;
	_ =	swait.ge @!p0 [sflag:s8], $0x0  }
0x24: {  	s3 =	sadd.s32 $0x88, s3;
	s6 =	simm.s32 @!p1 $0x1082;
	[sflag:s4] =	ssyncset.s32 $0xFFFFF086  }
0x25: {  	[simem:s6], [sflag:s4] =	dma.local [hbm:s3], $0xF7A  }
0x26: {  	[smem:$0x3F97] =	sst s1;
	(tag) =	ssettag s2;
	_ =	strace s9  }
0x27: {  	s1 =	sld [smem:$0x3FA7]  }
0x28: {  	s2 =	sld [smem:$0x3FA8]  }
0x29: {  	s4 =	sld [smem:$0x3FAA]  }
0x2a: {  	p0 =	seq.s32 s5, $0x0;
	s5 =	sld [smem:$0x3FAB]  }
0x2b: {  	s6 =	sld [smem:$0x3FAC]  }
0x2c: {  	s7 =	sld [smem:$0x3FAD]  }
0x2d: {  	s3 =	simm.s32 $0x108;
	s8 =	sld [smem:$0x3FAE]  }
0x2e: {  	s3 =	simm.s32 @!p0 $0x1082;
	s9 =	sld [smem:$0x3FAF]  }
0x2f: {  	lr =	sadd.s32 s0, s3;
	s0 =	sld [smem:$0x3FA6]  }
0x30: {  	s3 =	sld [smem:$0x3FA9]  }
0x31: {  	[smem:$0x3FB2] =	sst s10  }
0x32: {  	s10 =	sld [smem:$0x3FB0];
	_ =	sdelay $0x3  }
0x33: {  	p0 =	seq.s32 s10, $0x1;
	s10 =	sld [smem:$0x3FB2];
	_ =	sdelay $0x3  }
0x34: {  	[smem:$0x3FB2] =	sst s10  }
0x35: {  	s10 =	sld [smem:$0x3FB1];
	_ =	sdelay $0x3  }
0x36: {  	p1 =	seq.s32 s10, $0x1;
	s10 =	sld [smem:$0x3FB2];
	_ =	sdelay $0x3  }
0x37: {  	[smem:$0x3FB2] =	sst s10  }
0x38: {  	s10 =	sld [smem:$0x3FB3]  }
0x39: {  	_ = 	snop;
	(pc) =	sbr.ind lr, $3  }
0x3a: {  	_ = 	snop  }
0x3b: {  	_ = 	snop  }
0x3c: {  	p2 =	seq.s32 s10, $0x1;
	s10 =	sld [smem:$0x3FB2]  }
0x3d: {  	_ =	shalt  }
0x3e: {  	_ =	shalt  }
0x3f: {  	_ =	shalt  }
0x40: {  	_ =	shalt  }
0x41: {  	_ =	shalt  }
0x42: {  	_ =	shalt  }
0x43: {  	_ =	shalt  }
0x44: {  	_ =	shalt  }
0x45: {  	_ =	shalt  }
0x46: {  	_ =	shalt  }
0x47: {  	_ =	shalt  }
0x48: {  	_ =	shalt  }
0x49: {  	_ =	shalt  }
0x4a: {  	_ =	shalt  }
0x4b: {  	_ =	shalt  }
0x4c: {  	_ =	shalt  }
0x4d: {  	_ =	shalt  }
0x4e: {  	_ =	shalt  }
0x4f: {  	_ =	shalt  }
0x50: {  	_ =	shalt  }
0x51: {  	_ =	shalt  }
0x52: {  	_ =	shalt  }
0x53: {  	_ =	shalt  }
0x54: {  	_ =	shalt  }
0x55: {  	_ =	shalt  }
0x56: {  	_ =	shalt  }
0x57: {  	_ =	shalt  }
0x58: {  	_ =	shalt  }
0x59: {  	_ =	shalt  }
0x5a: {  	_ =	shalt  }
0x5b: {  	_ =	shalt  }
0x5c: {  	_ =	shalt  }
0x5d: {  	_ =	shalt  }
0x5e: {  	_ =	shalt  }
0x5f: {  	_ =	shalt  }
0x60: {  	_ =	shalt  }
0x61: {  	_ =	shalt  }
0x62: {  	_ =	shalt  }
0x63: {  	_ =	shalt  }
0x64: {  	_ =	shalt  }
0x65: {  	_ =	shalt  }
0x66: {  	_ =	shalt  }
0x67: {  	_ =	shalt  }
0x68: {  	_ =	shalt  }
0x69: {  	_ =	shalt  }
0x6a: {  	_ =	shalt  }
0x6b: {  	_ =	shalt  }
0x6c: {  	_ =	shalt  }
0x6d: {  	_ =	shalt  }
0x6e: {  	_ =	shalt  }
0x6f: {  	_ =	shalt  }
0x70: {  	_ =	shalt  }
0x71: {  	_ =	shalt  }
0x72: {  	_ =	shalt  }
0x73: {  	_ =	shalt  }
0x74: {  	_ =	shalt  }
0x75: {  	_ =	shalt  }
0x76: {  	_ =	shalt  }
0x77: {  	_ =	shalt  }
0x78: {  	_ =	shalt  }
0x79: {  	_ =	shalt  }
0x7a: {  	_ =	shalt  }
0x7b: {  	_ =	shalt  }
0x7c: {  	_ =	shalt  }
0x7d: {  	_ =	shalt  }
0x7e: {  	_ =	shalt  }
0x7f: {  	_ =	shalt  }
0x80: {  	_ =	shalt  }
0x81: {  	_ =	shalt  }
0x82: {  	_ =	shalt  }
0x83: {  	_ =	shalt  }
0x84: {  	_ =	shalt  }
0x85: {  	_ =	shalt  }
0x86: {  	_ =	shalt  }
0x87: {  	_ =	shalt  }
.Lfunc_end0:
.L_simem_size_0:
called_computation_lowered:
.L_overlay_start_0:
0x88: {  	s2 =	sld [smem:$0x3FD9]  }
0x89: {  	s3 =	sld [smem:$0x3FFE];
	_ =	sdelay $0x1  }
0x8a: {  	s1 =	srdreg.scid  }
0x8b: {  	s0 =	sand.u32 $0x1, s1  }
0x8c: {  	s16 =	sshll.u32 s0, $0xA;
	s2 =	sadd.s32 s3, s2  }
0x8d: {  	s2 =	sadd.s32 s2, s16  }
0x8e: {  	[smem:$0x3FBE] =	sst s2  }
0x8f: {  	_ = 	snop  }
0x90: {  	(tm) =	ssettm $0x1  }
0x91: {  	s17 =	sld [smem:$0x3FFB];
	_ =	sdelay $0x3  }
0x92: {  	_ =	strace s17  }
0x93: {  	s2 =	sld [smem:$0x3FFC];
	_ =	sdelay $0x3  }
0x94: {  	_ =	strace s2  }
0x95: {  	s2 =	sld [smem:$0x3FFD];
	_ =	sdelay $0x3  }
0x96: {  	_ =	strace s2  }
0x97: {  	_ =	strace $0x8FFFFFFF  }
0x98: {  	s18 =	sld [smem:$0x3FDB];
	_ =	sdelay $0x1  }
0x99: {  	s19 =	simm.s32 $_scs_section_size  }
0x9a: {  	s4 =	simm.s32 $_size__tile_overlayer_lowered;
	s5 =	simm.s32 $_tile_overlayer_lowered  }
0x9b: {  	s22 =	simm.s32 $0x1BFF;
	s21 =	sshll.u32 s5, $0x1;
	s2 =	sadd.s32 s19, s18  }
0x9c: {  	s6 =	simm.s32 $0x0;
	s20 =	sshll.u32 s4, $0x1;
	s4 =	sadd.s32 s21, s2  }
0x9d: {  	[timem:s6], [sflag:s22] =	dma.local [hbm:s4], s20  }
0x9e: {  	_ =	swait.ge [sflag:s22], s20  }
0x9f: {  	s3 =	ssub.s32 $0x0, s20;
	[sflag:s22] =	ssyncset.done $0x0  }
0xa0: {  	[sflag:s22] =	ssyncadd.s32 s3;
	_ =	sdelay $0x1  }
0xa1: {  	s23 =	simm.s32 $0x1B8B  }
0xa2: {  	_ =	swait.ge [sflag:s23], $0x1  }
0xa3: {  	[sflag:s23] =	ssyncset.done $0x0  }
0xa4: {  	s25 =	simm.s32 $0x1B8E;
	s24 =	sld [smem:$0x3FFE];
	[sflag:s23] =	ssyncadd.s32 $0xFFFFFFFF  }
0xa5: {  	s26 =	simm.s32 $execute0_lowered;
	[smem:$0x3FD2] =	sst s25  }
0xa6: {  	s4 =	sshll.u32 s26, $0x1;
	_ =	strace $0x80000046;
	[dreg:$0x1] =	wrdreg $0xFFFFFFFF  }
0xa7: {  	s28 =	simm.s32 $_size_execute0_lowered;
	s2 =	sadd.s32 s2, s4;
	[dreg:$0x0] =	wrdreg $0x0  }
0xa8: {  	s4 =	sshll.u32 s28, $0x1;
	[dreg:$0x2] =	wrdreg s2  }
0xa9: {  	[dreg:$0x3] =	wrdreg s4  }
0xaa: {  	[dreg:$0x4] =	wrdreg $0xC0  }
0xab: {  	_ =	task [dreg:s6], $0x5FFFF  }
0xac: {  	[dreg:$0x1] =	wrdreg $0xFFFFFFFF  }
0xad: {  	[dreg:$0x0] =	wrdreg $0x60  }
0xae: {  	[dreg:$0x2] =	wrdreg s24  }
0xaf: {  	[dreg:$0x3] =	wrdreg $0x9  }
0xb0: {  	_ =	task.clear_ibuf [dreg:s6], $0x4FFFF;
	_ =	strace $0x90000046  }
0xb1: {  	s29 =	simm.s32 $0x9;
	_ =	strace $0x80000048  }
0xb2: {  	_ =	swait.ge [sflag:s29], $0x1  }
0xb3: {  	[sflag:s29] =	ssyncadd.s32 $0xFFFFFFFF  }
0xb4: {  	_ =	strace $0x90000048  }
0xb5: {  	_ =	sfence  }
0xb6: {  	s30 =	sld [smem:$0x0];
	_ =	sdelay $0x2  }
0xb7: {  	s31 =	sshll.u32 s1, $0xD;
	s1 =	sshrl.u32 s1, $0x2  }
0xb8: {  	s3 =	sand.u32 $0x4000, s31;
	s1 =	sadd.s32 s1, s30  }
0xb9: {  	s0 =	sor.u32 s3, s0;
	s1 =	sshll.u32 s1, $0x11  }
0xba: {  	s0 =	sor.u32 s1, s0  }
0xbb: {  	s0 =	sadd.s32 $0x8F2B, s0  }
0xbc: {  	[sflag:s0] =	ssyncadd.remote.s32 $0x1  }
0xbd: {  	_ =	sfence.sel $0xFFFF  }
0xbe: {  	[dreg:$0x0] =	wrdreg $0xFFFFFFFF;
	(pc) =	sbr.abs _section_cstart, $3  }
0xbf: {  	[dreg:$0x1] =	wrdreg $0xFFFFFFFF  }
0xc0: {  	_ =	task.clear_ibuf [dreg:s6], $0x2FFFF;
	_ =	strace $0x9FFFFFFF  }
0xc1: {  	(tm) =	ssettm $0x7FFFFFFF  }
tec
execute0_lowered:
.L_overlay_start_1:
0x0: {  	(tag) =	ssettag $0x1  }
0x1: {  	s0 =	srdreg.scid  }
0x2: {  	s3 =	sand.u32 $0x1, s0  }
0x3: {  	s4 =	rddreg [dreg:$0x0];
	s0 =	stileid.u32;
	s1 =	sshll.u32 s3, $0x4  }
0x4: {  	s2 =	simm.s32 $0x0;
	s8 =	simm.s32 $0x1;
	s1 =	sor.u32 s0, s1  }
0x5: {  	s9 =	simm.s32 $0x2780;
	s10 =	simm.s32 $0x0;
	s5 =	sshrl.u32 s1, $0x3  }
0x6: {  	[smem:$0x7FF] =	sst s2;
	s7 =	sshll.u32 s0, $0x7;
	s6 =	smul.u32 $0x13C00, s5  }
0x7: {  	s3 =	ssub.s32 $0x2, s3;
	s7 =	sand.u32 $0x380, s7;
	s5 =	smul.u32 $0x14000, s5  }
0x8: {  	s31 =	sshrl.u32 s3, $0x1;
	s1 =	rddreg [dreg:$0x1];
	s6 =	sor.u32 s7, s6  }
0x9: {  	_ =	strace $0x80000047;
	s5 =	sor.u32 s7, s5;
	s6 =	sshrl.u32 s6, $0x3  }
0xa: {  	s7 =	simm.s32 $0x400;
	s5 =	sshrl.u32 s5, $0x3;
	s6 =	sadd.s32 s6, s4  }
0xb: {  	s4 =	sadd.s32 s5, s4;
	s5 =	ssub.s32 s3, s31;
	s3 =	sadd.s32 $0x3200, s6  }
0xc: {  	v0 =	vimm.f32 $0.0e+00;
	v1 =	vimm.f32 $1.000000000e+00;
	s4 =	sadd.s32 $0xD000, s4;
	s5 =	smax.u32 s5, $0x1;
	s6 =	simm.s32 $0x80  }
.LBB2_1:
0xd: {  	[tilespmem:s2], [sflag:$0x1] =	stream.strided.gather [hbm4b:s3+s6], $0x2780, s7, s6, $0x38;
	[tilespmem:$0x4F80] =	vst v63  }
0xe: {  	_ =	swait.ge [sflag:s8], $0x2780  }
0xf: {  	[sflag:s8] =	ssyncset.done $0x0  }
0x10: {  	s11 =	simm.s32 $0x0;
	[sflag:s8] =	ssyncadd.s32 $0xFFFFD880  }
.LBB2_2:
0x11: {  	p0 =	sne.s32 s11, $0x9FC0  }
.Ltmp0:
0x12: {  	_ = 	snop;
	(pc) =	sbr.rel @p0 .LBB2_2-.Ltmp0, $3  }
0x13: {  	_ =	sdelay $0x1  }
0x14: {  	s12 =	sshra.s32 s11, $0x2  }
0x15: {  	s11 =	sadd.s32 $0x40, s11;
	[tilespmem:s12+$0x2780] =	vst v0  }
0x16: {  	s12 =	simm.s32 $0x0;
	s11 =	simm.s32 $0x40  }
.LBB2_4:
0x17: {  	p0 =	sne.s32 s11, $0x9C00;
	v2 =	vld [tilespmem:s12+$0x0];
	_ =	sdelay $0x3  }
.Ltmp1:
0x18: {  	(pc) =	sbr.rel @p0 .LBB2_4-.Ltmp1, $2  }
0x19: {  	_ =	sdelay $0x2  }
0x1a: {  	s12 =	sshra.s32 s11, $0x2;
	s11 =	sadd.s32 $0x40, s11;
	[tilespmem:v2+s9+$0x0] =	vst.idx.add.f32.msk $0xffff, v1  }
0x1b: {  	v2 =	vld [tilespmem:s12+$0x0];
	_ =	sdelay $0x5  }
0x1c: {  	s10 =	sadd.s32 $0x1, s10  }
0x1d: {  	p0 =	sne.s32 s10, s5  }
.Ltmp2:
0x1e: {  	[tilespmem:v2+s9+$0x0] =	vst.idx.add.f32.msk $0xffff, v1;
	(pc) =	sbr.rel @p0 .LBB2_1-.Ltmp2, $4  }
0x1f: {  	[hbm4b:s4+s6] =	stream.strided.scatter [tilespmem:s9], [sflag:$0x1], $0x2800, s7, s6, $0x38;
	[tilespmem:$0x4F80] =	vst v63  }
0x20: {  	_ =	swait.ge [sflag:s8], $0x2800  }
0x21: {  	[sflag:s8] =	ssyncset.done $0x0  }
0x22: {  	[sflag:s8] =	ssyncadd.s32 $0xFFFFD800  }
0x23: {  	_ =	sfence.sel $0x180000  }
0x24: {  	[bflag:$0x0] =	sbarrier.arrive $0xFFFF  }
0x25: {  	p0 =	sne.s32 s0, $0x0;
	_ =	strace $0x90000047  }
0x26: {  	s0 =	sadd.s32 @!p0 $0x100000, s1;
	[bflag:$0x2] =	sbarrier.arrive $0xFFFF  }
0x27: {  	[sflag:s0] =	ssyncadd.tile.s32 @!p0 $0x1;
	_ =	shalt  }
.Lfunc_end2:
_tile_overlayer_lowered:
.L_overlay_start_2:
0x28: {  	(tag) =	ssettag $0x2  }
0x29: {  	s0 =	rddreg [dreg:$0x0];
	s2 =	stileid.u32  }
0x2a: {  	s1 =	rddreg [dreg:$0x1];
	p0 =	sne.s32 s2, $0x0  }
0x2b: {  	s3 =	rddreg [dreg:$0x2];
	[bflag:$0x3] =	sbarrier.arrive $0xFFFF;
	s2 =	simm.s32 @!p0 $0x1C01  }
0x2c: {  	[timem:s3], [sflag:s2] =	dma.local @!p0 [hbm:s0], s1  }
0x2d: {  	s0 =	simm.s32 @!p0 $0x1  }
0x2e: {  	_ =	swait.ge @!p0 [sflag:s0], s1  }
0x2f: {  	s1 =	ssub.s32 @!p0 $0x0, s1;
	[sflag:s0] =	ssyncset.done @!p0 $0x0  }
0x30: {  	[sflag:s0] =	ssyncadd.s32 @!p0 s1  }
0x31: {  	[bflag:$0x3] =	sbarrier.arrive $0xFFFF  }
0x32: {  	_ =	shalt  }

</sc_bundles>
